<compile_context>
chip_gen: v7x
topology: tpu7x:2x2x1
jax: 0.10.2.dev20260603
libtpu: 0.0.44.dev20260713+nightly
codegen_flags: <defaults>
</compile_context>

<pallas_src>
import functools

import jax
import jax.numpy as jnp
from jax import lax
from jax.experimental import pallas as pl
from jax.experimental.pallas import tpu as pltpu
from jax.experimental.pallas import tpu_sc as plsc

_NC = 2
_NS = 16
_NW = _NC * _NS

_WPAD = 12



def _enc_body(x_ref, Wn_ref, bn_ref, Wl_ref, bl_ref, Wr_ref, br_ref,
              xl_ref, xr_ref):
    h = jnp.maximum(x_ref[...] @ Wn_ref[...] + bn_ref[...], 0.0)

    def pack(v):
        half = v.shape[1] // 2
        lo = v[:, :half].astype(jnp.bfloat16).astype(jnp.float32)
        hi = v[:, half:].astype(jnp.bfloat16).astype(jnp.float32)
        lo_u = jax.lax.bitcast_convert_type(lo, jnp.uint32) >> 16
        hi_u = jax.lax.bitcast_convert_type(hi, jnp.uint32) & jnp.uint32(
            0xFFFF0000)
        return lo_u | hi_u

    xl_ref[...] = pack(h @ Wl_ref[...] + bl_ref[...])
    xr_ref[...] = pack(h @ Wr_ref[...] + br_ref[...])


def _node_encode(x, Wn, bn, Wl, bl, Wr, br):
    N, F = x.shape
    HH = Wl.shape[1]
    BN = 2000
    grid = (N // BN,)
    return pl.pallas_call(
        _enc_body,
        grid=grid,
        in_specs=[
            pl.BlockSpec((BN, F), lambda i: (i, 0)),
            pl.BlockSpec(Wn.shape, lambda i: (0, 0)),
            pl.BlockSpec((1, bn.shape[1]), lambda i: (0, 0)),
            pl.BlockSpec(Wl.shape, lambda i: (0, 0)),
            pl.BlockSpec((1, bl.shape[1]), lambda i: (0, 0)),
            pl.BlockSpec(Wr.shape, lambda i: (0, 0)),
            pl.BlockSpec((1, br.shape[1]), lambda i: (0, 0)),
        ],
        out_specs=[
            pl.BlockSpec((BN, HH // 2), lambda i: (i, 0)),
            pl.BlockSpec((BN, HH // 2), lambda i: (i, 0)),
        ],
        out_shape=[
            jax.ShapeDtypeStruct((N, HH // 2), jnp.uint32),
            jax.ShapeDtypeStruct((N, HH // 2), jnp.uint32),
        ],
    )(x, Wn, bn, Wl, bl, Wr, br)



def _sc_gather_pair(xl, xr, src, dst):
    N, D = xl.shape
    E = src.shape[0]
    per_w = E // _NW
    C = next(c for c in (80, 40, 16, 8) if per_w % c == 0)
    steps = per_w // C
    main_steps = steps - (steps % 2)

    mesh = plsc.VectorSubcoreMesh(core_axis_name="c", subcore_axis_name="s")

    @functools.partial(
        pl.kernel,
        mesh=mesh,
        out_type=[
            jax.ShapeDtypeStruct((E, D), xl.dtype),
            jax.ShapeDtypeStruct((E, D), xr.dtype),
        ],
        scratch_types=[
            pltpu.VMEM((per_w,), jnp.int32),
            pltpu.VMEM((2, C, D), xl.dtype),
            pltpu.SemaphoreType.DMA((2,)),
            pltpu.SemaphoreType.DMA((2,)),
            pltpu.SemaphoreType.DMA,
        ],
    )
    def k(xl_hbm, xr_hbm, src_hbm, dst_hbm, gl_hbm, gr_hbm,
          idx_v, rows_v, gsem, osem, isem):
        wid = lax.axis_index("s") * _NC + lax.axis_index("c")
        base = wid * per_w

        def one_table(table_hbm, idx_hbm, out_hbm):
            pltpu.async_copy(idx_hbm.at[pl.ds(base, per_w)], idx_v, isem).wait()

            def gather(g, b):
                return pltpu.make_async_copy(
                    table_hbm.at[idx_v.at[pl.ds(g * C, C)]],
                    rows_v.at[b], gsem.at[b])

            def out_copy(g, b):
                return pltpu.make_async_copy(
                    rows_v.at[b], out_hbm.at[pl.ds(base + g * C, C)],
                    osem.at[b])

            gather(0, 0).start()

            @pl.loop(0, main_steps, step=2)
            def _(g0):
                for b in range(2):
                    g = g0 + b
                    nb = 1 - b
                    gather(g, b).wait()

                    @pl.when(g + 1 < steps)
                    def _():
                        @pl.when(g >= 1)
                        def _():
                            out_copy(g - 1, nb).wait()
                        gather(g + 1, nb).start()

                    out_copy(g, b).start()

            if steps % 2 == 1:
                gather(steps - 1, (steps - 1) % 2).wait()
                out_copy(steps - 1, (steps - 1) % 2).start()
            out_copy(steps - 2, (steps - 2) % 2).wait()
            out_copy(steps - 1, (steps - 1) % 2).wait()

        one_table(xl_hbm, src_hbm, gl_hbm)
        one_table(xr_hbm, dst_hbm, gr_hbm)

    return k(xl, xr, src, dst)



def _unpack_bf16_pair(p):
    lo = jax.lax.bitcast_convert_type(p << 16, jnp.float32)
    hi = jax.lax.bitcast_convert_type(p & jnp.uint32(0xFFFF0000), jnp.float32)
    return lo, hi


def _logit_body(gl_ref, gr_ref, ea_ref, We_ref, be_ref, Wed_ref, attbd_ref,
                w_ref):
    ea = jnp.maximum(ea_ref[...] @ We_ref[...] + be_ref[...], 0.0)
    ep = ea @ Wed_ref[...]
    gla, glb = _unpack_bf16_pair(gl_ref[...])
    gra, grb = _unpack_bf16_pair(gr_ref[...])
    HALF = gla.shape[1]
    attbd = attbd_ref[...]
    m_lo = gla + gra + ep[:, :HALF]
    m_hi = glb + grb + ep[:, HALF:]
    s_lo = jnp.where(m_lo >= 0, m_lo, 0.2 * m_lo)
    s_hi = jnp.where(m_hi >= 0, m_hi, 0.2 * m_hi)
    expl = jnp.exp(s_lo @ attbd[:HALF] + s_hi @ attbd[HALF:])
    H = expl.shape[1]
    HID = 2 * HALF // H
    gl_heads = ([gla[:, h * HID:(h + 1) * HID] for h in range(H // 2)]
                + [glb[:, h * HID:(h + 1) * HID] for h in range(H // 2)])
    w_ref[...] = jnp.concatenate(
        [expl[:, h:h + 1] * gl_heads[h] for h in range(H)]
        + [expl, jnp.zeros((gla.shape[0], _WPAD), jnp.float32)],
        axis=1)


def _edge_weights(gl, gr, edge_attr, We, be, Wed, att_bd):
    E = gl.shape[0]
    HH = att_bd.shape[0]
    FE = edge_attr.shape[1]
    H = att_bd.shape[1]
    BE = 2000
    grid = (E // BE,)
    return pl.pallas_call(
        _logit_body,
        grid=grid,
        in_specs=[
            pl.BlockSpec((BE, HH // 2), lambda i: (i, 0)),
            pl.BlockSpec((BE, HH // 2), lambda i: (i, 0)),
            pl.BlockSpec((BE, FE), lambda i: (i, 0)),
            pl.BlockSpec(We.shape, lambda i: (0, 0)),
            pl.BlockSpec((1, be.shape[1]), lambda i: (0, 0)),
            pl.BlockSpec(Wed.shape, lambda i: (0, 0)),
            pl.BlockSpec(att_bd.shape, lambda i: (0, 0)),
        ],
        out_specs=pl.BlockSpec((BE, HH + H + _WPAD), lambda i: (i, 0)),
        out_shape=jax.ShapeDtypeStruct((E, HH + H + _WPAD), jnp.float32),
    )(gl, gr, edge_attr, We, be, Wed, att_bd)



def _dec_body(aggw_ref, bc_ref, Wd1_ref, bd1_ref, Wd2_ref, bd2_ref, out_ref):
    aggw = aggw_ref[...]
    HH = Wd1_ref.shape[0]
    H = aggw.shape[1] - HH - _WPAD
    HID = HH // H
    den = aggw[:, HH:HH + H]
    c = jnp.concatenate(
        [aggw[:, h * HID:(h + 1) * HID] / (den[:, h:h + 1] + 1e-16)
         for h in range(H)], axis=1) + bc_ref[...]
    d = jnp.maximum(c @ Wd1_ref[...] + bd1_ref[...], 0.0)
    out_ref[...] = d @ Wd2_ref[...] + bd2_ref[...]


def _decode(aggw, bias_conv, Wd1, bd1, Wd2, bd2):
    N, W = aggw.shape
    HH = Wd1.shape[0]
    OUT = Wd2.shape[1]
    BN = 2000
    grid = (N // BN,)
    return pl.pallas_call(
        _dec_body,
        grid=grid,
        in_specs=[
            pl.BlockSpec((BN, W), lambda i: (i, 0)),
            pl.BlockSpec((1, HH), lambda i: (0, 0)),
            pl.BlockSpec(Wd1.shape, lambda i: (0, 0)),
            pl.BlockSpec((1, bd1.shape[1]), lambda i: (0, 0)),
            pl.BlockSpec(Wd2.shape, lambda i: (0, 0)),
            pl.BlockSpec((1, bd2.shape[1]), lambda i: (0, 0)),
        ],
        out_specs=pl.BlockSpec((BN, OUT), lambda i: (i, 0)),
        out_shape=jax.ShapeDtypeStruct((N, OUT), jnp.float32),
    )(aggw, bias_conv, Wd1, bd1, Wd2, bd2)



def kernel(x, edge_index, edge_attr, Wn, bn, We, be, Wl, bl, Wr, br, Wed,
           att, bias_conv, Wd1, bd1, Wd2, bd2):
    N = x.shape[0]
    E = edge_index.shape[1]
    HEADS, HID = att.shape
    HH = HEADS * HID

    src = edge_index[0]
    dst = edge_index[1]

    att_bd = jnp.zeros((HH, HEADS), jnp.float32)
    for h in range(HEADS):
        att_bd = att_bd.at[h * HID:(h + 1) * HID, h].set(att[h])

    xl, xr = _node_encode(x, Wn, bn.reshape(1, -1), Wl, bl.reshape(1, -1),
                          Wr, br.reshape(1, -1))

    gl, gr = _sc_gather_pair(xl, xr, src, dst)

    w = _edge_weights(gl, gr, edge_attr, We, be.reshape(1, -1), Wed, att_bd)

    aggw = jax.ops.segment_sum(w, dst, num_segments=N)

    return _decode(aggw, bias_conv.reshape(1, -1), Wd1,
                   bd1.reshape(1, -1), Wd2, bd2.reshape(1, -1))

# --- scband reference (transcript-rebuilt; emitter-appended) ---
"""Pipeline reference for scband-agfmodule-66383014527241 (READ-ONLY COPY).

The authoritative reference and input builder live on the scoring server;
editing this copy changes nothing except your own understanding.
"""

import jax, jax.numpy as jnp
import numpy as np

N = 10000
E = 320000
F_NODE = 128
F_EDGE = 16
HID = 128
HEADS = 4
OUT = 6


def setup_inputs(seed: int = 0) -> dict:
    key = jax.random.key(seed)
    ks = jax.random.split(key, 12)
    p = lambda k, s: jax.random.normal(k, s, dtype=jnp.float32) * 0.05
    return {
        "x": jax.random.normal(ks[0], (N, F_NODE), dtype=jnp.float32),
        "edge_index": jax.random.randint(ks[1], (2, E), 0, N, dtype=jnp.int32),
        "edge_attr": jax.random.normal(ks[2], (E, F_EDGE), dtype=jnp.float32),
        "Wn": p(ks[3], (F_NODE, HID)), "bn": jnp.zeros((HID,), jnp.float32),
        "We": p(ks[4], (F_EDGE, HID)), "be": jnp.zeros((HID,), jnp.float32),
        "Wl": p(ks[5], (HID, HEADS * HID)), "bl": jnp.zeros((HEADS * HID,), jnp.float32),
        "Wr": p(ks[6], (HID, HEADS * HID)), "br": jnp.zeros((HEADS * HID,), jnp.float32),
        "Wed": p(ks[7], (HID, HEADS * HID)),
        "att": p(ks[8], (HEADS, HID)),
        "bias_conv": jnp.zeros((HEADS * HID,), jnp.float32),
        "Wd1": p(ks[9], (HEADS * HID, HID)), "bd1": jnp.zeros((HID,), jnp.float32),
        "Wd2": p(ks[10], (HID, OUT)), "bd2": jnp.zeros((OUT,), jnp.float32),
    }


def reference(x, edge_index, edge_attr, Wn, bn, We, be, Wl, bl, Wr, br, Wed, att, bias_conv, Wd1, bd1, Wd2, bd2):
    # node_encoder / edge_encoder (Linear + ReLU)
    h = jax.nn.relu(x @ Wn + bn)
    ea = jax.nn.relu(edge_attr @ We + be)
    src = edge_index[0]
    dst = edge_index[1]
    # EdgeGATv2Conv (GATv2 with edge features, heads=4, concat, no self loops)
    xl = (h @ Wl + bl).reshape(N, HEADS, HID)   # source transform (lin_l)
    xr = (h @ Wr + br).reshape(N, HEADS, HID)   # target transform (lin_r)
    eproj = (ea @ Wed).reshape(E, HEADS, HID)   # lin_edge (bias=False in PyG)
    m = xl[src] + xr[dst] + eproj
    s = jax.nn.leaky_relu(m, negative_slope=0.2)
    logit = jnp.einsum("ehc,hc->eh", s, att)
    # segment softmax over incoming edges of each dst node
    mx = jax.ops.segment_max(logit, dst, num_segments=N)
    alpha = jnp.exp(logit - mx[dst])
    den = jax.ops.segment_sum(alpha, dst, num_segments=N)
    alpha = alpha / (den[dst] + 1e-16)
    agg = jax.ops.segment_sum(alpha[:, :, None] * xl[src], dst, num_segments=N)
    conv_out = agg.reshape(N, HEADS * HID) + bias_conv
    # decoder (mode='train' -> no sigmoid)
    d = jax.nn.relu(conv_out @ Wd1 + bd1)
    pred = d @ Wd2 + bd2
    return pred

if __name__ == "__main__":
    import jax
    _d = setup_inputs()
    print(jax.jit(kernel)(*tuple(_d.values())))

</pallas_src>

<mosaic_0001>
#map = affine_map<(d0, d1) -> (0, 0)>
#map1 = affine_map<(d0, d1) -> (0)>
module attributes {stable_mosaic.version = 14 : i64} {
  func.func @k(%arg0: i32, %arg1: i32, %arg2: memref<10000x256xi32, #tpu.memory_space<hbm>>, %arg3: memref<10000x256xi32, #tpu.memory_space<hbm>>, %arg4: memref<320000xi32, #tpu.memory_space<hbm>>, %arg5: memref<320000xi32, #tpu.memory_space<hbm>>, %arg6: memref<320000x256xi32, #tpu.memory_space<hbm>>, %arg7: memref<320000x256xi32, #tpu.memory_space<hbm>>, %arg8: memref<10000xi32, #tpu.memory_space<vmem>>, %arg9: memref<2x80x256xi32, #tpu.memory_space<vmem>>, %arg10: memref<2x!tpu.dma_semaphore, #tpu.memory_space<semaphore_mem>>, %arg11: memref<2x!tpu.dma_semaphore, #tpu.memory_space<semaphore_mem>>, %arg12: memref<!tpu.dma_semaphore, #tpu.memory_space<semaphore_mem>>) attributes {dimension_semantics = [#tpu.dimension_semantics<core_parallel>, #tpu.dimension_semantics<subcore_parallel>], iteration_bounds = array<i64: 2, 16>, scalar_prefetch = 0 : i64, scratch_operands = 5 : i64, tpu.core_type = #tpu.core_type<sc_vector_subcore>, window_params = [{transform_indices = #map}, {transform_indices = #map}, {transform_indices = #map1}, {transform_indices = #map1}, {transform_indices = #map}, {transform_indices = #map}]} {
    %mul3A = arith.constant 2 : i32
    %mul3A_0 = arith.muli %arg1, %mul3A : i32
    %add3A = arith.addi %mul3A_0, %arg0 : i32
    %mul3A_1 = arith.constant 10000 : i32
    %mul3A_2 = arith.muli %add3A, %mul3A_1 : i32
    %dma_start3A = tpu.memref_slice %arg4[%mul3A_2] : memref<320000xi32, #tpu.memory_space<hbm>> -> memref<10000xi32, #tpu.memory_space<hbm>>
    %dma_start3A_3 = tpu.memref_slice %arg4[%mul3A_2] : memref<320000xi32, #tpu.memory_space<hbm>> -> memref<10000xi32, #tpu.memory_space<hbm>>
    tpu.enqueue_dma source(%dma_start3A_3 : memref<10000xi32, #tpu.memory_space<hbm>>) target(%arg8 : memref<10000xi32, #tpu.memory_space<vmem>>) target_semaphore(%arg12 : memref<!tpu.dma_semaphore, #tpu.memory_space<semaphore_mem>>)
    %dma_wait3A = tpu.memref_slice %arg4[%mul3A_2] : memref<320000xi32, #tpu.memory_space<hbm>> -> memref<10000xi32, #tpu.memory_space<hbm>>
    %dma_wait3A_4 = tpu.memref_slice %arg4[%mul3A_2] : memref<320000xi32, #tpu.memory_space<hbm>> -> memref<10000xi32, #tpu.memory_space<hbm>>
    tpu.wait_dma2 semaphore(%arg12 : memref<!tpu.dma_semaphore, #tpu.memory_space<semaphore_mem>>) src(%dma_wait3A_4 : memref<10000xi32, #tpu.memory_space<hbm>>) dst(%arg8 : memref<10000xi32, #tpu.memory_space<vmem>>)
    %dma_start3A_5 = arith.constant 0 : i32
    %dma_start3A_6 = arith.constant 0 : i32
    %dma_start3A_7 = arith.constant 0 : i32
    %dma_start3A_8 = arith.constant 0 : i32
    %dma_start3A_9 = tpu.memref_slice %arg9[%dma_start3A_5, %dma_start3A_7, %dma_start3A_8] : memref<2x80x256xi32, #tpu.memory_space<vmem>> -> memref<1x80x256xi32, #tpu.memory_space<vmem>>
    %dma_start3A_10 = tpu.memref_squeeze %dma_start3A_9 : memref<1x80x256xi32, #tpu.memory_space<vmem>> -> memref<80x256xi32, #tpu.memory_space<vmem>>
    %dma_start3A_11 = arith.constant 0 : i32
    %dma_start3A_12 = tpu.memref_slice %arg8[%dma_start3A_11] : memref<10000xi32, #tpu.memory_space<vmem>> -> memref<80xi32, #tpu.memory_space<vmem>>
    %dma_start3A_13 = arith.constant 0 : i32
    %dma_start3A_14 = arith.constant 0 : i32
    %dma_start3A_15 = tpu.memref_slice %arg2[%dma_start3A_13, %dma_start3A_14] : memref<10000x256xi32, #tpu.memory_space<hbm>> -> memref<10000x256xi32, #tpu.memory_space<hbm>>
    %dma_start3A_16 = tpu.memref_slice %arg10[%dma_start3A_6] : memref<2x!tpu.dma_semaphore, #tpu.memory_space<semaphore_mem>> -> memref<1x!tpu.dma_semaphore, #tpu.memory_space<semaphore_mem>>
    %dma_start3A_17 = tpu.memref_squeeze %dma_start3A_16 : memref<1x!tpu.dma_semaphore, #tpu.memory_space<semaphore_mem>> -> memref<!tpu.dma_semaphore, #tpu.memory_space<semaphore_mem>>
    tpu.enqueue_indirect_dma source(%dma_start3A_15 : memref<10000x256xi32, #tpu.memory_space<hbm>>) target(%dma_start3A_10 : memref<80x256xi32, #tpu.memory_space<vmem>>) offsets(%dma_start3A_12 : memref<80xi32, #tpu.memory_space<vmem>>) semaphore(%dma_start3A_17 : memref<!tpu.dma_semaphore, #tpu.memory_space<semaphore_mem>>)
    %scan3A = arith.constant 0 : i32
    %scan3A_18 = arith.constant 62 : i32
    %scan3A_19 = arith.addi %scan3A, %scan3A_18 : i32
    %scan3A_20 = arith.constant 1 : i32
    scf.for %scan3A_178 = %scan3A to %scan3A_19 step %scan3A_20  : i32 {
      %mul3A_179 = arith.constant 2 : i32
      %mul3A_180 = arith.muli %scan3A_178, %mul3A_179 : i32
      %add3A_181 = arith.constant 0 : i32
      %add3A_182 = arith.addi %add3A_181, %mul3A_180 : i32
      %add3A_183 = arith.constant 0 : i32
      %add3A_184 = arith.addi %add3A_182, %add3A_183 : i32
      %mul3A_185 = arith.constant 80 : i32
      %mul3A_186 = arith.muli %add3A_184, %mul3A_185 : i32
      %dma_wait3A_187 = arith.constant 0 : i32
      %dma_wait3A_188 = arith.constant 0 : i32
      %dma_wait3A_189 = arith.constant 0 : i32
      %dma_wait3A_190 = arith.constant 0 : i32
      %dma_wait3A_191 = tpu.memref_slice %arg9[%dma_wait3A_187, %dma_wait3A_189, %dma_wait3A_190] : memref<2x80x256xi32, #tpu.memory_space<vmem>> -> memref<1x80x256xi32, #tpu.memory_space<vmem>>
      %dma_wait3A_192 = tpu.memref_squeeze %dma_wait3A_191 : memref<1x80x256xi32, #tpu.memory_space<vmem>> -> memref<80x256xi32, #tpu.memory_space<vmem>>
      %dma_wait3A_193 = tpu.memref_slice %arg8[%mul3A_186] : memref<10000xi32, #tpu.memory_space<vmem>> -> memref<80xi32, #tpu.memory_space<vmem>>
      %dma_wait3A_194 = arith.constant 0 : i32
      %dma_wait3A_195 = arith.constant 0 : i32
      %dma_wait3A_196 = tpu.memref_slice %arg2[%dma_wait3A_194, %dma_wait3A_195] : memref<10000x256xi32, #tpu.memory_space<hbm>> -> memref<10000x256xi32, #tpu.memory_space<hbm>>
      %dma_wait3A_197 = tpu.memref_slice %arg10[%dma_wait3A_188] : memref<2x!tpu.dma_semaphore, #tpu.memory_space<semaphore_mem>> -> memref<1x!tpu.dma_semaphore, #tpu.memory_space<semaphore_mem>>
      %dma_wait3A_198 = tpu.memref_squeeze %dma_wait3A_197 : memref<1x!tpu.dma_semaphore, #tpu.memory_space<semaphore_mem>> -> memref<!tpu.dma_semaphore, #tpu.memory_space<semaphore_mem>>
      tpu.wait_indirect_dma semaphore(%dma_wait3A_198 : memref<!tpu.dma_semaphore, #tpu.memory_space<semaphore_mem>>) src(%dma_wait3A_196 : memref<10000x256xi32, #tpu.memory_space<hbm>>) dst(%dma_wait3A_192 : memref<80x256xi32, #tpu.memory_space<vmem>>)
      %add3A_199 = arith.constant 1 : i32
      %add3A_200 = arith.addi %add3A_184, %add3A_199 : i32
      %lt3A = arith.constant 125 : i32
      %lt3A_201 = arith.cmpi slt, %add3A_200, %lt3A : i32
      %convert_element_type3A = arith.extui %lt3A_201 : i1 to i32
      %cond3A = arith.constant 0 : i32
      %cond3A_202 = arith.cmpi ne, %convert_element_type3A, %cond3A : i32
      scf.if %cond3A_202 {
        %ge3A = arith.constant 1 : i32
        %ge3A_264 = arith.cmpi sge, %add3A_184, %ge3A : i32
        %convert_element_type3A_265 = arith.extui %ge3A_264 : i1 to i32
        %cond3A_266 = arith.constant 0 : i32
        %cond3A_267 = arith.cmpi ne, %convert_element_type3A_265, %cond3A_266 : i32
        scf.if %cond3A_267 {
          %sub3A = arith.constant 1 : i32
          %sub3A_284 = arith.subi %add3A_184, %sub3A : i32
          %mul3A_285 = arith.constant 80 : i32
          %mul3A_286 = arith.muli %sub3A_284, %mul3A_285 : i32
          %add3A_287 = arith.addi %mul3A_2, %mul3A_286 : i32
          %dma_wait3A_288 = arith.constant 1 : i32
          %dma_wait3A_289 = arith.constant 1 : i32
          %dma_wait3A_290 = arith.constant 0 : i32
          %dma_wait3A_291 = arith.constant 0 : i32
          %dma_wait3A_292 = tpu.memref_slice %arg9[%dma_wait3A_288, %dma_wait3A_290, %dma_wait3A_291] : memref<2x80x256xi32, #tpu.memory_space<vmem>> -> memref<1x80x256xi32, #tpu.memory_space<vmem>>
          %dma_wait3A_293 = tpu.memref_squeeze %dma_wait3A_292 : memref<1x80x256xi32, #tpu.memory_space<vmem>> -> memref<80x256xi32, #tpu.memory_space<vmem>>
          %dma_wait3A_294 = arith.constant 0 : i32
          %dma_wait3A_295 = tpu.memref_slice %arg6[%add3A_287, %dma_wait3A_294] : memref<320000x256xi32, #tpu.memory_space<hbm>> -> memref<80x256xi32, #tpu.memory_space<hbm>>
          %dma_wait3A_296 = tpu.memref_slice %arg11[%dma_wait3A_289] : memref<2x!tpu.dma_semaphore, #tpu.memory_space<semaphore_mem>> -> memref<1x!tpu.dma_semaphore, #tpu.memory_space<semaphore_mem>>
          %dma_wait3A_297 = tpu.memref_squeeze %dma_wait3A_296 : memref<1x!tpu.dma_semaphore, #tpu.memory_space<semaphore_mem>> -> memref<!tpu.dma_semaphore, #tpu.memory_space<semaphore_mem>>
          %dma_wait3A_298 = arith.constant 0 : i32
          %dma_wait3A_299 = tpu.memref_slice %arg6[%add3A_287, %dma_wait3A_298] : memref<320000x256xi32, #tpu.memory_space<hbm>> -> memref<80x256xi32, #tpu.memory_space<hbm>>
          %dma_wait3A_300 = arith.constant 0 : i32
          %dma_wait3A_301 = arith.constant 0 : i32
          %dma_wait3A_302 = tpu.memref_slice %arg9[%dma_wait3A_288, %dma_wait3A_300, %dma_wait3A_301] : memref<2x80x256xi32, #tpu.memory_space<vmem>> -> memref<1x80x256xi32, #tpu.memory_space<vmem>>
          %dma_wait3A_303 = tpu.memref_squeeze %dma_wait3A_302 : memref<1x80x256xi32, #tpu.memory_space<vmem>> -> memref<80x256xi32, #tpu.memory_space<vmem>>
          tpu.wait_dma2 semaphore(%dma_wait3A_297 : memref<!tpu.dma_semaphore, #tpu.memory_space<semaphore_mem>>) src(%dma_wait3A_303 : memref<80x256xi32, #tpu.memory_space<vmem>>) dst(%dma_wait3A_299 : memref<80x256xi32, #tpu.memory_space<hbm>>)
        } else {
        }
        %add3A_268 = arith.constant 1 : i32
        %add3A_269 = arith.addi %add3A_184, %add3A_268 : i32
        %mul3A_270 = arith.constant 80 : i32
        %mul3A_271 = arith.muli %add3A_269, %mul3A_270 : i32
        %dma_start3A_272 = arith.constant 1 : i32
        %dma_start3A_273 = arith.constant 1 : i32
        %dma_start3A_274 = arith.constant 0 : i32
        %dma_start3A_275 = arith.constant 0 : i32
        %dma_start3A_276 = tpu.memref_slice %arg9[%dma_start3A_272, %dma_start3A_274, %dma_start3A_275] : memref<2x80x256xi32, #tpu.memory_space<vmem>> -> memref<1x80x256xi32, #tpu.memory_space<vmem>>
        %dma_start3A_277 = tpu.memref_squeeze %dma_start3A_276 : memref<1x80x256xi32, #tpu.memory_space<vmem>> -> memref<80x256xi32, #tpu.memory_space<vmem>>
        %dma_start3A_278 = tpu.memref_slice %arg8[%mul3A_271] : memref<10000xi32, #tpu.memory_space<vmem>> -> memref<80xi32, #tpu.memory_space<vmem>>
        %dma_start3A_279 = arith.constant 0 : i32
        %dma_start3A_280 = arith.constant 0 : i32
        %dma_start3A_281 = tpu.memref_slice %arg2[%dma_start3A_279, %dma_start3A_280] : memref<10000x256xi32, #tpu.memory_space<hbm>> -> memref<10000x256xi32, #tpu.memory_space<hbm>>
        %dma_start3A_282 = tpu.memref_slice %arg10[%dma_start3A_273] : memref<2x!tpu.dma_semaphore, #tpu.memory_space<semaphore_mem>> -> memref<1x!tpu.dma_semaphore, #tpu.memory_space<semaphore_mem>>
        %dma_start3A_283 = tpu.memref_squeeze %dma_start3A_282 : memref<1x!tpu.dma_semaphore, #tpu.memory_space<semaphore_mem>> -> memref<!tpu.dma_semaphore, #tpu.memory_space<semaphore_mem>>
        tpu.enqueue_indirect_dma source(%dma_start3A_281 : memref<10000x256xi32, #tpu.memory_space<hbm>>) target(%dma_start3A_277 : memref<80x256xi32, #tpu.memory_space<vmem>>) offsets(%dma_start3A_278 : memref<80xi32, #tpu.memory_space<vmem>>) semaphore(%dma_start3A_283 : memref<!tpu.dma_semaphore, #tpu.memory_space<semaphore_mem>>)
      } else {
      }
      %mul3A_203 = arith.constant 80 : i32
      %mul3A_204 = arith.muli %add3A_184, %mul3A_203 : i32
      %add3A_205 = arith.addi %mul3A_2, %mul3A_204 : i32
      %dma_start3A_206 = arith.constant 0 : i32
      %dma_start3A_207 = arith.constant 0 : i32
      %dma_start3A_208 = arith.constant 0 : i32
      %dma_start3A_209 = arith.constant 0 : i32
      %dma_start3A_210 = tpu.memref_slice %arg9[%dma_start3A_206, %dma_start3A_208, %dma_start3A_209] : memref<2x80x256xi32, #tpu.memory_space<vmem>> -> memref<1x80x256xi32, #tpu.memory_space<vmem>>
      %dma_start3A_211 = tpu.memref_squeeze %dma_start3A_210 : memref<1x80x256xi32, #tpu.memory_space<vmem>> -> memref<80x256xi32, #tpu.memory_space<vmem>>
      %dma_start3A_212 = arith.constant 0 : i32
      %dma_start3A_213 = tpu.memref_slice %arg6[%add3A_205, %dma_start3A_212] : memref<320000x256xi32, #tpu.memory_space<hbm>> -> memref<80x256xi32, #tpu.memory_space<hbm>>
      %dma_start3A_214 = tpu.memref_slice %arg11[%dma_start3A_207] : memref<2x!tpu.dma_semaphore, #tpu.memory_space<semaphore_mem>> -> memref<1x!tpu.dma_semaphore, #tpu.memory_space<semaphore_mem>>
      %dma_start3A_215 = tpu.memref_squeeze %dma_start3A_214 : memref<1x!tpu.dma_semaphore, #tpu.memory_space<semaphore_mem>> -> memref<!tpu.dma_semaphore, #tpu.memory_space<semaphore_mem>>
      %dma_start3A_216 = arith.constant 0 : i32
      %dma_start3A_217 = tpu.memref_slice %arg6[%add3A_205, %dma_start3A_216] : memref<320000x256xi32, #tpu.memory_space<hbm>> -> memref<80x256xi32, #tpu.memory_space<hbm>>
      %dma_start3A_218 = arith.constant 0 : i32
      %dma_start3A_219 = arith.constant 0 : i32
      %dma_start3A_220 = tpu.memref_slice %arg9[%dma_start3A_206, %dma_start3A_218, %dma_start3A_219] : memref<2x80x256xi32, #tpu.memory_space<vmem>> -> memref<1x80x256xi32, #tpu.memory_space<vmem>>
      %dma_start3A_221 = tpu.memref_squeeze %dma_start3A_220 : memref<1x80x256xi32, #tpu.memory_space<vmem>> -> memref<80x256xi32, #tpu.memory_space<vmem>>
      tpu.enqueue_dma source(%dma_start3A_221 : memref<80x256xi32, #tpu.memory_space<vmem>>) target(%dma_start3A_217 : memref<80x256xi32, #tpu.memory_space<hbm>>) target_semaphore(%dma_start3A_215 : memref<!tpu.dma_semaphore, #tpu.memory_space<semaphore_mem>>)
      %add3A_222 = arith.constant 1 : i32
      %add3A_223 = arith.addi %add3A_182, %add3A_222 : i32
      %mul3A_224 = arith.constant 80 : i32
      %mul3A_225 = arith.muli %add3A_223, %mul3A_224 : i32
      %dma_wait3A_226 = arith.constant 1 : i32
      %dma_wait3A_227 = arith.constant 1 : i32
      %dma_wait3A_228 = arith.constant 0 : i32
      %dma_wait3A_229 = arith.constant 0 : i32
      %dma_wait3A_230 = tpu.memref_slice %arg9[%dma_wait3A_226, %dma_wait3A_228, %dma_wait3A_229] : memref<2x80x256xi32, #tpu.memory_space<vmem>> -> memref<1x80x256xi32, #tpu.memory_space<vmem>>
      %dma_wait3A_231 = tpu.memref_squeeze %dma_wait3A_230 : memref<1x80x256xi32, #tpu.memory_space<vmem>> -> memref<80x256xi32, #tpu.memory_space<vmem>>
      %dma_wait3A_232 = tpu.memref_slice %arg8[%mul3A_225] : memref<10000xi32, #tpu.memory_space<vmem>> -> memref<80xi32, #tpu.memory_space<vmem>>
      %dma_wait3A_233 = arith.constant 0 : i32
      %dma_wait3A_234 = arith.constant 0 : i32
      %dma_wait3A_235 = tpu.memref_slice %arg2[%dma_wait3A_233, %dma_wait3A_234] : memref<10000x256xi32, #tpu.memory_space<hbm>> -> memref<10000x256xi32, #tpu.memory_space<hbm>>
      %dma_wait3A_236 = tpu.memref_slice %arg10[%dma_wait3A_227] : memref<2x!tpu.dma_semaphore, #tpu.memory_space<semaphore_mem>> -> memref<1x!tpu.dma_semaphore, #tpu.memory_space<semaphore_mem>>
      %dma_wait3A_237 = tpu.memref_squeeze %dma_wait3A_236 : memref<1x!tpu.dma_semaphore, #tpu.memory_space<semaphore_mem>> -> memref<!tpu.dma_semaphore, #tpu.memory_space<semaphore_mem>>
      tpu.wait_indirect_dma semaphore(%dma_wait3A_237 : memref<!tpu.dma_semaphore, #tpu.memory_space<semaphore_mem>>) src(%dma_wait3A_235 : memref<10000x256xi32, #tpu.memory_space<hbm>>) dst(%dma_wait3A_231 : memref<80x256xi32, #tpu.memory_space<vmem>>)
      %add3A_238 = arith.constant 1 : i32
      %add3A_239 = arith.addi %add3A_223, %add3A_238 : i32
      %lt3A_240 = arith.constant 125 : i32
      %lt3A_241 = arith.cmpi slt, %add3A_239, %lt3A_240 : i32
      %convert_element_type3A_242 = arith.extui %lt3A_241 : i1 to i32
      %cond3A_243 = arith.constant 0 : i32
      %cond3A_244 = arith.cmpi ne, %convert_element_type3A_242, %cond3A_243 : i32
      scf.if %cond3A_244 {
        %ge3A = arith.constant 1 : i32
        %ge3A_264 = arith.cmpi sge, %add3A_223, %ge3A : i32
        %convert_element_type3A_265 = arith.extui %ge3A_264 : i1 to i32
        %cond3A_266 = arith.constant 0 : i32
        %cond3A_267 = arith.cmpi ne, %convert_element_type3A_265, %cond3A_266 : i32
        scf.if %cond3A_267 {
          %sub3A = arith.constant 1 : i32
          %sub3A_284 = arith.subi %add3A_223, %sub3A : i32
          %mul3A_285 = arith.constant 80 : i32
          %mul3A_286 = arith.muli %sub3A_284, %mul3A_285 : i32
          %add3A_287 = arith.addi %mul3A_2, %mul3A_286 : i32
          %dma_wait3A_288 = arith.constant 0 : i32
          %dma_wait3A_289 = arith.constant 0 : i32
          %dma_wait3A_290 = arith.constant 0 : i32
          %dma_wait3A_291 = arith.constant 0 : i32
          %dma_wait3A_292 = tpu.memref_slice %arg9[%dma_wait3A_288, %dma_wait3A_290, %dma_wait3A_291] : memref<2x80x256xi32, #tpu.memory_space<vmem>> -> memref<1x80x256xi32, #tpu.memory_space<vmem>>
          %dma_wait3A_293 = tpu.memref_squeeze %dma_wait3A_292 : memref<1x80x256xi32, #tpu.memory_space<vmem>> -> memref<80x256xi32, #tpu.memory_space<vmem>>
          %dma_wait3A_294 = arith.constant 0 : i32
          %dma_wait3A_295 = tpu.memref_slice %arg6[%add3A_287, %dma_wait3A_294] : memref<320000x256xi32, #tpu.memory_space<hbm>> -> memref<80x256xi32, #tpu.memory_space<hbm>>
          %dma_wait3A_296 = tpu.memref_slice %arg11[%dma_wait3A_289] : memref<2x!tpu.dma_semaphore, #tpu.memory_space<semaphore_mem>> -> memref<1x!tpu.dma_semaphore, #tpu.memory_space<semaphore_mem>>
          %dma_wait3A_297 = tpu.memref_squeeze %dma_wait3A_296 : memref<1x!tpu.dma_semaphore, #tpu.memory_space<semaphore_mem>> -> memref<!tpu.dma_semaphore, #tpu.memory_space<semaphore_mem>>
          %dma_wait3A_298 = arith.constant 0 : i32
          %dma_wait3A_299 = tpu.memref_slice %arg6[%add3A_287, %dma_wait3A_298] : memref<320000x256xi32, #tpu.memory_space<hbm>> -> memref<80x256xi32, #tpu.memory_space<hbm>>
          %dma_wait3A_300 = arith.constant 0 : i32
          %dma_wait3A_301 = arith.constant 0 : i32
          %dma_wait3A_302 = tpu.memref_slice %arg9[%dma_wait3A_288, %dma_wait3A_300, %dma_wait3A_301] : memref<2x80x256xi32, #tpu.memory_space<vmem>> -> memref<1x80x256xi32, #tpu.memory_space<vmem>>
          %dma_wait3A_303 = tpu.memref_squeeze %dma_wait3A_302 : memref<1x80x256xi32, #tpu.memory_space<vmem>> -> memref<80x256xi32, #tpu.memory_space<vmem>>
          tpu.wait_dma2 semaphore(%dma_wait3A_297 : memref<!tpu.dma_semaphore, #tpu.memory_space<semaphore_mem>>) src(%dma_wait3A_303 : memref<80x256xi32, #tpu.memory_space<vmem>>) dst(%dma_wait3A_299 : memref<80x256xi32, #tpu.memory_space<hbm>>)
        } else {
        }
        %add3A_268 = arith.constant 1 : i32
        %add3A_269 = arith.addi %add3A_223, %add3A_268 : i32
        %mul3A_270 = arith.constant 80 : i32
        %mul3A_271 = arith.muli %add3A_269, %mul3A_270 : i32
        %dma_start3A_272 = arith.constant 0 : i32
        %dma_start3A_273 = arith.constant 0 : i32
        %dma_start3A_274 = arith.constant 0 : i32
        %dma_start3A_275 = arith.constant 0 : i32
        %dma_start3A_276 = tpu.memref_slice %arg9[%dma_start3A_272, %dma_start3A_274, %dma_start3A_275] : memref<2x80x256xi32, #tpu.memory_space<vmem>> -> memref<1x80x256xi32, #tpu.memory_space<vmem>>
        %dma_start3A_277 = tpu.memref_squeeze %dma_start3A_276 : memref<1x80x256xi32, #tpu.memory_space<vmem>> -> memref<80x256xi32, #tpu.memory_space<vmem>>
        %dma_start3A_278 = tpu.memref_slice %arg8[%mul3A_271] : memref<10000xi32, #tpu.memory_space<vmem>> -> memref<80xi32, #tpu.memory_space<vmem>>
        %dma_start3A_279 = arith.constant 0 : i32
        %dma_start3A_280 = arith.constant 0 : i32
        %dma_start3A_281 = tpu.memref_slice %arg2[%dma_start3A_279, %dma_start3A_280] : memref<10000x256xi32, #tpu.memory_space<hbm>> -> memref<10000x256xi32, #tpu.memory_space<hbm>>
        %dma_start3A_282 = tpu.memref_slice %arg10[%dma_start3A_273] : memref<2x!tpu.dma_semaphore, #tpu.memory_space<semaphore_mem>> -> memref<1x!tpu.dma_semaphore, #tpu.memory_space<semaphore_mem>>
        %dma_start3A_283 = tpu.memref_squeeze %dma_start3A_282 : memref<1x!tpu.dma_semaphore, #tpu.memory_space<semaphore_mem>> -> memref<!tpu.dma_semaphore, #tpu.memory_space<semaphore_mem>>
        tpu.enqueue_indirect_dma source(%dma_start3A_281 : memref<10000x256xi32, #tpu.memory_space<hbm>>) target(%dma_start3A_277 : memref<80x256xi32, #tpu.memory_space<vmem>>) offsets(%dma_start3A_278 : memref<80xi32, #tpu.memory_space<vmem>>) semaphore(%dma_start3A_283 : memref<!tpu.dma_semaphore, #tpu.memory_space<semaphore_mem>>)
      } else {
      }
      %mul3A_245 = arith.constant 80 : i32
      %mul3A_246 = arith.muli %add3A_223, %mul3A_245 : i32
      %add3A_247 = arith.addi %mul3A_2, %mul3A_246 : i32
      %dma_start3A_248 = arith.constant 1 : i32
      %dma_start3A_249 = arith.constant 1 : i32
      %dma_start3A_250 = arith.constant 0 : i32
      %dma_start3A_251 = arith.constant 0 : i32
      %dma_start3A_252 = tpu.memref_slice %arg9[%dma_start3A_248, %dma_start3A_250, %dma_start3A_251] : memref<2x80x256xi32, #tpu.memory_space<vmem>> -> memref<1x80x256xi32, #tpu.memory_space<vmem>>
      %dma_start3A_253 = tpu.memref_squeeze %dma_start3A_252 : memref<1x80x256xi32, #tpu.memory_space<vmem>> -> memref<80x256xi32, #tpu.memory_space<vmem>>
      %dma_start3A_254 = arith.constant 0 : i32
      %dma_start3A_255 = tpu.memref_slice %arg6[%add3A_247, %dma_start3A_254] : memref<320000x256xi32, #tpu.memory_space<hbm>> -> memref<80x256xi32, #tpu.memory_space<hbm>>
      %dma_start3A_256 = tpu.memref_slice %arg11[%dma_start3A_249] : memref<2x!tpu.dma_semaphore, #tpu.memory_space<semaphore_mem>> -> memref<1x!tpu.dma_semaphore, #tpu.memory_space<semaphore_mem>>
      %dma_start3A_257 = tpu.memref_squeeze %dma_start3A_256 : memref<1x!tpu.dma_semaphore, #tpu.memory_space<semaphore_mem>> -> memref<!tpu.dma_semaphore, #tpu.memory_space<semaphore_mem>>
      %dma_start3A_258 = arith.constant 0 : i32
      %dma_start3A_259 = tpu.memref_slice %arg6[%add3A_247, %dma_start3A_258] : memref<320000x256xi32, #tpu.memory_space<hbm>> -> memref<80x256xi32, #tpu.memory_space<hbm>>
      %dma_start3A_260 = arith.constant 0 : i32
      %dma_start3A_261 = arith.constant 0 : i32
      %dma_start3A_262 = tpu.memref_slice %arg9[%dma_start3A_248, %dma_start3A_260, %dma_start3A_261] : memref<2x80x256xi32, #tpu.memory_space<vmem>> -> memref<1x80x256xi32, #tpu.memory_space<vmem>>
      %dma_start3A_263 = tpu.memref_squeeze %dma_start3A_262 : memref<1x80x256xi32, #tpu.memory_space<vmem>> -> memref<80x256xi32, #tpu.memory_space<vmem>>
      tpu.enqueue_dma source(%dma_start3A_263 : memref<80x256xi32, #tpu.memory_space<vmem>>) target(%dma_start3A_259 : memref<80x256xi32, #tpu.memory_space<hbm>>) target_semaphore(%dma_start3A_257 : memref<!tpu.dma_semaphore, #tpu.memory_space<semaphore_mem>>)
    }
    %scan3A_21 = arith.constant 62 : i32
    %dma_wait3A_22 = arith.constant 0 : i32
    %dma_wait3A_23 = arith.constant 0 : i32
    %dma_wait3A_24 = arith.constant 0 : i32
    %dma_wait3A_25 = arith.constant 0 : i32
    %dma_wait3A_26 = tpu.memref_slice %arg9[%dma_wait3A_22, %dma_wait3A_24, %dma_wait3A_25] : memref<2x80x256xi32, #tpu.memory_space<vmem>> -> memref<1x80x256xi32, #tpu.memory_space<vmem>>
    %dma_wait3A_27 = tpu.memref_squeeze %dma_wait3A_26 : memref<1x80x256xi32, #tpu.memory_space<vmem>> -> memref<80x256xi32, #tpu.memory_space<vmem>>
    %dma_wait3A_28 = arith.constant 9920 : i32
    %dma_wait3A_29 = tpu.memref_slice %arg8[%dma_wait3A_28] : memref<10000xi32, #tpu.memory_space<vmem>> -> memref<80xi32, #tpu.memory_space<vmem>>
    %dma_wait3A_30 = arith.constant 0 : i32
    %dma_wait3A_31 = arith.constant 0 : i32
    %dma_wait3A_32 = tpu.memref_slice %arg2[%dma_wait3A_30, %dma_wait3A_31] : memref<10000x256xi32, #tpu.memory_space<hbm>> -> memref<10000x256xi32, #tpu.memory_space<hbm>>
    %dma_wait3A_33 = tpu.memref_slice %arg10[%dma_wait3A_23] : memref<2x!tpu.dma_semaphore, #tpu.memory_space<semaphore_mem>> -> memref<1x!tpu.dma_semaphore, #tpu.memory_space<semaphore_mem>>
    %dma_wait3A_34 = tpu.memref_squeeze %dma_wait3A_33 : memref<1x!tpu.dma_semaphore, #tpu.memory_space<semaphore_mem>> -> memref<!tpu.dma_semaphore, #tpu.memory_space<semaphore_mem>>
    tpu.wait_indirect_dma semaphore(%dma_wait3A_34 : memref<!tpu.dma_semaphore, #tpu.memory_space<semaphore_mem>>) src(%dma_wait3A_32 : memref<10000x256xi32, #tpu.memory_space<hbm>>) dst(%dma_wait3A_27 : memref<80x256xi32, #tpu.memory_space<vmem>>)
    %add3A_35 = arith.constant 9920 : i32
    %add3A_36 = arith.addi %mul3A_2, %add3A_35 : i32
    %dma_start3A_37 = arith.constant 0 : i32
    %dma_start3A_38 = arith.constant 0 : i32
    %dma_start3A_39 = arith.constant 0 : i32
    %dma_start3A_40 = arith.constant 0 : i32
    %dma_start3A_41 = tpu.memref_slice %arg9[%dma_start3A_37, %dma_start3A_39, %dma_start3A_40] : memref<2x80x256xi32, #tpu.memory_space<vmem>> -> memref<1x80x256xi32, #tpu.memory_space<vmem>>
    %dma_start3A_42 = tpu.memref_squeeze %dma_start3A_41 : memref<1x80x256xi32, #tpu.memory_space<vmem>> -> memref<80x256xi32, #tpu.memory_space<vmem>>
    %dma_start3A_43 = arith.constant 0 : i32
    %dma_start3A_44 = tpu.memref_slice %arg6[%add3A_36, %dma_start3A_43] : memref<320000x256xi32, #tpu.memory_space<hbm>> -> memref<80x256xi32, #tpu.memory_space<hbm>>
    %dma_start3A_45 = tpu.memref_slice %arg11[%dma_start3A_38] : memref<2x!tpu.dma_semaphore, #tpu.memory_space<semaphore_mem>> -> memref<1x!tpu.dma_semaphore, #tpu.memory_space<semaphore_mem>>
    %dma_start3A_46 = tpu.memref_squeeze %dma_start3A_45 : memref<1x!tpu.dma_semaphore, #tpu.memory_space<semaphore_mem>> -> memref<!tpu.dma_semaphore, #tpu.memory_space<semaphore_mem>>
    %dma_start3A_47 = arith.constant 0 : i32
    %dma_start3A_48 = tpu.memref_slice %arg6[%add3A_36, %dma_start3A_47] : memref<320000x256xi32, #tpu.memory_space<hbm>> -> memref<80x256xi32, #tpu.memory_space<hbm>>
    %dma_start3A_49 = arith.constant 0 : i32
    %dma_start3A_50 = arith.constant 0 : i32
    %dma_start3A_51 = tpu.memref_slice %arg9[%dma_start3A_37, %dma_start3A_49, %dma_start3A_50] : memref<2x80x256xi32, #tpu.memory_space<vmem>> -> memref<1x80x256xi32, #tpu.memory_space<vmem>>
    %dma_start3A_52 = tpu.memref_squeeze %dma_start3A_51 : memref<1x80x256xi32, #tpu.memory_space<vmem>> -> memref<80x256xi32, #tpu.memory_space<vmem>>
    tpu.enqueue_dma source(%dma_start3A_52 : memref<80x256xi32, #tpu.memory_space<vmem>>) target(%dma_start3A_48 : memref<80x256xi32, #tpu.memory_space<hbm>>) target_semaphore(%dma_start3A_46 : memref<!tpu.dma_semaphore, #tpu.memory_space<semaphore_mem>>)
    %add3A_53 = arith.constant 9840 : i32
    %add3A_54 = arith.addi %mul3A_2, %add3A_53 : i32
    %dma_wait3A_55 = arith.constant 1 : i32
    %dma_wait3A_56 = arith.constant 1 : i32
    %dma_wait3A_57 = arith.constant 0 : i32
    %dma_wait3A_58 = arith.constant 0 : i32
    %dma_wait3A_59 = tpu.memref_slice %arg9[%dma_wait3A_55, %dma_wait3A_57, %dma_wait3A_58] : memref<2x80x256xi32, #tpu.memory_space<vmem>> -> memref<1x80x256xi32, #tpu.memory_space<vmem>>
    %dma_wait3A_60 = tpu.memref_squeeze %dma_wait3A_59 : memref<1x80x256xi32, #tpu.memory_space<vmem>> -> memref<80x256xi32, #tpu.memory_space<vmem>>
    %dma_wait3A_61 = arith.constant 0 : i32
    %dma_wait3A_62 = tpu.memref_slice %arg6[%add3A_54, %dma_wait3A_61] : memref<320000x256xi32, #tpu.memory_space<hbm>> -> memref<80x256xi32, #tpu.memory_space<hbm>>
    %dma_wait3A_63 = tpu.memref_slice %arg11[%dma_wait3A_56] : memref<2x!tpu.dma_semaphore, #tpu.memory_space<semaphore_mem>> -> memref<1x!tpu.dma_semaphore, #tpu.memory_space<semaphore_mem>>
    %dma_wait3A_64 = tpu.memref_squeeze %dma_wait3A_63 : memref<1x!tpu.dma_semaphore, #tpu.memory_space<semaphore_mem>> -> memref<!tpu.dma_semaphore, #tpu.memory_space<semaphore_mem>>
    %dma_wait3A_65 = arith.constant 0 : i32
    %dma_wait3A_66 = tpu.memref_slice %arg6[%add3A_54, %dma_wait3A_65] : memref<320000x256xi32, #tpu.memory_space<hbm>> -> memref<80x256xi32, #tpu.memory_space<hbm>>
    %dma_wait3A_67 = arith.constant 0 : i32
    %dma_wait3A_68 = arith.constant 0 : i32
    %dma_wait3A_69 = tpu.memref_slice %arg9[%dma_wait3A_55, %dma_wait3A_67, %dma_wait3A_68] : memref<2x80x256xi32, #tpu.memory_space<vmem>> -> memref<1x80x256xi32, #tpu.memory_space<vmem>>
    %dma_wait3A_70 = tpu.memref_squeeze %dma_wait3A_69 : memref<1x80x256xi32, #tpu.memory_space<vmem>> -> memref<80x256xi32, #tpu.memory_space<vmem>>
    tpu.wait_dma2 semaphore(%dma_wait3A_64 : memref<!tpu.dma_semaphore, #tpu.memory_space<semaphore_mem>>) src(%dma_wait3A_70 : memref<80x256xi32, #tpu.memory_space<vmem>>) dst(%dma_wait3A_66 : memref<80x256xi32, #tpu.memory_space<hbm>>)
    %add3A_71 = arith.constant 9920 : i32
    %add3A_72 = arith.addi %mul3A_2, %add3A_71 : i32
    %dma_wait3A_73 = arith.constant 0 : i32
    %dma_wait3A_74 = arith.constant 0 : i32
    %dma_wait3A_75 = arith.constant 0 : i32
    %dma_wait3A_76 = arith.constant 0 : i32
    %dma_wait3A_77 = tpu.memref_slice %arg9[%dma_wait3A_73, %dma_wait3A_75, %dma_wait3A_76] : memref<2x80x256xi32, #tpu.memory_space<vmem>> -> memref<1x80x256xi32, #tpu.memory_space<vmem>>
    %dma_wait3A_78 = tpu.memref_squeeze %dma_wait3A_77 : memref<1x80x256xi32, #tpu.memory_space<vmem>> -> memref<80x256xi32, #tpu.memory_space<vmem>>
    %dma_wait3A_79 = arith.constant 0 : i32
    %dma_wait3A_80 = tpu.memref_slice %arg6[%add3A_72, %dma_wait3A_79] : memref<320000x256xi32, #tpu.memory_space<hbm>> -> memref<80x256xi32, #tpu.memory_space<hbm>>
    %dma_wait3A_81 = tpu.memref_slice %arg11[%dma_wait3A_74] : memref<2x!tpu.dma_semaphore, #tpu.memory_space<semaphore_mem>> -> memref<1x!tpu.dma_semaphore, #tpu.memory_space<semaphore_mem>>
    %dma_wait3A_82 = tpu.memref_squeeze %dma_wait3A_81 : memref<1x!tpu.dma_semaphore, #tpu.memory_space<semaphore_mem>> -> memref<!tpu.dma_semaphore, #tpu.memory_space<semaphore_mem>>
    %dma_wait3A_83 = arith.constant 0 : i32
    %dma_wait3A_84 = tpu.memref_slice %arg6[%add3A_72, %dma_wait3A_83] : memref<320000x256xi32, #tpu.memory_space<hbm>> -> memref<80x256xi32, #tpu.memory_space<hbm>>
    %dma_wait3A_85 = arith.constant 0 : i32
    %dma_wait3A_86 = arith.constant 0 : i32
    %dma_wait3A_87 = tpu.memref_slice %arg9[%dma_wait3A_73, %dma_wait3A_85, %dma_wait3A_86] : memref<2x80x256xi32, #tpu.memory_space<vmem>> -> memref<1x80x256xi32, #tpu.memory_space<vmem>>
    %dma_wait3A_88 = tpu.memref_squeeze %dma_wait3A_87 : memref<1x80x256xi32, #tpu.memory_space<vmem>> -> memref<80x256xi32, #tpu.memory_space<vmem>>
    tpu.wait_dma2 semaphore(%dma_wait3A_82 : memref<!tpu.dma_semaphore, #tpu.memory_space<semaphore_mem>>) src(%dma_wait3A_88 : memref<80x256xi32, #tpu.memory_space<vmem>>) dst(%dma_wait3A_84 : memref<80x256xi32, #tpu.memory_space<hbm>>)
    %dma_start3A_89 = tpu.memref_slice %arg5[%mul3A_2] : memref<320000xi32, #tpu.memory_space<hbm>> -> memref<10000xi32, #tpu.memory_space<hbm>>
    %dma_start3A_90 = tpu.memref_slice %arg5[%mul3A_2] : memref<320000xi32, #tpu.memory_space<hbm>> -> memref<10000xi32, #tpu.memory_space<hbm>>
    tpu.enqueue_dma source(%dma_start3A_90 : memref<10000xi32, #tpu.memory_space<hbm>>) target(%arg8 : memref<10000xi32, #tpu.memory_space<vmem>>) target_semaphore(%arg12 : memref<!tpu.dma_semaphore, #tpu.memory_space<semaphore_mem>>)
    %dma_wait3A_91 = tpu.memref_slice %arg5[%mul3A_2] : memref<320000xi32, #tpu.memory_space<hbm>> -> memref<10000xi32, #tpu.memory_space<hbm>>
    %dma_wait3A_92 = tpu.memref_slice %arg5[%mul3A_2] : memref<320000xi32, #tpu.memory_space<hbm>> -> memref<10000xi32, #tpu.memory_space<hbm>>
    tpu.wait_dma2 semaphore(%arg12 : memref<!tpu.dma_semaphore, #tpu.memory_space<semaphore_mem>>) src(%dma_wait3A_92 : memref<10000xi32, #tpu.memory_space<hbm>>) dst(%arg8 : memref<10000xi32, #tpu.memory_space<vmem>>)
    %dma_start3A_93 = arith.constant 0 : i32
    %dma_start3A_94 = arith.constant 0 : i32
    %dma_start3A_95 = arith.constant 0 : i32
    %dma_start3A_96 = arith.constant 0 : i32
    %dma_start3A_97 = tpu.memref_slice %arg9[%dma_start3A_93, %dma_start3A_95, %dma_start3A_96] : memref<2x80x256xi32, #tpu.memory_space<vmem>> -> memref<1x80x256xi32, #tpu.memory_space<vmem>>
    %dma_start3A_98 = tpu.memref_squeeze %dma_start3A_97 : memref<1x80x256xi32, #tpu.memory_space<vmem>> -> memref<80x256xi32, #tpu.memory_space<vmem>>
    %dma_start3A_99 = arith.constant 0 : i32
    %dma_start3A_100 = tpu.memref_slice %arg8[%dma_start3A_99] : memref<10000xi32, #tpu.memory_space<vmem>> -> memref<80xi32, #tpu.memory_space<vmem>>
    %dma_start3A_101 = arith.constant 0 : i32
    %dma_start3A_102 = arith.constant 0 : i32
    %dma_start3A_103 = tpu.memref_slice %arg3[%dma_start3A_101, %dma_start3A_102] : memref<10000x256xi32, #tpu.memory_space<hbm>> -> memref<10000x256xi32, #tpu.memory_space<hbm>>
    %dma_start3A_104 = tpu.memref_slice %arg10[%dma_start3A_94] : memref<2x!tpu.dma_semaphore, #tpu.memory_space<semaphore_mem>> -> memref<1x!tpu.dma_semaphore, #tpu.memory_space<semaphore_mem>>
    %dma_start3A_105 = tpu.memref_squeeze %dma_start3A_104 : memref<1x!tpu.dma_semaphore, #tpu.memory_space<semaphore_mem>> -> memref<!tpu.dma_semaphore, #tpu.memory_space<semaphore_mem>>
    tpu.enqueue_indirect_dma source(%dma_start3A_103 : memref<10000x256xi32, #tpu.memory_space<hbm>>) target(%dma_start3A_98 : memref<80x256xi32, #tpu.memory_space<vmem>>) offsets(%dma_start3A_100 : memref<80xi32, #tpu.memory_space<vmem>>) semaphore(%dma_start3A_105 : memref<!tpu.dma_semaphore, #tpu.memory_space<semaphore_mem>>)
    %scan3A_106 = arith.constant 0 : i32
    %scan3A_107 = arith.constant 62 : i32
    %scan3A_108 = arith.addi %scan3A_106, %scan3A_107 : i32
    %scan3A_109 = arith.constant 1 : i32
    scf.for %scan3A_178 = %scan3A_106 to %scan3A_108 step %scan3A_109  : i32 {
      %mul3A_179 = arith.constant 2 : i32
      %mul3A_180 = arith.muli %scan3A_178, %mul3A_179 : i32
      %add3A_181 = arith.constant 0 : i32
      %add3A_182 = arith.addi %add3A_181, %mul3A_180 : i32
      %add3A_183 = arith.constant 0 : i32
      %add3A_184 = arith.addi %add3A_182, %add3A_183 : i32
      %mul3A_185 = arith.constant 80 : i32
      %mul3A_186 = arith.muli %add3A_184, %mul3A_185 : i32
      %dma_wait3A_187 = arith.constant 0 : i32
      %dma_wait3A_188 = arith.constant 0 : i32
      %dma_wait3A_189 = arith.constant 0 : i32
      %dma_wait3A_190 = arith.constant 0 : i32
      %dma_wait3A_191 = tpu.memref_slice %arg9[%dma_wait3A_187, %dma_wait3A_189, %dma_wait3A_190] : memref<2x80x256xi32, #tpu.memory_space<vmem>> -> memref<1x80x256xi32, #tpu.memory_space<vmem>>
      %dma_wait3A_192 = tpu.memref_squeeze %dma_wait3A_191 : memref<1x80x256xi32, #tpu.memory_space<vmem>> -> memref<80x256xi32, #tpu.memory_space<vmem>>
      %dma_wait3A_193 = tpu.memref_slice %arg8[%mul3A_186] : memref<10000xi32, #tpu.memory_space<vmem>> -> memref<80xi32, #tpu.memory_space<vmem>>
      %dma_wait3A_194 = arith.constant 0 : i32
      %dma_wait3A_195 = arith.constant 0 : i32
      %dma_wait3A_196 = tpu.memref_slice %arg3[%dma_wait3A_194, %dma_wait3A_195] : memref<10000x256xi32, #tpu.memory_space<hbm>> -> memref<10000x256xi32, #tpu.memory_space<hbm>>
      %dma_wait3A_197 = tpu.memref_slice %arg10[%dma_wait3A_188] : memref<2x!tpu.dma_semaphore, #tpu.memory_space<semaphore_mem>> -> memref<1x!tpu.dma_semaphore, #tpu.memory_space<semaphore_mem>>
      %dma_wait3A_198 = tpu.memref_squeeze %dma_wait3A_197 : memref<1x!tpu.dma_semaphore, #tpu.memory_space<semaphore_mem>> -> memref<!tpu.dma_semaphore, #tpu.memory_space<semaphore_mem>>
      tpu.wait_indirect_dma semaphore(%dma_wait3A_198 : memref<!tpu.dma_semaphore, #tpu.memory_space<semaphore_mem>>) src(%dma_wait3A_196 : memref<10000x256xi32, #tpu.memory_space<hbm>>) dst(%dma_wait3A_192 : memref<80x256xi32, #tpu.memory_space<vmem>>)
      %add3A_199 = arith.constant 1 : i32
      %add3A_200 = arith.addi %add3A_184, %add3A_199 : i32
      %lt3A = arith.constant 125 : i32
      %lt3A_201 = arith.cmpi slt, %add3A_200, %lt3A : i32
      %convert_element_type3A = arith.extui %lt3A_201 : i1 to i32
      %cond3A = arith.constant 0 : i32
      %cond3A_202 = arith.cmpi ne, %convert_element_type3A, %cond3A : i32
      scf.if %cond3A_202 {
        %ge3A = arith.constant 1 : i32
        %ge3A_264 = arith.cmpi sge, %add3A_184, %ge3A : i32
        %convert_element_type3A_265 = arith.extui %ge3A_264 : i1 to i32
        %cond3A_266 = arith.constant 0 : i32
        %cond3A_267 = arith.cmpi ne, %convert_element_type3A_265, %cond3A_266 : i32
        scf.if %cond3A_267 {
          %sub3A = arith.constant 1 : i32
          %sub3A_284 = arith.subi %add3A_184, %sub3A : i32
          %mul3A_285 = arith.constant 80 : i32
          %mul3A_286 = arith.muli %sub3A_284, %mul3A_285 : i32
          %add3A_287 = arith.addi %mul3A_2, %mul3A_286 : i32
          %dma_wait3A_288 = arith.constant 1 : i32
          %dma_wait3A_289 = arith.constant 1 : i32
          %dma_wait3A_290 = arith.constant 0 : i32
          %dma_wait3A_291 = arith.constant 0 : i32
          %dma_wait3A_292 = tpu.memref_slice %arg9[%dma_wait3A_288, %dma_wait3A_290, %dma_wait3A_291] : memref<2x80x256xi32, #tpu.memory_space<vmem>> -> memref<1x80x256xi32, #tpu.memory_space<vmem>>
          %dma_wait3A_293 = tpu.memref_squeeze %dma_wait3A_292 : memref<1x80x256xi32, #tpu.memory_space<vmem>> -> memref<80x256xi32, #tpu.memory_space<vmem>>
          %dma_wait3A_294 = arith.constant 0 : i32
          %dma_wait3A_295 = tpu.memref_slice %arg7[%add3A_287, %dma_wait3A_294] : memref<320000x256xi32, #tpu.memory_space<hbm>> -> memref<80x256xi32, #tpu.memory_space<hbm>>
          %dma_wait3A_296 = tpu.memref_slice %arg11[%dma_wait3A_289] : memref<2x!tpu.dma_semaphore, #tpu.memory_space<semaphore_mem>> -> memref<1x!tpu.dma_semaphore, #tpu.memory_space<semaphore_mem>>
          %dma_wait3A_297 = tpu.memref_squeeze %dma_wait3A_296 : memref<1x!tpu.dma_semaphore, #tpu.memory_space<semaphore_mem>> -> memref<!tpu.dma_semaphore, #tpu.memory_space<semaphore_mem>>
          %dma_wait3A_298 = arith.constant 0 : i32
          %dma_wait3A_299 = tpu.memref_slice %arg7[%add3A_287, %dma_wait3A_298] : memref<320000x256xi32, #tpu.memory_space<hbm>> -> memref<80x256xi32, #tpu.memory_space<hbm>>
          %dma_wait3A_300 = arith.constant 0 : i32
          %dma_wait3A_301 = arith.constant 0 : i32
          %dma_wait3A_302 = tpu.memref_slice %arg9[%dma_wait3A_288, %dma_wait3A_300, %dma_wait3A_301] : memref<2x80x256xi32, #tpu.memory_space<vmem>> -> memref<1x80x256xi32, #tpu.memory_space<vmem>>
          %dma_wait3A_303 = tpu.memref_squeeze %dma_wait3A_302 : memref<1x80x256xi32, #tpu.memory_space<vmem>> -> memref<80x256xi32, #tpu.memory_space<vmem>>
          tpu.wait_dma2 semaphore(%dma_wait3A_297 : memref<!tpu.dma_semaphore, #tpu.memory_space<semaphore_mem>>) src(%dma_wait3A_303 : memref<80x256xi32, #tpu.memory_space<vmem>>) dst(%dma_wait3A_299 : memref<80x256xi32, #tpu.memory_space<hbm>>)
        } else {
        }
        %add3A_268 = arith.constant 1 : i32
        %add3A_269 = arith.addi %add3A_184, %add3A_268 : i32
        %mul3A_270 = arith.constant 80 : i32
        %mul3A_271 = arith.muli %add3A_269, %mul3A_270 : i32
        %dma_start3A_272 = arith.constant 1 : i32
        %dma_start3A_273 = arith.constant 1 : i32
        %dma_start3A_274 = arith.constant 0 : i32
        %dma_start3A_275 = arith.constant 0 : i32
        %dma_start3A_276 = tpu.memref_slice %arg9[%dma_start3A_272, %dma_start3A_274, %dma_start3A_275] : memref<2x80x256xi32, #tpu.memory_space<vmem>> -> memref<1x80x256xi32, #tpu.memory_space<vmem>>
        %dma_start3A_277 = tpu.memref_squeeze %dma_start3A_276 : memref<1x80x256xi32, #tpu.memory_space<vmem>> -> memref<80x256xi32, #tpu.memory_space<vmem>>
        %dma_start3A_278 = tpu.memref_slice %arg8[%mul3A_271] : memref<10000xi32, #tpu.memory_space<vmem>> -> memref<80xi32, #tpu.memory_space<vmem>>
        %dma_start3A_279 = arith.constant 0 : i32
        %dma_start3A_280 = arith.constant 0 : i32
        %dma_start3A_281 = tpu.memref_slice %arg3[%dma_start3A_279, %dma_start3A_280] : memref<10000x256xi32, #tpu.memory_space<hbm>> -> memref<10000x256xi32, #tpu.memory_space<hbm>>
        %dma_start3A_282 = tpu.memref_slice %arg10[%dma_start3A_273] : memref<2x!tpu.dma_semaphore, #tpu.memory_space<semaphore_mem>> -> memref<1x!tpu.dma_semaphore, #tpu.memory_space<semaphore_mem>>
        %dma_start3A_283 = tpu.memref_squeeze %dma_start3A_282 : memref<1x!tpu.dma_semaphore, #tpu.memory_space<semaphore_mem>> -> memref<!tpu.dma_semaphore, #tpu.memory_space<semaphore_mem>>
        tpu.enqueue_indirect_dma source(%dma_start3A_281 : memref<10000x256xi32, #tpu.memory_space<hbm>>) target(%dma_start3A_277 : memref<80x256xi32, #tpu.memory_space<vmem>>) offsets(%dma_start3A_278 : memref<80xi32, #tpu.memory_space<vmem>>) semaphore(%dma_start3A_283 : memref<!tpu.dma_semaphore, #tpu.memory_space<semaphore_mem>>)
      } else {
      }
      %mul3A_203 = arith.constant 80 : i32
      %mul3A_204 = arith.muli %add3A_184, %mul3A_203 : i32
      %add3A_205 = arith.addi %mul3A_2, %mul3A_204 : i32
      %dma_start3A_206 = arith.constant 0 : i32
      %dma_start3A_207 = arith.constant 0 : i32
      %dma_start3A_208 = arith.constant 0 : i32
      %dma_start3A_209 = arith.constant 0 : i32
      %dma_start3A_210 = tpu.memref_slice %arg9[%dma_start3A_206, %dma_start3A_208, %dma_start3A_209] : memref<2x80x256xi32, #tpu.memory_space<vmem>> -> memref<1x80x256xi32, #tpu.memory_space<vmem>>
      %dma_start3A_211 = tpu.memref_squeeze %dma_start3A_210 : memref<1x80x256xi32, #tpu.memory_space<vmem>> -> memref<80x256xi32, #tpu.memory_space<vmem>>
      %dma_start3A_212 = arith.constant 0 : i32
      %dma_start3A_213 = tpu.memref_slice %arg7[%add3A_205, %dma_start3A_212] : memref<320000x256xi32, #tpu.memory_space<hbm>> -> memref<80x256xi32, #tpu.memory_space<hbm>>
      %dma_start3A_214 = tpu.memref_slice %arg11[%dma_start3A_207] : memref<2x!tpu.dma_semaphore, #tpu.memory_space<semaphore_mem>> -> memref<1x!tpu.dma_semaphore, #tpu.memory_space<semaphore_mem>>
      %dma_start3A_215 = tpu.memref_squeeze %dma_start3A_214 : memref<1x!tpu.dma_semaphore, #tpu.memory_space<semaphore_mem>> -> memref<!tpu.dma_semaphore, #tpu.memory_space<semaphore_mem>>
      %dma_start3A_216 = arith.constant 0 : i32
      %dma_start3A_217 = tpu.memref_slice %arg7[%add3A_205, %dma_start3A_216] : memref<320000x256xi32, #tpu.memory_space<hbm>> -> memref<80x256xi32, #tpu.memory_space<hbm>>
      %dma_start3A_218 = arith.constant 0 : i32
      %dma_start3A_219 = arith.constant 0 : i32
      %dma_start3A_220 = tpu.memref_slice %arg9[%dma_start3A_206, %dma_start3A_218, %dma_start3A_219] : memref<2x80x256xi32, #tpu.memory_space<vmem>> -> memref<1x80x256xi32, #tpu.memory_space<vmem>>
      %dma_start3A_221 = tpu.memref_squeeze %dma_start3A_220 : memref<1x80x256xi32, #tpu.memory_space<vmem>> -> memref<80x256xi32, #tpu.memory_space<vmem>>
      tpu.enqueue_dma source(%dma_start3A_221 : memref<80x256xi32, #tpu.memory_space<vmem>>) target(%dma_start3A_217 : memref<80x256xi32, #tpu.memory_space<hbm>>) target_semaphore(%dma_start3A_215 : memref<!tpu.dma_semaphore, #tpu.memory_space<semaphore_mem>>)
      %add3A_222 = arith.constant 1 : i32
      %add3A_223 = arith.addi %add3A_182, %add3A_222 : i32
      %mul3A_224 = arith.constant 80 : i32
      %mul3A_225 = arith.muli %add3A_223, %mul3A_224 : i32
      %dma_wait3A_226 = arith.constant 1 : i32
      %dma_wait3A_227 = arith.constant 1 : i32
      %dma_wait3A_228 = arith.constant 0 : i32
      %dma_wait3A_229 = arith.constant 0 : i32
      %dma_wait3A_230 = tpu.memref_slice %arg9[%dma_wait3A_226, %dma_wait3A_228, %dma_wait3A_229] : memref<2x80x256xi32, #tpu.memory_space<vmem>> -> memref<1x80x256xi32, #tpu.memory_space<vmem>>
      %dma_wait3A_231 = tpu.memref_squeeze %dma_wait3A_230 : memref<1x80x256xi32, #tpu.memory_space<vmem>> -> memref<80x256xi32, #tpu.memory_space<vmem>>
      %dma_wait3A_232 = tpu.memref_slice %arg8[%mul3A_225] : memref<10000xi32, #tpu.memory_space<vmem>> -> memref<80xi32, #tpu.memory_space<vmem>>
      %dma_wait3A_233 = arith.constant 0 : i32
      %dma_wait3A_234 = arith.constant 0 : i32
      %dma_wait3A_235 = tpu.memref_slice %arg3[%dma_wait3A_233, %dma_wait3A_234] : memref<10000x256xi32, #tpu.memory_space<hbm>> -> memref<10000x256xi32, #tpu.memory_space<hbm>>
      %dma_wait3A_236 = tpu.memref_slice %arg10[%dma_wait3A_227] : memref<2x!tpu.dma_semaphore, #tpu.memory_space<semaphore_mem>> -> memref<1x!tpu.dma_semaphore, #tpu.memory_space<semaphore_mem>>
      %dma_wait3A_237 = tpu.memref_squeeze %dma_wait3A_236 : memref<1x!tpu.dma_semaphore, #tpu.memory_space<semaphore_mem>> -> memref<!tpu.dma_semaphore, #tpu.memory_space<semaphore_mem>>
      tpu.wait_indirect_dma semaphore(%dma_wait3A_237 : memref<!tpu.dma_semaphore, #tpu.memory_space<semaphore_mem>>) src(%dma_wait3A_235 : memref<10000x256xi32, #tpu.memory_space<hbm>>) dst(%dma_wait3A_231 : memref<80x256xi32, #tpu.memory_space<vmem>>)
      %add3A_238 = arith.constant 1 : i32
      %add3A_239 = arith.addi %add3A_223, %add3A_238 : i32
      %lt3A_240 = arith.constant 125 : i32
      %lt3A_241 = arith.cmpi slt, %add3A_239, %lt3A_240 : i32
      %convert_element_type3A_242 = arith.extui %lt3A_241 : i1 to i32
      %cond3A_243 = arith.constant 0 : i32
      %cond3A_244 = arith.cmpi ne, %convert_element_type3A_242, %cond3A_243 : i32
      scf.if %cond3A_244 {
        %ge3A = arith.constant 1 : i32
        %ge3A_264 = arith.cmpi sge, %add3A_223, %ge3A : i32
        %convert_element_type3A_265 = arith.extui %ge3A_264 : i1 to i32
        %cond3A_266 = arith.constant 0 : i32
        %cond3A_267 = arith.cmpi ne, %convert_element_type3A_265, %cond3A_266 : i32
        scf.if %cond3A_267 {
          %sub3A = arith.constant 1 : i32
          %sub3A_284 = arith.subi %add3A_223, %sub3A : i32
          %mul3A_285 = arith.constant 80 : i32
          %mul3A_286 = arith.muli %sub3A_284, %mul3A_285 : i32
          %add3A_287 = arith.addi %mul3A_2, %mul3A_286 : i32
          %dma_wait3A_288 = arith.constant 0 : i32
          %dma_wait3A_289 = arith.constant 0 : i32
          %dma_wait3A_290 = arith.constant 0 : i32
          %dma_wait3A_291 = arith.constant 0 : i32
          %dma_wait3A_292 = tpu.memref_slice %arg9[%dma_wait3A_288, %dma_wait3A_290, %dma_wait3A_291] : memref<2x80x256xi32, #tpu.memory_space<vmem>> -> memref<1x80x256xi32, #tpu.memory_space<vmem>>
          %dma_wait3A_293 = tpu.memref_squeeze %dma_wait3A_292 : memref<1x80x256xi32, #tpu.memory_space<vmem>> -> memref<80x256xi32, #tpu.memory_space<vmem>>
          %dma_wait3A_294 = arith.constant 0 : i32
          %dma_wait3A_295 = tpu.memref_slice %arg7[%add3A_287, %dma_wait3A_294] : memref<320000x256xi32, #tpu.memory_space<hbm>> -> memref<80x256xi32, #tpu.memory_space<hbm>>
          %dma_wait3A_296 = tpu.memref_slice %arg11[%dma_wait3A_289] : memref<2x!tpu.dma_semaphore, #tpu.memory_space<semaphore_mem>> -> memref<1x!tpu.dma_semaphore, #tpu.memory_space<semaphore_mem>>
          %dma_wait3A_297 = tpu.memref_squeeze %dma_wait3A_296 : memref<1x!tpu.dma_semaphore, #tpu.memory_space<semaphore_mem>> -> memref<!tpu.dma_semaphore, #tpu.memory_space<semaphore_mem>>
          %dma_wait3A_298 = arith.constant 0 : i32
          %dma_wait3A_299 = tpu.memref_slice %arg7[%add3A_287, %dma_wait3A_298] : memref<320000x256xi32, #tpu.memory_space<hbm>> -> memref<80x256xi32, #tpu.memory_space<hbm>>
          %dma_wait3A_300 = arith.constant 0 : i32
          %dma_wait3A_301 = arith.constant 0 : i32
          %dma_wait3A_302 = tpu.memref_slice %arg9[%dma_wait3A_288, %dma_wait3A_300, %dma_wait3A_301] : memref<2x80x256xi32, #tpu.memory_space<vmem>> -> memref<1x80x256xi32, #tpu.memory_space<vmem>>
          %dma_wait3A_303 = tpu.memref_squeeze %dma_wait3A_302 : memref<1x80x256xi32, #tpu.memory_space<vmem>> -> memref<80x256xi32, #tpu.memory_space<vmem>>
          tpu.wait_dma2 semaphore(%dma_wait3A_297 : memref<!tpu.dma_semaphore, #tpu.memory_space<semaphore_mem>>) src(%dma_wait3A_303 : memref<80x256xi32, #tpu.memory_space<vmem>>) dst(%dma_wait3A_299 : memref<80x256xi32, #tpu.memory_space<hbm>>)
        } else {
        }
        %add3A_268 = arith.constant 1 : i32
        %add3A_269 = arith.addi %add3A_223, %add3A_268 : i32
        %mul3A_270 = arith.constant 80 : i32
        %mul3A_271 = arith.muli %add3A_269, %mul3A_270 : i32
        %dma_start3A_272 = arith.constant 0 : i32
        %dma_start3A_273 = arith.constant 0 : i32
        %dma_start3A_274 = arith.constant 0 : i32
        %dma_start3A_275 = arith.constant 0 : i32
        %dma_start3A_276 = tpu.memref_slice %arg9[%dma_start3A_272, %dma_start3A_274, %dma_start3A_275] : memref<2x80x256xi32, #tpu.memory_space<vmem>> -> memref<1x80x256xi32, #tpu.memory_space<vmem>>
        %dma_start3A_277 = tpu.memref_squeeze %dma_start3A_276 : memref<1x80x256xi32, #tpu.memory_space<vmem>> -> memref<80x256xi32, #tpu.memory_space<vmem>>
        %dma_start3A_278 = tpu.memref_slice %arg8[%mul3A_271] : memref<10000xi32, #tpu.memory_space<vmem>> -> memref<80xi32, #tpu.memory_space<vmem>>
        %dma_start3A_279 = arith.constant 0 : i32
        %dma_start3A_280 = arith.constant 0 : i32
        %dma_start3A_281 = tpu.memref_slice %arg3[%dma_start3A_279, %dma_start3A_280] : memref<10000x256xi32, #tpu.memory_space<hbm>> -> memref<10000x256xi32, #tpu.memory_space<hbm>>
        %dma_start3A_282 = tpu.memref_slice %arg10[%dma_start3A_273] : memref<2x!tpu.dma_semaphore, #tpu.memory_space<semaphore_mem>> -> memref<1x!tpu.dma_semaphore, #tpu.memory_space<semaphore_mem>>
        %dma_start3A_283 = tpu.memref_squeeze %dma_start3A_282 : memref<1x!tpu.dma_semaphore, #tpu.memory_space<semaphore_mem>> -> memref<!tpu.dma_semaphore, #tpu.memory_space<semaphore_mem>>
        tpu.enqueue_indirect_dma source(%dma_start3A_281 : memref<10000x256xi32, #tpu.memory_space<hbm>>) target(%dma_start3A_277 : memref<80x256xi32, #tpu.memory_space<vmem>>) offsets(%dma_start3A_278 : memref<80xi32, #tpu.memory_space<vmem>>) semaphore(%dma_start3A_283 : memref<!tpu.dma_semaphore, #tpu.memory_space<semaphore_mem>>)
      } else {
      }
      %mul3A_245 = arith.constant 80 : i32
      %mul3A_246 = arith.muli %add3A_223, %mul3A_245 : i32
      %add3A_247 = arith.addi %mul3A_2, %mul3A_246 : i32
      %dma_start3A_248 = arith.constant 1 : i32
      %dma_start3A_249 = arith.constant 1 : i32
      %dma_start3A_250 = arith.constant 0 : i32
      %dma_start3A_251 = arith.constant 0 : i32
      %dma_start3A_252 = tpu.memref_slice %arg9[%dma_start3A_248, %dma_start3A_250, %dma_start3A_251] : memref<2x80x256xi32, #tpu.memory_space<vmem>> -> memref<1x80x256xi32, #tpu.memory_space<vmem>>
      %dma_start3A_253 = tpu.memref_squeeze %dma_start3A_252 : memref<1x80x256xi32, #tpu.memory_space<vmem>> -> memref<80x256xi32, #tpu.memory_space<vmem>>
      %dma_start3A_254 = arith.constant 0 : i32
      %dma_start3A_255 = tpu.memref_slice %arg7[%add3A_247, %dma_start3A_254] : memref<320000x256xi32, #tpu.memory_space<hbm>> -> memref<80x256xi32, #tpu.memory_space<hbm>>
      %dma_start3A_256 = tpu.memref_slice %arg11[%dma_start3A_249] : memref<2x!tpu.dma_semaphore, #tpu.memory_space<semaphore_mem>> -> memref<1x!tpu.dma_semaphore, #tpu.memory_space<semaphore_mem>>
      %dma_start3A_257 = tpu.memref_squeeze %dma_start3A_256 : memref<1x!tpu.dma_semaphore, #tpu.memory_space<semaphore_mem>> -> memref<!tpu.dma_semaphore, #tpu.memory_space<semaphore_mem>>
      %dma_start3A_258 = arith.constant 0 : i32
      %dma_start3A_259 = tpu.memref_slice %arg7[%add3A_247, %dma_start3A_258] : memref<320000x256xi32, #tpu.memory_space<hbm>> -> memref<80x256xi32, #tpu.memory_space<hbm>>
      %dma_start3A_260 = arith.constant 0 : i32
      %dma_start3A_261 = arith.constant 0 : i32
      %dma_start3A_262 = tpu.memref_slice %arg9[%dma_start3A_248, %dma_start3A_260, %dma_start3A_261] : memref<2x80x256xi32, #tpu.memory_space<vmem>> -> memref<1x80x256xi32, #tpu.memory_space<vmem>>
      %dma_start3A_263 = tpu.memref_squeeze %dma_start3A_262 : memref<1x80x256xi32, #tpu.memory_space<vmem>> -> memref<80x256xi32, #tpu.memory_space<vmem>>
      tpu.enqueue_dma source(%dma_start3A_263 : memref<80x256xi32, #tpu.memory_space<vmem>>) target(%dma_start3A_259 : memref<80x256xi32, #tpu.memory_space<hbm>>) target_semaphore(%dma_start3A_257 : memref<!tpu.dma_semaphore, #tpu.memory_space<semaphore_mem>>)
    }
    %scan3A_110 = arith.constant 62 : i32
    %dma_wait3A_111 = arith.constant 0 : i32
    %dma_wait3A_112 = arith.constant 0 : i32
    %dma_wait3A_113 = arith.constant 0 : i32
    %dma_wait3A_114 = arith.constant 0 : i32
    %dma_wait3A_115 = tpu.memref_slice %arg9[%dma_wait3A_111, %dma_wait3A_113, %dma_wait3A_114] : memref<2x80x256xi32, #tpu.memory_space<vmem>> -> memref<1x80x256xi32, #tpu.memory_space<vmem>>
    %dma_wait3A_116 = tpu.memref_squeeze %dma_wait3A_115 : memref<1x80x256xi32, #tpu.memory_space<vmem>> -> memref<80x256xi32, #tpu.memory_space<vmem>>
    %dma_wait3A_117 = arith.constant 9920 : i32
    %dma_wait3A_118 = tpu.memref_slice %arg8[%dma_wait3A_117] : memref<10000xi32, #tpu.memory_space<vmem>> -> memref<80xi32, #tpu.memory_space<vmem>>
    %dma_wait3A_119 = arith.constant 0 : i32
    %dma_wait3A_120 = arith.constant 0 : i32
    %dma_wait3A_121 = tpu.memref_slice %arg3[%dma_wait3A_119, %dma_wait3A_120] : memref<10000x256xi32, #tpu.memory_space<hbm>> -> memref<10000x256xi32, #tpu.memory_space<hbm>>
    %dma_wait3A_122 = tpu.memref_slice %arg10[%dma_wait3A_112] : memref<2x!tpu.dma_semaphore, #tpu.memory_space<semaphore_mem>> -> memref<1x!tpu.dma_semaphore, #tpu.memory_space<semaphore_mem>>
    %dma_wait3A_123 = tpu.memref_squeeze %dma_wait3A_122 : memref<1x!tpu.dma_semaphore, #tpu.memory_space<semaphore_mem>> -> memref<!tpu.dma_semaphore, #tpu.memory_space<semaphore_mem>>
    tpu.wait_indirect_dma semaphore(%dma_wait3A_123 : memref<!tpu.dma_semaphore, #tpu.memory_space<semaphore_mem>>) src(%dma_wait3A_121 : memref<10000x256xi32, #tpu.memory_space<hbm>>) dst(%dma_wait3A_116 : memref<80x256xi32, #tpu.memory_space<vmem>>)
    %add3A_124 = arith.constant 9920 : i32
    %add3A_125 = arith.addi %mul3A_2, %add3A_124 : i32
    %dma_start3A_126 = arith.constant 0 : i32
    %dma_start3A_127 = arith.constant 0 : i32
    %dma_start3A_128 = arith.constant 0 : i32
    %dma_start3A_129 = arith.constant 0 : i32
    %dma_start3A_130 = tpu.memref_slice %arg9[%dma_start3A_126, %dma_start3A_128, %dma_start3A_129] : memref<2x80x256xi32, #tpu.memory_space<vmem>> -> memref<1x80x256xi32, #tpu.memory_space<vmem>>
    %dma_start3A_131 = tpu.memref_squeeze %dma_start3A_130 : memref<1x80x256xi32, #tpu.memory_space<vmem>> -> memref<80x256xi32, #tpu.memory_space<vmem>>
    %dma_start3A_132 = arith.constant 0 : i32
    %dma_start3A_133 = tpu.memref_slice %arg7[%add3A_125, %dma_start3A_132] : memref<320000x256xi32, #tpu.memory_space<hbm>> -> memref<80x256xi32, #tpu.memory_space<hbm>>
    %dma_start3A_134 = tpu.memref_slice %arg11[%dma_start3A_127] : memref<2x!tpu.dma_semaphore, #tpu.memory_space<semaphore_mem>> -> memref<1x!tpu.dma_semaphore, #tpu.memory_space<semaphore_mem>>
    %dma_start3A_135 = tpu.memref_squeeze %dma_start3A_134 : memref<1x!tpu.dma_semaphore, #tpu.memory_space<semaphore_mem>> -> memref<!tpu.dma_semaphore, #tpu.memory_space<semaphore_mem>>
    %dma_start3A_136 = arith.constant 0 : i32
    %dma_start3A_137 = tpu.memref_slice %arg7[%add3A_125, %dma_start3A_136] : memref<320000x256xi32, #tpu.memory_space<hbm>> -> memref<80x256xi32, #tpu.memory_space<hbm>>
    %dma_start3A_138 = arith.constant 0 : i32
    %dma_start3A_139 = arith.constant 0 : i32
    %dma_start3A_140 = tpu.memref_slice %arg9[%dma_start3A_126, %dma_start3A_138, %dma_start3A_139] : memref<2x80x256xi32, #tpu.memory_space<vmem>> -> memref<1x80x256xi32, #tpu.memory_space<vmem>>
    %dma_start3A_141 = tpu.memref_squeeze %dma_start3A_140 : memref<1x80x256xi32, #tpu.memory_space<vmem>> -> memref<80x256xi32, #tpu.memory_space<vmem>>
    tpu.enqueue_dma source(%dma_start3A_141 : memref<80x256xi32, #tpu.memory_space<vmem>>) target(%dma_start3A_137 : memref<80x256xi32, #tpu.memory_space<hbm>>) target_semaphore(%dma_start3A_135 : memref<!tpu.dma_semaphore, #tpu.memory_space<semaphore_mem>>)
    %add3A_142 = arith.constant 9840 : i32
    %add3A_143 = arith.addi %mul3A_2, %add3A_142 : i32
    %dma_wait3A_144 = arith.constant 1 : i32
    %dma_wait3A_145 = arith.constant 1 : i32
    %dma_wait3A_146 = arith.constant 0 : i32
    %dma_wait3A_147 = arith.constant 0 : i32
    %dma_wait3A_148 = tpu.memref_slice %arg9[%dma_wait3A_144, %dma_wait3A_146, %dma_wait3A_147] : memref<2x80x256xi32, #tpu.memory_space<vmem>> -> memref<1x80x256xi32, #tpu.memory_space<vmem>>
    %dma_wait3A_149 = tpu.memref_squeeze %dma_wait3A_148 : memref<1x80x256xi32, #tpu.memory_space<vmem>> -> memref<80x256xi32, #tpu.memory_space<vmem>>
    %dma_wait3A_150 = arith.constant 0 : i32
    %dma_wait3A_151 = tpu.memref_slice %arg7[%add3A_143, %dma_wait3A_150] : memref<320000x256xi32, #tpu.memory_space<hbm>> -> memref<80x256xi32, #tpu.memory_space<hbm>>
    %dma_wait3A_152 = tpu.memref_slice %arg11[%dma_wait3A_145] : memref<2x!tpu.dma_semaphore, #tpu.memory_space<semaphore_mem>> -> memref<1x!tpu.dma_semaphore, #tpu.memory_space<semaphore_mem>>
    %dma_wait3A_153 = tpu.memref_squeeze %dma_wait3A_152 : memref<1x!tpu.dma_semaphore, #tpu.memory_space<semaphore_mem>> -> memref<!tpu.dma_semaphore, #tpu.memory_space<semaphore_mem>>
    %dma_wait3A_154 = arith.constant 0 : i32
    %dma_wait3A_155 = tpu.memref_slice %arg7[%add3A_143, %dma_wait3A_154] : memref<320000x256xi32, #tpu.memory_space<hbm>> -> memref<80x256xi32, #tpu.memory_space<hbm>>
    %dma_wait3A_156 = arith.constant 0 : i32
    %dma_wait3A_157 = arith.constant 0 : i32
    %dma_wait3A_158 = tpu.memref_slice %arg9[%dma_wait3A_144, %dma_wait3A_156, %dma_wait3A_157] : memref<2x80x256xi32, #tpu.memory_space<vmem>> -> memref<1x80x256xi32, #tpu.memory_space<vmem>>
    %dma_wait3A_159 = tpu.memref_squeeze %dma_wait3A_158 : memref<1x80x256xi32, #tpu.memory_space<vmem>> -> memref<80x256xi32, #tpu.memory_space<vmem>>
    tpu.wait_dma2 semaphore(%dma_wait3A_153 : memref<!tpu.dma_semaphore, #tpu.memory_space<semaphore_mem>>) src(%dma_wait3A_159 : memref<80x256xi32, #tpu.memory_space<vmem>>) dst(%dma_wait3A_155 : memref<80x256xi32, #tpu.memory_space<hbm>>)
    %add3A_160 = arith.constant 9920 : i32
    %add3A_161 = arith.addi %mul3A_2, %add3A_160 : i32
    %dma_wait3A_162 = arith.constant 0 : i32
    %dma_wait3A_163 = arith.constant 0 : i32
    %dma_wait3A_164 = arith.constant 0 : i32
    %dma_wait3A_165 = arith.constant 0 : i32
    %dma_wait3A_166 = tpu.memref_slice %arg9[%dma_wait3A_162, %dma_wait3A_164, %dma_wait3A_165] : memref<2x80x256xi32, #tpu.memory_space<vmem>> -> memref<1x80x256xi32, #tpu.memory_space<vmem>>
    %dma_wait3A_167 = tpu.memref_squeeze %dma_wait3A_166 : memref<1x80x256xi32, #tpu.memory_space<vmem>> -> memref<80x256xi32, #tpu.memory_space<vmem>>
    %dma_wait3A_168 = arith.constant 0 : i32
    %dma_wait3A_169 = tpu.memref_slice %arg7[%add3A_161, %dma_wait3A_168] : memref<320000x256xi32, #tpu.memory_space<hbm>> -> memref<80x256xi32, #tpu.memory_space<hbm>>
    %dma_wait3A_170 = tpu.memref_slice %arg11[%dma_wait3A_163] : memref<2x!tpu.dma_semaphore, #tpu.memory_space<semaphore_mem>> -> memref<1x!tpu.dma_semaphore, #tpu.memory_space<semaphore_mem>>
    %dma_wait3A_171 = tpu.memref_squeeze %dma_wait3A_170 : memref<1x!tpu.dma_semaphore, #tpu.memory_space<semaphore_mem>> -> memref<!tpu.dma_semaphore, #tpu.memory_space<semaphore_mem>>
    %dma_wait3A_172 = arith.constant 0 : i32
    %dma_wait3A_173 = tpu.memref_slice %arg7[%add3A_161, %dma_wait3A_172] : memref<320000x256xi32, #tpu.memory_space<hbm>> -> memref<80x256xi32, #tpu.memory_space<hbm>>
    %dma_wait3A_174 = arith.constant 0 : i32
    %dma_wait3A_175 = arith.constant 0 : i32
    %dma_wait3A_176 = tpu.memref_slice %arg9[%dma_wait3A_162, %dma_wait3A_174, %dma_wait3A_175] : memref<2x80x256xi32, #tpu.memory_space<vmem>> -> memref<1x80x256xi32, #tpu.memory_space<vmem>>
    %dma_wait3A_177 = tpu.memref_squeeze %dma_wait3A_176 : memref<1x80x256xi32, #tpu.memory_space<vmem>> -> memref<80x256xi32, #tpu.memory_space<vmem>>
    tpu.wait_dma2 semaphore(%dma_wait3A_171 : memref<!tpu.dma_semaphore, #tpu.memory_space<semaphore_mem>>) src(%dma_wait3A_177 : memref<80x256xi32, #tpu.memory_space<vmem>>) dst(%dma_wait3A_173 : memref<80x256xi32, #tpu.memory_space<hbm>>)
    return
  }
}

module attributes {stable_mosaic.version = 14 : i64} {
  func.func @_enc_body(%arg0: i32, %arg1: memref<2000x128xf32, #tpu.memory_space<vmem>>, %arg2: memref<128x128xf32, #tpu.memory_space<vmem>>, %arg3: memref<1x128xf32, #tpu.memory_space<vmem>>, %arg4: memref<128x512xf32, #tpu.memory_space<vmem>>, %arg5: memref<1x512xf32, #tpu.memory_space<vmem>>, %arg6: memref<128x512xf32, #tpu.memory_space<vmem>>, %arg7: memref<1x512xf32, #tpu.memory_space<vmem>>, %arg8: memref<2000x256xi32, #tpu.memory_space<vmem>>, %arg9: memref<2000x256xi32, #tpu.memory_space<vmem>>) attributes {dimension_semantics = [#tpu.dimension_semantics<arbitrary>], iteration_bounds = array<i64: 5>, scalar_prefetch = 0 : i64, scratch_operands = 0 : i64, tpu.core_type = #tpu.core_type<tc>, window_params = [{transform_indices = @transform_0, window_bounds = array<i64: 2000, 128>}, {pipeline_mode = #tpu.pipeline_mode<synchronous>, transform_indices = @transform_1, window_bounds = array<i64: 128, 128>}, {pipeline_mode = #tpu.pipeline_mode<synchronous>, transform_indices = @transform_2, window_bounds = array<i64: 1, 128>}, {pipeline_mode = #tpu.pipeline_mode<synchronous>, transform_indices = @transform_3, window_bounds = array<i64: 128, 512>}, {pipeline_mode = #tpu.pipeline_mode<synchronous>, transform_indices = @transform_4, window_bounds = array<i64: 1, 512>}, {pipeline_mode = #tpu.pipeline_mode<synchronous>, transform_indices = @transform_5, window_bounds = array<i64: 128, 512>}, {pipeline_mode = #tpu.pipeline_mode<synchronous>, transform_indices = @transform_6, window_bounds = array<i64: 1, 512>}, {transform_indices = @transform_7, window_bounds = array<i64: 2000, 256>}, {transform_indices = @transform_8, window_bounds = array<i64: 2000, 256>}]} {
    %get3A = arith.constant 0 : index
    %get3A_0 = arith.constant 0 : index
    %get3A_1 = vector.load %arg1[%get3A, %get3A_0] : memref<2000x128xf32, #tpu.memory_space<vmem>>, vector<2000x128xf32>
    %get3A_2 = arith.constant 0 : index
    %get3A_3 = arith.constant 0 : index
    %get3A_4 = vector.load %arg2[%get3A_2, %get3A_3] : memref<128x128xf32, #tpu.memory_space<vmem>>, vector<128x128xf32>
    %dot_general3A = arith.constant dense<0.000000e+00> : vector<2000x128xf32>
    %dot_general3A_5 = tpu.matmul %get3A_1, %get3A_4, %dot_general3A {dimension_numbers = #tpu.dot_dimension_numbers<[1], [0], [0], [1], [0, 0, 1, 1], [], []>, transpose_lhs_hint = false} : vector<2000x128xf32>, vector<128x128xf32>, vector<2000x128xf32> -> vector<2000x128xf32>
    %get3A_6 = arith.constant 0 : index
    %get3A_7 = arith.constant 0 : index
    %get3A_8 = vector.load %arg3[%get3A_6, %get3A_7] : memref<1x128xf32, #tpu.memory_space<vmem>>, vector<1x128xf32>
    %add3A = vector.broadcast %get3A_8 : vector<1x128xf32> to vector<2000x128xf32>
    %add3A_9 = arith.addf %dot_general3A_5, %add3A : vector<2000x128xf32>
    %max3A = arith.constant 0.000000e+00 : f32
    %max3A_10 = vector.broadcast %max3A : f32 to vector<2000x128xf32>
    %max3A_11 = arith.maximumf %add3A_9, %max3A_10 : vector<2000x128xf32>
    %get3A_12 = arith.constant 0 : index
    %get3A_13 = arith.constant 0 : index
    %get3A_14 = vector.load %arg4[%get3A_12, %get3A_13] : memref<128x512xf32, #tpu.memory_space<vmem>>, vector<128x512xf32>
    %dot_general3A_15 = arith.constant dense<0.000000e+00> : vector<2000x512xf32>
    %dot_general3A_16 = tpu.matmul %max3A_11, %get3A_14, %dot_general3A_15 {dimension_numbers = #tpu.dot_dimension_numbers<[1], [0], [0], [1], [0, 0, 1, 1], [], []>, transpose_lhs_hint = false} : vector<2000x128xf32>, vector<128x512xf32>, vector<2000x512xf32> -> vector<2000x512xf32>
    %get3A_17 = arith.constant 0 : index
    %get3A_18 = arith.constant 0 : index
    %get3A_19 = vector.load %arg5[%get3A_17, %get3A_18] : memref<1x512xf32, #tpu.memory_space<vmem>>, vector<1x512xf32>
    %add3A_20 = vector.broadcast %get3A_19 : vector<1x512xf32> to vector<2000x512xf32>
    %add3A_21 = arith.addf %dot_general3A_16, %add3A_20 : vector<2000x512xf32>
    %slice3A = vector.extract_strided_slice %add3A_21 {offsets = [0, 0], sizes = [2000, 256], strides = [1, 1]} : vector<2000x512xf32> to vector<2000x256xf32>
    %convert_element_type3A = arith.truncf %slice3A : vector<2000x256xf32> to vector<2000x256xbf16>
    %convert_element_type3A_22 = arith.extf %convert_element_type3A : vector<2000x256xbf16> to vector<2000x256xf32>
    %slice3A_23 = vector.extract_strided_slice %add3A_21 {offsets = [0, 256], sizes = [2000, 256], strides = [1, 1]} : vector<2000x512xf32> to vector<2000x256xf32>
    %convert_element_type3A_24 = arith.truncf %slice3A_23 : vector<2000x256xf32> to vector<2000x256xbf16>
    %convert_element_type3A_25 = arith.extf %convert_element_type3A_24 : vector<2000x256xbf16> to vector<2000x256xf32>
    %bitcast_convert_type3A = tpu.bitcast %convert_element_type3A_22 : vector<2000x256xf32> -> vector<2000x256xi32>
    %shift_right_logical3A = arith.constant 16 : i32
    %shift_right_logical3A_26 = vector.broadcast %shift_right_logical3A : i32 to vector<2000x256xi32>
    %shift_right_logical3A_27 = arith.shrui %bitcast_convert_type3A, %shift_right_logical3A_26 : vector<2000x256xi32>
    %bitcast_convert_type3A_28 = tpu.bitcast %convert_element_type3A_25 : vector<2000x256xf32> -> vector<2000x256xi32>
    %and3A = arith.constant -65536 : i32
    %and3A_29 = vector.broadcast %and3A : i32 to vector<2000x256xi32>
    %and3A_30 = arith.andi %bitcast_convert_type3A_28, %and3A_29 : vector<2000x256xi32>
    %or3A = arith.ori %shift_right_logical3A_27, %and3A_30 : vector<2000x256xi32>
    %swap3A = arith.constant 0 : index
    %swap3A_31 = arith.constant 0 : index
    %swap3A_32 = vector.load %arg8[%swap3A, %swap3A_31] : memref<2000x256xi32, #tpu.memory_space<vmem>>, vector<2000x256xi32>
    tpu.vector_store %arg8[%swap3A, %swap3A_31], %or3A {strides = array<i32>} : memref<2000x256xi32, #tpu.memory_space<vmem>>, vector<2000x256xi32>,
    %get3A_33 = arith.constant 0 : index
    %get3A_34 = arith.constant 0 : index
    %get3A_35 = vector.load %arg6[%get3A_33, %get3A_34] : memref<128x512xf32, #tpu.memory_space<vmem>>, vector<128x512xf32>
    %dot_general3A_36 = arith.constant dense<0.000000e+00> : vector<2000x512xf32>
    %dot_general3A_37 = tpu.matmul %max3A_11, %get3A_35, %dot_general3A_36 {dimension_numbers = #tpu.dot_dimension_numbers<[1], [0], [0], [1], [0, 0, 1, 1], [], []>, transpose_lhs_hint = false} : vector<2000x128xf32>, vector<128x512xf32>, vector<2000x512xf32> -> vector<2000x512xf32>
    %get3A_38 = arith.constant 0 : index
    %get3A_39 = arith.constant 0 : index
    %get3A_40 = vector.load %arg7[%get3A_38, %get3A_39] : memref<1x512xf32, #tpu.memory_space<vmem>>, vector<1x512xf32>
    %add3A_41 = vector.broadcast %get3A_40 : vector<1x512xf32> to vector<2000x512xf32>
    %add3A_42 = arith.addf %dot_general3A_37, %add3A_41 : vector<2000x512xf32>
    %slice3A_43 = vector.extract_strided_slice %add3A_42 {offsets = [0, 0], sizes = [2000, 256], strides = [1, 1]} : vector<2000x512xf32> to vector<2000x256xf32>
    %convert_element_type3A_44 = arith.truncf %slice3A_43 : vector<2000x256xf32> to vector<2000x256xbf16>
    %convert_element_type3A_45 = arith.extf %convert_element_type3A_44 : vector<2000x256xbf16> to vector<2000x256xf32>
    %slice3A_46 = vector.extract_strided_slice %add3A_42 {offsets = [0, 256], sizes = [2000, 256], strides = [1, 1]} : vector<2000x512xf32> to vector<2000x256xf32>
    %convert_element_type3A_47 = arith.truncf %slice3A_46 : vector<2000x256xf32> to vector<2000x256xbf16>
    %convert_element_type3A_48 = arith.extf %convert_element_type3A_47 : vector<2000x256xbf16> to vector<2000x256xf32>
    %bitcast_convert_type3A_49 = tpu.bitcast %convert_element_type3A_45 : vector<2000x256xf32> -> vector<2000x256xi32>
    %shift_right_logical3A_50 = arith.constant 16 : i32
    %shift_right_logical3A_51 = vector.broadcast %shift_right_logical3A_50 : i32 to vector<2000x256xi32>
    %shift_right_logical3A_52 = arith.shrui %bitcast_convert_type3A_49, %shift_right_logical3A_51 : vector<2000x256xi32>
    %bitcast_convert_type3A_53 = tpu.bitcast %convert_element_type3A_48 : vector<2000x256xf32> -> vector<2000x256xi32>
    %and3A_54 = arith.constant -65536 : i32
    %and3A_55 = vector.broadcast %and3A_54 : i32 to vector<2000x256xi32>
    %and3A_56 = arith.andi %bitcast_convert_type3A_53, %and3A_55 : vector<2000x256xi32>
    %or3A_57 = arith.ori %shift_right_logical3A_52, %and3A_56 : vector<2000x256xi32>
    %swap3A_58 = arith.constant 0 : index
    %swap3A_59 = arith.constant 0 : index
    %swap3A_60 = vector.load %arg9[%swap3A_58, %swap3A_59] : memref<2000x256xi32, #tpu.memory_space<vmem>>, vector<2000x256xi32>
    tpu.vector_store %arg9[%swap3A_58, %swap3A_59], %or3A_57 {strides = array<i32>} : memref<2000x256xi32, #tpu.memory_space<vmem>>, vector<2000x256xi32>,
    return
  }
  func.func @transform_0(%arg0: i32) -> (i32, i32) {
    %c0_i32 = arith.constant 0 : i32
    %c0_i32_0 = arith.constant 0 : i32
    return %arg0, %c0_i32 : i32, i32
  }
  func.func @transform_1(%arg0: i32) -> (i32, i32) {
    %c0_i32 = arith.constant 0 : i32
    %c0_i32_0 = arith.constant 0 : i32
    %c0_i32_1 = arith.constant 0 : i32
    return %c0_i32, %c0_i32_0 : i32, i32
  }
  func.func @transform_2(%arg0: i32) -> (i32, i32) {
    %c0_i32 = arith.constant 0 : i32
    %c0_i32_0 = arith.constant 0 : i32
    %c0_i32_1 = arith.constant 0 : i32
    return %c0_i32, %c0_i32_0 : i32, i32
  }
  func.func @transform_3(%arg0: i32) -> (i32, i32) {
    %c0_i32 = arith.constant 0 : i32
    %c0_i32_0 = arith.constant 0 : i32
    %c0_i32_1 = arith.constant 0 : i32
    return %c0_i32, %c0_i32_0 : i32, i32
  }
  func.func @transform_4(%arg0: i32) -> (i32, i32) {
    %c0_i32 = arith.constant 0 : i32
    %c0_i32_0 = arith.constant 0 : i32
    %c0_i32_1 = arith.constant 0 : i32
    return %c0_i32, %c0_i32_0 : i32, i32
  }
  func.func @transform_5(%arg0: i32) -> (i32, i32) {
    %c0_i32 = arith.constant 0 : i32
    %c0_i32_0 = arith.constant 0 : i32
    %c0_i32_1 = arith.constant 0 : i32
    return %c0_i32, %c0_i32_0 : i32, i32
  }
  func.func @transform_6(%arg0: i32) -> (i32, i32) {
    %c0_i32 = arith.constant 0 : i32
    %c0_i32_0 = arith.constant 0 : i32
    %c0_i32_1 = arith.constant 0 : i32
    return %c0_i32, %c0_i32_0 : i32, i32
  }
  func.func @transform_7(%arg0: i32) -> (i32, i32) {
    %c0_i32 = arith.constant 0 : i32
    %c0_i32_0 = arith.constant 0 : i32
    return %arg0, %c0_i32 : i32, i32
  }
  func.func @transform_8(%arg0: i32) -> (i32, i32) {
    %c0_i32 = arith.constant 0 : i32
    %c0_i32_0 = arith.constant 0 : i32
    return %arg0, %c0_i32 : i32, i32
  }
}

module attributes {stable_mosaic.version = 14 : i64} {
  func.func @_logit_body(%arg0: i32, %arg1: memref<2000x256xi32, #tpu.memory_space<vmem>>, %arg2: memref<2000x256xi32, #tpu.memory_space<vmem>>, %arg3: memref<2000x16xf32, #tpu.memory_space<vmem>>, %arg4: memref<16x128xf32, #tpu.memory_space<vmem>>, %arg5: memref<1x128xf32, #tpu.memory_space<vmem>>, %arg6: memref<128x512xf32, #tpu.memory_space<vmem>>, %arg7: memref<512x4xf32, #tpu.memory_space<vmem>>, %arg8: memref<2000x528xf32, #tpu.memory_space<vmem>>) attributes {dimension_semantics = [#tpu.dimension_semantics<arbitrary>], iteration_bounds = array<i64: 160>, scalar_prefetch = 0 : i64, scratch_operands = 0 : i64, tpu.core_type = #tpu.core_type<tc>, window_params = [{transform_indices = @transform_0, window_bounds = array<i64: 2000, 256>}, {transform_indices = @transform_1, window_bounds = array<i64: 2000, 256>}, {transform_indices = @transform_2, window_bounds = array<i64: 2000, 16>}, {pipeline_mode = #tpu.pipeline_mode<synchronous>, transform_indices = @transform_3, window_bounds = array<i64: 16, 128>}, {pipeline_mode = #tpu.pipeline_mode<synchronous>, transform_indices = @transform_4, window_bounds = array<i64: 1, 128>}, {pipeline_mode = #tpu.pipeline_mode<synchronous>, transform_indices = @transform_5, window_bounds = array<i64: 128, 512>}, {pipeline_mode = #tpu.pipeline_mode<synchronous>, transform_indices = @transform_6, window_bounds = array<i64: 512, 4>}, {transform_indices = @transform_7, window_bounds = array<i64: 2000, 528>}]} {
    %get3A = arith.constant 0 : index
    %get3A_0 = arith.constant 0 : index
    %get3A_1 = vector.load %arg3[%get3A, %get3A_0] : memref<2000x16xf32, #tpu.memory_space<vmem>>, vector<2000x16xf32>
    %get3A_2 = arith.constant 0 : index
    %get3A_3 = arith.constant 0 : index
    %get3A_4 = vector.load %arg4[%get3A_2, %get3A_3] : memref<16x128xf32, #tpu.memory_space<vmem>>, vector<16x128xf32>
    %dot_general3A = arith.constant dense<0.000000e+00> : vector<2000x128xf32>
    %dot_general3A_5 = tpu.matmul %get3A_1, %get3A_4, %dot_general3A {dimension_numbers = #tpu.dot_dimension_numbers<[1], [0], [0], [1], [0, 0, 1, 1], [], []>, transpose_lhs_hint = false} : vector<2000x16xf32>, vector<16x128xf32>, vector<2000x128xf32> -> vector<2000x128xf32>
    %get3A_6 = arith.constant 0 : index
    %get3A_7 = arith.constant 0 : index
    %get3A_8 = vector.load %arg5[%get3A_6, %get3A_7] : memref<1x128xf32, #tpu.memory_space<vmem>>, vector<1x128xf32>
    %add3A = vector.broadcast %get3A_8 : vector<1x128xf32> to vector<2000x128xf32>
    %add3A_9 = arith.addf %dot_general3A_5, %add3A : vector<2000x128xf32>
    %max3A = arith.constant 0.000000e+00 : f32
    %max3A_10 = vector.broadcast %max3A : f32 to vector<2000x128xf32>
    %max3A_11 = arith.maximumf %add3A_9, %max3A_10 : vector<2000x128xf32>
    %get3A_12 = arith.constant 0 : index
    %get3A_13 = arith.constant 0 : index
    %get3A_14 = vector.load %arg6[%get3A_12, %get3A_13] : memref<128x512xf32, #tpu.memory_space<vmem>>, vector<128x512xf32>
    %dot_general3A_15 = arith.constant dense<0.000000e+00> : vector<2000x512xf32>
    %dot_general3A_16 = tpu.matmul %max3A_11, %get3A_14, %dot_general3A_15 {dimension_numbers = #tpu.dot_dimension_numbers<[1], [0], [0], [1], [0, 0, 1, 1], [], []>, transpose_lhs_hint = false} : vector<2000x128xf32>, vector<128x512xf32>, vector<2000x512xf32> -> vector<2000x512xf32>
    %get3A_17 = arith.constant 0 : index
    %get3A_18 = arith.constant 0 : index
    %get3A_19 = vector.load %arg1[%get3A_17, %get3A_18] : memref<2000x256xi32, #tpu.memory_space<vmem>>, vector<2000x256xi32>
    %shift_left3A = arith.constant 16 : i32
    %shift_left3A_20 = vector.broadcast %shift_left3A : i32 to vector<2000x256xi32>
    %shift_left3A_21 = arith.shli %get3A_19, %shift_left3A_20 : vector<2000x256xi32>
    %bitcast_convert_type3A = tpu.bitcast %shift_left3A_21 : vector<2000x256xi32> -> vector<2000x256xf32>
    %and3A = arith.constant -65536 : i32
    %and3A_22 = vector.broadcast %and3A : i32 to vector<2000x256xi32>
    %and3A_23 = arith.andi %get3A_19, %and3A_22 : vector<2000x256xi32>
    %bitcast_convert_type3A_24 = tpu.bitcast %and3A_23 : vector<2000x256xi32> -> vector<2000x256xf32>
    %get3A_25 = arith.constant 0 : index
    %get3A_26 = arith.constant 0 : index
    %get3A_27 = vector.load %arg2[%get3A_25, %get3A_26] : memref<2000x256xi32, #tpu.memory_space<vmem>>, vector<2000x256xi32>
    %shift_left3A_28 = arith.constant 16 : i32
    %shift_left3A_29 = vector.broadcast %shift_left3A_28 : i32 to vector<2000x256xi32>
    %shift_left3A_30 = arith.shli %get3A_27, %shift_left3A_29 : vector<2000x256xi32>
    %bitcast_convert_type3A_31 = tpu.bitcast %shift_left3A_30 : vector<2000x256xi32> -> vector<2000x256xf32>
    %and3A_32 = arith.constant -65536 : i32
    %and3A_33 = vector.broadcast %and3A_32 : i32 to vector<2000x256xi32>
    %and3A_34 = arith.andi %get3A_27, %and3A_33 : vector<2000x256xi32>
    %bitcast_convert_type3A_35 = tpu.bitcast %and3A_34 : vector<2000x256xi32> -> vector<2000x256xf32>
    %get3A_36 = arith.constant 0 : index
    %get3A_37 = arith.constant 0 : index
    %get3A_38 = vector.load %arg7[%get3A_36, %get3A_37] : memref<512x4xf32, #tpu.memory_space<vmem>>, vector<512x4xf32>
    %add3A_39 = arith.addf %bitcast_convert_type3A, %bitcast_convert_type3A_31 : vector<2000x256xf32>
    %slice3A = vector.extract_strided_slice %dot_general3A_16 {offsets = [0, 0], sizes = [2000, 256], strides = [1, 1]} : vector<2000x512xf32> to vector<2000x256xf32>
    %add3A_40 = arith.addf %add3A_39, %slice3A : vector<2000x256xf32>
    %add3A_41 = arith.addf %bitcast_convert_type3A_24, %bitcast_convert_type3A_35 : vector<2000x256xf32>
    %slice3A_42 = vector.extract_strided_slice %dot_general3A_16 {offsets = [0, 256], sizes = [2000, 256], strides = [1, 1]} : vector<2000x512xf32> to vector<2000x256xf32>
    %add3A_43 = arith.addf %add3A_41, %slice3A_42 : vector<2000x256xf32>
    %ge3A = arith.constant 0.000000e+00 : f32
    %ge3A_44 = vector.broadcast %ge3A : f32 to vector<2000x256xf32>
    %ge3A_45 = arith.cmpf oge, %add3A_40, %ge3A_44 : vector<2000x256xf32>
    %mul3A = arith.constant 2.000000e-01 : f32
    %mul3A_46 = vector.broadcast %mul3A : f32 to vector<2000x256xf32>
    %mul3A_47 = arith.mulf %mul3A_46, %add3A_40 : vector<2000x256xf32>
    %select_n3A = arith.select %ge3A_45, %add3A_40, %mul3A_47 : vector<2000x256xi1>, vector<2000x256xf32>
    %ge3A_48 = arith.constant 0.000000e+00 : f32
    %ge3A_49 = vector.broadcast %ge3A_48 : f32 to vector<2000x256xf32>
    %ge3A_50 = arith.cmpf oge, %add3A_43, %ge3A_49 : vector<2000x256xf32>
    %mul3A_51 = arith.constant 2.000000e-01 : f32
    %mul3A_52 = vector.broadcast %mul3A_51 : f32 to vector<2000x256xf32>
    %mul3A_53 = arith.mulf %mul3A_52, %add3A_43 : vector<2000x256xf32>
    %select_n3A_54 = arith.select %ge3A_50, %add3A_43, %mul3A_53 : vector<2000x256xi1>, vector<2000x256xf32>
    %slice3A_55 = vector.extract_strided_slice %get3A_38 {offsets = [0, 0], sizes = [256, 4], strides = [1, 1]} : vector<512x4xf32> to vector<256x4xf32>
    %dot_general3A_56 = arith.constant dense<0.000000e+00> : vector<2000x4xf32>
    %dot_general3A_57 = tpu.matmul %select_n3A, %slice3A_55, %dot_general3A_56 {dimension_numbers = #tpu.dot_dimension_numbers<[1], [0], [0], [1], [0, 0, 1, 1], [], []>, transpose_lhs_hint = false} : vector<2000x256xf32>, vector<256x4xf32>, vector<2000x4xf32> -> vector<2000x4xf32>
    %slice3A_58 = vector.extract_strided_slice %get3A_38 {offsets = [256, 0], sizes = [256, 4], strides = [1, 1]} : vector<512x4xf32> to vector<256x4xf32>
    %dot_general3A_59 = arith.constant dense<0.000000e+00> : vector<2000x4xf32>
    %dot_general3A_60 = tpu.matmul %select_n3A_54, %slice3A_58, %dot_general3A_59 {dimension_numbers = #tpu.dot_dimension_numbers<[1], [0], [0], [1], [0, 0, 1, 1], [], []>, transpose_lhs_hint = false} : vector<2000x256xf32>, vector<256x4xf32>, vector<2000x4xf32> -> vector<2000x4xf32>
    %add3A_61 = arith.addf %dot_general3A_57, %dot_general3A_60 : vector<2000x4xf32>
    %exp3A = math.exp %add3A_61 : vector<2000x4xf32>
    %slice3A_62 = vector.extract_strided_slice %bitcast_convert_type3A {offsets = [0, 0], sizes = [2000, 128], strides = [1, 1]} : vector<2000x256xf32> to vector<2000x128xf32>
    %slice3A_63 = vector.extract_strided_slice %bitcast_convert_type3A {offsets = [0, 128], sizes = [2000, 128], strides = [1, 1]} : vector<2000x256xf32> to vector<2000x128xf32>
    %slice3A_64 = vector.extract_strided_slice %bitcast_convert_type3A_24 {offsets = [0, 0], sizes = [2000, 128], strides = [1, 1]} : vector<2000x256xf32> to vector<2000x128xf32>
    %slice3A_65 = vector.extract_strided_slice %bitcast_convert_type3A_24 {offsets = [0, 128], sizes = [2000, 128], strides = [1, 1]} : vector<2000x256xf32> to vector<2000x128xf32>
    %slice3A_66 = vector.extract_strided_slice %exp3A {offsets = [0, 0], sizes = [2000, 1], strides = [1, 1]} : vector<2000x4xf32> to vector<2000x1xf32>
    %mul3A_67 = vector.broadcast %slice3A_66 : vector<2000x1xf32> to vector<2000x128xf32>
    %mul3A_68 = arith.mulf %mul3A_67, %slice3A_62 : vector<2000x128xf32>
    %slice3A_69 = vector.extract_strided_slice %exp3A {offsets = [0, 1], sizes = [2000, 1], strides = [1, 1]} : vector<2000x4xf32> to vector<2000x1xf32>
    %mul3A_70 = vector.broadcast %slice3A_69 : vector<2000x1xf32> to vector<2000x128xf32>
    %mul3A_71 = arith.mulf %mul3A_70, %slice3A_63 : vector<2000x128xf32>
    %slice3A_72 = vector.extract_strided_slice %exp3A {offsets = [0, 2], sizes = [2000, 1], strides = [1, 1]} : vector<2000x4xf32> to vector<2000x1xf32>
    %mul3A_73 = vector.broadcast %slice3A_72 : vector<2000x1xf32> to vector<2000x128xf32>
    %mul3A_74 = arith.mulf %mul3A_73, %slice3A_64 : vector<2000x128xf32>
    %slice3A_75 = vector.extract_strided_slice %exp3A {offsets = [0, 3], sizes = [2000, 1], strides = [1, 1]} : vector<2000x4xf32> to vector<2000x1xf32>
    %mul3A_76 = vector.broadcast %slice3A_75 : vector<2000x1xf32> to vector<2000x128xf32>
    %mul3A_77 = arith.mulf %mul3A_76, %slice3A_65 : vector<2000x128xf32>
    %broadcast_in_dim3A = arith.constant 0.000000e+00 : f32
    %broadcast_in_dim3A_78 = vector.broadcast %broadcast_in_dim3A : f32 to vector<2000x12xf32>
    %concatenate3A = tpu.concatenate %mul3A_68, %mul3A_71, %mul3A_74, %mul3A_77, %exp3A, %broadcast_in_dim3A_78 in 1 : vector<2000x128xf32>, vector<2000x128xf32>, vector<2000x128xf32>, vector<2000x128xf32>, vector<2000x4xf32>, vector<2000x12xf32> -> vector<2000x528xf32>
    %swap3A = arith.constant 0 : index
    %swap3A_79 = arith.constant 0 : index
    %swap3A_80 = vector.load %arg8[%swap3A, %swap3A_79] : memref<2000x528xf32, #tpu.memory_space<vmem>>, vector<2000x528xf32>
    tpu.vector_store %arg8[%swap3A, %swap3A_79], %concatenate3A {strides = array<i32>} : memref<2000x528xf32, #tpu.memory_space<vmem>>, vector<2000x528xf32>,
    return
  }
  func.func @transform_0(%arg0: i32) -> (i32, i32) {
    %c0_i32 = arith.constant 0 : i32
    %c0_i32_0 = arith.constant 0 : i32
    return %arg0, %c0_i32 : i32, i32
  }
  func.func @transform_1(%arg0: i32) -> (i32, i32) {
    %c0_i32 = arith.constant 0 : i32
    %c0_i32_0 = arith.constant 0 : i32
    return %arg0, %c0_i32 : i32, i32
  }
  func.func @transform_2(%arg0: i32) -> (i32, i32) {
    %c0_i32 = arith.constant 0 : i32
    %c0_i32_0 = arith.constant 0 : i32
    return %arg0, %c0_i32 : i32, i32
  }
  func.func @transform_3(%arg0: i32) -> (i32, i32) {
    %c0_i32 = arith.constant 0 : i32
    %c0_i32_0 = arith.constant 0 : i32
    %c0_i32_1 = arith.constant 0 : i32
    return %c0_i32, %c0_i32_0 : i32, i32
  }
  func.func @transform_4(%arg0: i32) -> (i32, i32) {
    %c0_i32 = arith.constant 0 : i32
    %c0_i32_0 = arith.constant 0 : i32
    %c0_i32_1 = arith.constant 0 : i32
    return %c0_i32, %c0_i32_0 : i32, i32
  }
  func.func @transform_5(%arg0: i32) -> (i32, i32) {
    %c0_i32 = arith.constant 0 : i32
    %c0_i32_0 = arith.constant 0 : i32
    %c0_i32_1 = arith.constant 0 : i32
    return %c0_i32, %c0_i32_0 : i32, i32
  }
  func.func @transform_6(%arg0: i32) -> (i32, i32) {
    %c0_i32 = arith.constant 0 : i32
    %c0_i32_0 = arith.constant 0 : i32
    %c0_i32_1 = arith.constant 0 : i32
    return %c0_i32, %c0_i32_0 : i32, i32
  }
  func.func @transform_7(%arg0: i32) -> (i32, i32) {
    %c0_i32 = arith.constant 0 : i32
    %c0_i32_0 = arith.constant 0 : i32
    return %arg0, %c0_i32 : i32, i32
  }
}

module attributes {stable_mosaic.version = 14 : i64} {
  func.func @_dec_body(%arg0: i32, %arg1: memref<2000x528xf32, #tpu.memory_space<vmem>>, %arg2: memref<1x512xf32, #tpu.memory_space<vmem>>, %arg3: memref<512x128xf32, #tpu.memory_space<vmem>>, %arg4: memref<1x128xf32, #tpu.memory_space<vmem>>, %arg5: memref<128x6xf32, #tpu.memory_space<vmem>>, %arg6: memref<1x6xf32, #tpu.memory_space<vmem>>, %arg7: memref<2000x6xf32, #tpu.memory_space<vmem>>) attributes {dimension_semantics = [#tpu.dimension_semantics<arbitrary>], iteration_bounds = array<i64: 5>, scalar_prefetch = 0 : i64, scratch_operands = 0 : i64, tpu.core_type = #tpu.core_type<tc>, window_params = [{transform_indices = @transform_0, window_bounds = array<i64: 2000, 528>}, {pipeline_mode = #tpu.pipeline_mode<synchronous>, transform_indices = @transform_1, window_bounds = array<i64: 1, 512>}, {pipeline_mode = #tpu.pipeline_mode<synchronous>, transform_indices = @transform_2, window_bounds = array<i64: 512, 128>}, {pipeline_mode = #tpu.pipeline_mode<synchronous>, transform_indices = @transform_3, window_bounds = array<i64: 1, 128>}, {pipeline_mode = #tpu.pipeline_mode<synchronous>, transform_indices = @transform_4, window_bounds = array<i64: 128, 6>}, {pipeline_mode = #tpu.pipeline_mode<synchronous>, transform_indices = @transform_5, window_bounds = array<i64: 1, 6>}, {transform_indices = @transform_6, window_bounds = array<i64: 2000, 6>}]} {
    %get3A = arith.constant 0 : index
    %get3A_0 = arith.constant 0 : index
    %get3A_1 = vector.load %arg1[%get3A, %get3A_0] : memref<2000x528xf32, #tpu.memory_space<vmem>>, vector<2000x528xf32>
    %slice3A = vector.extract_strided_slice %get3A_1 {offsets = [0, 512], sizes = [2000, 4], strides = [1, 1]} : vector<2000x528xf32> to vector<2000x4xf32>
    %slice3A_2 = vector.extract_strided_slice %get3A_1 {offsets = [0, 0], sizes = [2000, 128], strides = [1, 1]} : vector<2000x528xf32> to vector<2000x128xf32>
    %slice3A_3 = vector.extract_strided_slice %slice3A {offsets = [0, 0], sizes = [2000, 1], strides = [1, 1]} : vector<2000x4xf32> to vector<2000x1xf32>
    %add3A = arith.constant 1.000000e-16 : f32
    %add3A_4 = vector.broadcast %add3A : f32 to vector<2000x1xf32>
    %add3A_5 = arith.addf %slice3A_3, %add3A_4 : vector<2000x1xf32>
    %div3A = vector.broadcast %add3A_5 : vector<2000x1xf32> to vector<2000x128xf32>
    %div3A_6 = arith.divf %slice3A_2, %div3A : vector<2000x128xf32>
    %slice3A_7 = vector.extract_strided_slice %get3A_1 {offsets = [0, 128], sizes = [2000, 128], strides = [1, 1]} : vector<2000x528xf32> to vector<2000x128xf32>
    %slice3A_8 = vector.extract_strided_slice %slice3A {offsets = [0, 1], sizes = [2000, 1], strides = [1, 1]} : vector<2000x4xf32> to vector<2000x1xf32>
    %add3A_9 = arith.constant 1.000000e-16 : f32
    %add3A_10 = vector.broadcast %add3A_9 : f32 to vector<2000x1xf32>
    %add3A_11 = arith.addf %slice3A_8, %add3A_10 : vector<2000x1xf32>
    %div3A_12 = vector.broadcast %add3A_11 : vector<2000x1xf32> to vector<2000x128xf32>
    %div3A_13 = arith.divf %slice3A_7, %div3A_12 : vector<2000x128xf32>
    %slice3A_14 = vector.extract_strided_slice %get3A_1 {offsets = [0, 256], sizes = [2000, 128], strides = [1, 1]} : vector<2000x528xf32> to vector<2000x128xf32>
    %slice3A_15 = vector.extract_strided_slice %slice3A {offsets = [0, 2], sizes = [2000, 1], strides = [1, 1]} : vector<2000x4xf32> to vector<2000x1xf32>
    %add3A_16 = arith.constant 1.000000e-16 : f32
    %add3A_17 = vector.broadcast %add3A_16 : f32 to vector<2000x1xf32>
    %add3A_18 = arith.addf %slice3A_15, %add3A_17 : vector<2000x1xf32>
    %div3A_19 = vector.broadcast %add3A_18 : vector<2000x1xf32> to vector<2000x128xf32>
    %div3A_20 = arith.divf %slice3A_14, %div3A_19 : vector<2000x128xf32>
    %slice3A_21 = vector.extract_strided_slice %get3A_1 {offsets = [0, 384], sizes = [2000, 128], strides = [1, 1]} : vector<2000x528xf32> to vector<2000x128xf32>
    %slice3A_22 = vector.extract_strided_slice %slice3A {offsets = [0, 3], sizes = [2000, 1], strides = [1, 1]} : vector<2000x4xf32> to vector<2000x1xf32>
    %add3A_23 = arith.constant 1.000000e-16 : f32
    %add3A_24 = vector.broadcast %add3A_23 : f32 to vector<2000x1xf32>
    %add3A_25 = arith.addf %slice3A_22, %add3A_24 : vector<2000x1xf32>
    %div3A_26 = vector.broadcast %add3A_25 : vector<2000x1xf32> to vector<2000x128xf32>
    %div3A_27 = arith.divf %slice3A_21, %div3A_26 : vector<2000x128xf32>
    %concatenate3A = tpu.concatenate %div3A_6, %div3A_13, %div3A_20, %div3A_27 in 1 : vector<2000x128xf32>, vector<2000x128xf32>, vector<2000x128xf32>, vector<2000x128xf32> -> vector<2000x512xf32>
    %get3A_28 = arith.constant 0 : index
    %get3A_29 = arith.constant 0 : index
    %get3A_30 = vector.load %arg2[%get3A_28, %get3A_29] : memref<1x512xf32, #tpu.memory_space<vmem>>, vector<1x512xf32>
    %add3A_31 = vector.broadcast %get3A_30 : vector<1x512xf32> to vector<2000x512xf32>
    %add3A_32 = arith.addf %concatenate3A, %add3A_31 : vector<2000x512xf32>
    %get3A_33 = arith.constant 0 : index
    %get3A_34 = arith.constant 0 : index
    %get3A_35 = vector.load %arg3[%get3A_33, %get3A_34] : memref<512x128xf32, #tpu.memory_space<vmem>>, vector<512x128xf32>
    %dot_general3A = arith.constant dense<0.000000e+00> : vector<2000x128xf32>
    %dot_general3A_36 = tpu.matmul %add3A_32, %get3A_35, %dot_general3A {dimension_numbers = #tpu.dot_dimension_numbers<[1], [0], [0], [1], [0, 0, 1, 1], [], []>, transpose_lhs_hint = false} : vector<2000x512xf32>, vector<512x128xf32>, vector<2000x128xf32> -> vector<2000x128xf32>
    %get3A_37 = arith.constant 0 : index
    %get3A_38 = arith.constant 0 : index
    %get3A_39 = vector.load %arg4[%get3A_37, %get3A_38] : memref<1x128xf32, #tpu.memory_space<vmem>>, vector<1x128xf32>
    %add3A_40 = vector.broadcast %get3A_39 : vector<1x128xf32> to vector<2000x128xf32>
    %add3A_41 = arith.addf %dot_general3A_36, %add3A_40 : vector<2000x128xf32>
    %max3A = arith.constant 0.000000e+00 : f32
    %max3A_42 = vector.broadcast %max3A : f32 to vector<2000x128xf32>
    %max3A_43 = arith.maximumf %add3A_41, %max3A_42 : vector<2000x128xf32>
    %get3A_44 = arith.constant 0 : index
    %get3A_45 = arith.constant 0 : index
    %get3A_46 = vector.load %arg5[%get3A_44, %get3A_45] : memref<128x6xf32, #tpu.memory_space<vmem>>, vector<128x6xf32>
    %dot_general3A_47 = arith.constant dense<0.000000e+00> : vector<2000x6xf32>
    %dot_general3A_48 = tpu.matmul %max3A_43, %get3A_46, %dot_general3A_47 {dimension_numbers = #tpu.dot_dimension_numbers<[1], [0], [0], [1], [0, 0, 1, 1], [], []>, transpose_lhs_hint = false} : vector<2000x128xf32>, vector<128x6xf32>, vector<2000x6xf32> -> vector<2000x6xf32>
    %get3A_49 = arith.constant 0 : index
    %get3A_50 = arith.constant 0 : index
    %get3A_51 = vector.load %arg6[%get3A_49, %get3A_50] : memref<1x6xf32, #tpu.memory_space<vmem>>, vector<1x6xf32>
    %add3A_52 = vector.broadcast %get3A_51 : vector<1x6xf32> to vector<2000x6xf32>
    %add3A_53 = arith.addf %dot_general3A_48, %add3A_52 : vector<2000x6xf32>
    %swap3A = arith.constant 0 : index
    %swap3A_54 = arith.constant 0 : index
    %swap3A_55 = vector.load %arg7[%swap3A, %swap3A_54] : memref<2000x6xf32, #tpu.memory_space<vmem>>, vector<2000x6xf32>
    tpu.vector_store %arg7[%swap3A, %swap3A_54], %add3A_53 {strides = array<i32>} : memref<2000x6xf32, #tpu.memory_space<vmem>>, vector<2000x6xf32>,
    return
  }
  func.func @transform_0(%arg0: i32) -> (i32, i32) {
    %c0_i32 = arith.constant 0 : i32
    %c0_i32_0 = arith.constant 0 : i32
    return %arg0, %c0_i32 : i32, i32
  }
  func.func @transform_1(%arg0: i32) -> (i32, i32) {
    %c0_i32 = arith.constant 0 : i32
    %c0_i32_0 = arith.constant 0 : i32
    %c0_i32_1 = arith.constant 0 : i32
    return %c0_i32, %c0_i32_0 : i32, i32
  }
  func.func @transform_2(%arg0: i32) -> (i32, i32) {
    %c0_i32 = arith.constant 0 : i32
    %c0_i32_0 = arith.constant 0 : i32
    %c0_i32_1 = arith.constant 0 : i32
    return %c0_i32, %c0_i32_0 : i32, i32
  }
  func.func @transform_3(%arg0: i32) -> (i32, i32) {
    %c0_i32 = arith.constant 0 : i32
    %c0_i32_0 = arith.constant 0 : i32
    %c0_i32_1 = arith.constant 0 : i32
    return %c0_i32, %c0_i32_0 : i32, i32
  }
  func.func @transform_4(%arg0: i32) -> (i32, i32) {
    %c0_i32 = arith.constant 0 : i32
    %c0_i32_0 = arith.constant 0 : i32
    %c0_i32_1 = arith.constant 0 : i32
    return %c0_i32, %c0_i32_0 : i32, i32
  }
  func.func @transform_5(%arg0: i32) -> (i32, i32) {
    %c0_i32 = arith.constant 0 : i32
    %c0_i32_0 = arith.constant 0 : i32
    %c0_i32_1 = arith.constant 0 : i32
    return %c0_i32, %c0_i32_0 : i32, i32
  }
  func.func @transform_6(%arg0: i32) -> (i32, i32) {
    %c0_i32 = arith.constant 0 : i32
    %c0_i32_0 = arith.constant 0 : i32
    return %arg0, %c0_i32 : i32, i32
  }
}

</mosaic_0001>

<sc_bundles>
// kernel: kernel.6.cloned.1.call-start
scs
__scs_entry_jumppad:
0x0: {  	(pc) =	sbr.rel $0x88, $3  }
0x1: {  	(tag) =	ssettag $0x0;
	lr =	simm.s32 $0x1  }
0x2: {  	[smem:$0x3F8F] =	sst lr;
	_ =	strace $0xD0000000  }
0x3: {  	_ = 	snop  }
0x4: {  	_ = 	snop  }
0x5: {  	_ = 	snop  }
0x6: {  	_ = 	snop  }
0x7: {  	_ = 	snop  }
__scs_overlays_trampoline_lowered:
0x8: {  	[smem:$0x3F9E] =	sst s0  }
0x9: {  	[smem:$0x3F9F] =	sst s1  }
0xa: {  	[smem:$0x3FA0] =	sst s2  }
0xb: {  	[smem:$0x3FA1] =	sst s3  }
0xc: {  	[smem:$0x3FA2] =	sst s4  }
0xd: {  	[smem:$0x3FA3] =	sst s5  }
0xe: {  	[smem:$0x3FA4] =	sst s6  }
0xf: {  	[smem:$0x3FA5] =	sst s7  }
0x10: {  	[smem:$0x3FA6] =	sst s8  }
0x11: {  	[smem:$0x3FA7] =	sst s9;
	s0 =	simm.s32 @!p0 $0x0  }
0x12: {  	s1 =	sld [smem:$0x3F8D];
	s0 =	simm.s32 @p0 $0x1  }
0x13: {  	[smem:$0x3FA8] =	sst s0;
	s0 =	simm.s32 @!p1 $0x0  }
0x14: {  	s2 =	sld [smem:$0x3F8C];
	s0 =	simm.s32 @p1 $0x1  }
0x15: {  	[smem:$0x3FA9] =	sst s0;
	s0 =	simm.s32 @!p2 $0x0  }
0x16: {  	s3 =	sld [smem:$0x3FDB];
	s0 =	simm.s32 @p2 $0x1  }
0x17: {  	s4 =	simm.s32 $0x1BF5;
	[smem:$0x3FAB] =	sst s0  }
0x18: {  	s0 =	sld [smem:$0x3F8E];
	_ =	swait.ge [sflag:s4], $0x0  }
0x19: {  	s7 =	sld [smem:$0x3F8F]  }
0x1a: {  	s8 =	sadd.s32 $0xFFFFE003, lr  }
0x1b: {  	s9 =	sadd.s32 $0xFFFFFEF7, lr;
	s5 =	simm.s32 $0xFFFFFFFF;
	p2 =	slt.u32 s8, $0xFFFFF086  }
0x1c: {  	p1 =	slt.u32 s9, $0xF7A;
	s5 =	simm.s32 @!p2 $0x0  }
0x1d: {  	s5 =	simm.s32 @p1 $0x1;
	p0 =	seq.s32 s7, s2  }
0x1e: {  	s7 =	smul.u32 @!p0 $0xF7A, s2;
	p2 =	seq.s32 @!p0 s5, $0x0  }
0x1f: {  	s9 =	smul.u32 $0xF7A, s1;
	s8 =	simm.s32 @!p0 $0x1BF5;
	p2 =	por !p2, p0  }
0x20: {  	[sflag:s8] =	ssyncset.s32 @!p0 $0xFFFFF086;
	s6 =	sadd.s32 @!p0 s3, s7;
	s7 =	simm.s32 @!p0 $0x108  }
0x21: {  	s3 =	sadd.s32 s3, s9;
	s6 =	sadd.s32 @!p0 $0x88, s6;
	s7 =	simm.s32 @p2 $0x1082  }
0x22: {  	[simem:s7], [sflag:s8] =	dma.local @!p0 [hbm:s6], $0xF7A  }
0x23: {  	s9 =	sor.u32 $0xD0000000, s2;
	s6 =	simm.s32 $0x108;
	_ =	swait.ge @!p0 [sflag:s8], $0x0  }
0x24: {  	s3 =	sadd.s32 $0x88, s3;
	s6 =	simm.s32 @!p1 $0x1082;
	[sflag:s4] =	ssyncset.s32 $0xFFFFF086  }
0x25: {  	[simem:s6], [sflag:s4] =	dma.local [hbm:s3], $0xF7A  }
0x26: {  	[smem:$0x3F8F] =	sst s1;
	(tag) =	ssettag s2;
	_ =	strace s9  }
0x27: {  	s1 =	sld [smem:$0x3F9F]  }
0x28: {  	s2 =	sld [smem:$0x3FA0]  }
0x29: {  	s4 =	sld [smem:$0x3FA2]  }
0x2a: {  	p0 =	seq.s32 s5, $0x0;
	s5 =	sld [smem:$0x3FA3]  }
0x2b: {  	s6 =	sld [smem:$0x3FA4]  }
0x2c: {  	s7 =	sld [smem:$0x3FA5]  }
0x2d: {  	s3 =	simm.s32 $0x108;
	s8 =	sld [smem:$0x3FA6]  }
0x2e: {  	s3 =	simm.s32 @!p0 $0x1082;
	s9 =	sld [smem:$0x3FA7]  }
0x2f: {  	lr =	sadd.s32 s0, s3;
	s0 =	sld [smem:$0x3F9E]  }
0x30: {  	s3 =	sld [smem:$0x3FA1]  }
0x31: {  	[smem:$0x3FAA] =	sst s10  }
0x32: {  	s10 =	sld [smem:$0x3FA8];
	_ =	sdelay $0x3  }
0x33: {  	p0 =	seq.s32 s10, $0x1;
	s10 =	sld [smem:$0x3FAA];
	_ =	sdelay $0x3  }
0x34: {  	[smem:$0x3FAA] =	sst s10  }
0x35: {  	s10 =	sld [smem:$0x3FA9];
	_ =	sdelay $0x3  }
0x36: {  	p1 =	seq.s32 s10, $0x1;
	s10 =	sld [smem:$0x3FAA];
	_ =	sdelay $0x3  }
0x37: {  	[smem:$0x3FAA] =	sst s10  }
0x38: {  	s10 =	sld [smem:$0x3FAB]  }
0x39: {  	_ = 	snop;
	(pc) =	sbr.ind lr, $3  }
0x3a: {  	_ = 	snop  }
0x3b: {  	_ = 	snop  }
0x3c: {  	p2 =	seq.s32 s10, $0x1;
	s10 =	sld [smem:$0x3FAA]  }
0x3d: {  	_ =	shalt  }
0x3e: {  	_ =	shalt  }
0x3f: {  	_ =	shalt  }
0x40: {  	_ =	shalt  }
0x41: {  	_ =	shalt  }
0x42: {  	_ =	shalt  }
0x43: {  	_ =	shalt  }
0x44: {  	_ =	shalt  }
0x45: {  	_ =	shalt  }
0x46: {  	_ =	shalt  }
0x47: {  	_ =	shalt  }
0x48: {  	_ =	shalt  }
0x49: {  	_ =	shalt  }
0x4a: {  	_ =	shalt  }
0x4b: {  	_ =	shalt  }
0x4c: {  	_ =	shalt  }
0x4d: {  	_ =	shalt  }
0x4e: {  	_ =	shalt  }
0x4f: {  	_ =	shalt  }
0x50: {  	_ =	shalt  }
0x51: {  	_ =	shalt  }
0x52: {  	_ =	shalt  }
0x53: {  	_ =	shalt  }
0x54: {  	_ =	shalt  }
0x55: {  	_ =	shalt  }
0x56: {  	_ =	shalt  }
0x57: {  	_ =	shalt  }
0x58: {  	_ =	shalt  }
0x59: {  	_ =	shalt  }
0x5a: {  	_ =	shalt  }
0x5b: {  	_ =	shalt  }
0x5c: {  	_ =	shalt  }
0x5d: {  	_ =	shalt  }
0x5e: {  	_ =	shalt  }
0x5f: {  	_ =	shalt  }
0x60: {  	_ =	shalt  }
0x61: {  	_ =	shalt  }
0x62: {  	_ =	shalt  }
0x63: {  	_ =	shalt  }
0x64: {  	_ =	shalt  }
0x65: {  	_ =	shalt  }
0x66: {  	_ =	shalt  }
0x67: {  	_ =	shalt  }
0x68: {  	_ =	shalt  }
0x69: {  	_ =	shalt  }
0x6a: {  	_ =	shalt  }
0x6b: {  	_ =	shalt  }
0x6c: {  	_ =	shalt  }
0x6d: {  	_ =	shalt  }
0x6e: {  	_ =	shalt  }
0x6f: {  	_ =	shalt  }
0x70: {  	_ =	shalt  }
0x71: {  	_ =	shalt  }
0x72: {  	_ =	shalt  }
0x73: {  	_ =	shalt  }
0x74: {  	_ =	shalt  }
0x75: {  	_ =	shalt  }
0x76: {  	_ =	shalt  }
0x77: {  	_ =	shalt  }
0x78: {  	_ =	shalt  }
0x79: {  	_ =	shalt  }
0x7a: {  	_ =	shalt  }
0x7b: {  	_ =	shalt  }
0x7c: {  	_ =	shalt  }
0x7d: {  	_ =	shalt  }
0x7e: {  	_ =	shalt  }
0x7f: {  	_ =	shalt  }
0x80: {  	_ =	shalt  }
0x81: {  	_ =	shalt  }
0x82: {  	_ =	shalt  }
0x83: {  	_ =	shalt  }
0x84: {  	_ =	shalt  }
0x85: {  	_ =	shalt  }
0x86: {  	_ =	shalt  }
0x87: {  	_ =	shalt  }
.Lfunc_end0:
.L_simem_size_0:
called_computation.1_lowered:
.L_overlay_start_0:
0x88: {  	s2 =	sld [smem:$0x3FD9]  }
0x89: {  	s3 =	sld [smem:$0x3FFE];
	_ =	sdelay $0x1  }
0x8a: {  	s1 =	srdreg.scid  }
0x8b: {  	s0 =	sand.u32 $0x1, s1  }
0x8c: {  	s16 =	sshll.u32 s0, $0xA;
	s2 =	sadd.s32 s3, s2  }
0x8d: {  	s2 =	sadd.s32 s2, s16  }
0x8e: {  	[smem:$0x3FB6] =	sst s2  }
0x8f: {  	_ = 	snop  }
0x90: {  	(tm) =	ssettm $0x1  }
0x91: {  	s17 =	sld [smem:$0x3FFB];
	_ =	sdelay $0x3  }
0x92: {  	_ =	strace s17  }
0x93: {  	s2 =	sld [smem:$0x3FFC];
	_ =	sdelay $0x3  }
0x94: {  	_ =	strace s2  }
0x95: {  	s2 =	sld [smem:$0x3FFD];
	_ =	sdelay $0x3  }
0x96: {  	_ =	strace s2  }
0x97: {  	_ =	strace $0x8FFFFFFF  }
0x98: {  	s18 =	sld [smem:$0x3FDB];
	_ =	sdelay $0x1  }
0x99: {  	s19 =	simm.s32 $_scs_section_size  }
0x9a: {  	s4 =	simm.s32 $_size__tile_overlayer_lowered;
	s5 =	simm.s32 $_tile_overlayer_lowered  }
0x9b: {  	s22 =	simm.s32 $0x1BFF;
	s21 =	sshll.u32 s5, $0x1;
	s2 =	sadd.s32 s19, s18  }
0x9c: {  	s6 =	simm.s32 $0x0;
	s20 =	sshll.u32 s4, $0x1;
	s4 =	sadd.s32 s21, s2  }
0x9d: {  	[timem:s6], [sflag:s22] =	dma.local [hbm:s4], s20  }
0x9e: {  	_ =	swait.ge [sflag:s22], s20  }
0x9f: {  	s3 =	ssub.s32 $0x0, s20;
	[sflag:s22] =	ssyncset.done $0x0  }
0xa0: {  	[sflag:s22] =	ssyncadd.s32 s3;
	_ =	sdelay $0x1  }
0xa1: {  	s23 =	simm.s32 $0x1B8B  }
0xa2: {  	_ =	swait.ge [sflag:s23], $0x1  }
0xa3: {  	[sflag:s23] =	ssyncset.done $0x0  }
0xa4: {  	s25 =	simm.s32 $0x1B8E;
	s24 =	sld [smem:$0x3FFE];
	[sflag:s23] =	ssyncadd.s32 $0xFFFFFFFF  }
0xa5: {  	s26 =	simm.s32 $execute0_lowered;
	[smem:$0x3FD2] =	sst s25  }
0xa6: {  	s4 =	sshll.u32 s26, $0x1;
	_ =	strace $0x80000046;
	[dreg:$0x1] =	wrdreg $0xFFFFFFFF  }
0xa7: {  	s28 =	simm.s32 $_size_execute0_lowered;
	s2 =	sadd.s32 s2, s4;
	[dreg:$0x0] =	wrdreg $0x0  }
0xa8: {  	s4 =	sshll.u32 s28, $0x1;
	[dreg:$0x2] =	wrdreg s2  }
0xa9: {  	[dreg:$0x3] =	wrdreg s4  }
0xaa: {  	[dreg:$0x4] =	wrdreg $0xC0  }
0xab: {  	_ =	task [dreg:s6], $0x5FFFF  }
0xac: {  	[dreg:$0x1] =	wrdreg $0xFFFFFFFF  }
0xad: {  	[dreg:$0x0] =	wrdreg $0x60  }
0xae: {  	[dreg:$0x2] =	wrdreg s24  }
0xaf: {  	[dreg:$0x3] =	wrdreg $0x9  }
0xb0: {  	_ =	task.clear_ibuf [dreg:s6], $0x4FFFF;
	_ =	strace $0x90000046  }
0xb1: {  	s29 =	simm.s32 $0x9;
	_ =	strace $0x80000048  }
0xb2: {  	_ =	swait.ge [sflag:s29], $0x1  }
0xb3: {  	[sflag:s29] =	ssyncadd.s32 $0xFFFFFFFF  }
0xb4: {  	_ =	strace $0x90000048  }
0xb5: {  	_ =	sfence  }
0xb6: {  	s30 =	sld [smem:$0x0];
	_ =	sdelay $0x2  }
0xb7: {  	s31 =	sshll.u32 s1, $0xD;
	s1 =	sshrl.u32 s1, $0x2  }
0xb8: {  	s3 =	sand.u32 $0x4000, s31;
	s1 =	sadd.s32 s1, s30  }
0xb9: {  	s0 =	sor.u32 s3, s0;
	s1 =	sshll.u32 s1, $0x11  }
0xba: {  	s0 =	sor.u32 s1, s0  }
0xbb: {  	s0 =	sadd.s32 $0x8F2B, s0  }
0xbc: {  	[sflag:s0] =	ssyncadd.remote.s32 $0x1  }
0xbd: {  	_ =	sfence.sel $0xFFFF  }
0xbe: {  	[dreg:$0x0] =	wrdreg $0xFFFFFFFF;
	(pc) =	sbr.abs _section_cstart, $3  }
0xbf: {  	[dreg:$0x1] =	wrdreg $0xFFFFFFFF  }
0xc0: {  	_ =	task.clear_ibuf [dreg:s6], $0x2FFFF;
	_ =	strace $0x9FFFFFFF  }
0xc1: {  	(tm) =	ssettm $0x7FFFFFFF  }
tec
execute0_lowered:
.L_overlay_start_1:
0x0: {  	(tag) =	ssettag $0x1  }
0x1: {  	s0 =	srdreg.scid;
	s10 =	stileid.u32  }
0x2: {  	s1 =	rddreg [dreg:$0x0];
	s2 =	simm.s32 $0x0;
	s11 =	simm.s32 $0x2780  }
0x3: {  	s12 =	simm.s32 $0x2F80;
	s13 =	simm.s32 $0x3780;
	s14 =	simm.s32 $0x3F80  }
0x4: {  	s15 =	simm.s32 $0x4780;
	s16 =	simm.s32 $0x4F80;
	s17 =	simm.s32 $0x5780  }
0x5: {  	s18 =	simm.s32 $0x5F80;
	s19 =	simm.s32 $0x6780;
	s20 =	simm.s32 $0x6F80  }
0x6: {  	s28 =	simm.s32 $0x9F80;
	s29 =	simm.s32 $0xA780;
	s30 =	simm.s32 $0xAF80  }
0x7: {  	s31 =	simm.s32 $0xB780;
	s0 =	sand.u32 $0x1, s0;
	s3 =	sshll.u32 s10, $0x1  }
0x8: {  	[smem:$0x7FF] =	sst s2;
	s4 =	sadd.s32 $0x16800, s1;
	s21 =	smul.u32 $0x9C400, s10  }
0x9: {  	s5 =	sor.u32 s0, s3;
	s7 =	ssub.s32 $0x2, s0;
	s0 =	smul.u32 $0x4E200, s0  }
0xa: {  	s8 =	sadd.s32 $0xB2C00, s1;
	_ =	strace $0x80000047;
	s6 =	smul.u32 $0x2710, s5  }
0xb: {  	s5 =	smul.u32 $0x271000, s5;
	s9 =	sshrl.u32 s7, $0x1;
	s24 =	sadd.s32 s21, s8  }
0xc: {  	s3 =	sadd.s32 $0x64A00, s1;
	s7 =	ssub.s32 s7, s9;
	s25 =	sadd.s32 s0, s24  }
0xd: {  	s24 =	simm.s32 $0x8780;
	s6 =	sshrl.u32 s6, $0x3;
	s5 =	sshrl.u32 s5, $0x3  }
0xe: {  	s26 =	smax.u32 s7, $0x1;
	[dreg:$0x2] =	wrdreg s25;
	s25 =	simm.s32 $0x8F80  }
0xf: {  	s7 =	simm.s32 $0x0;
	s6 =	sadd.s32 s6, s1;
	s1 =	sadd.s32 $0xA76C00, s1  }
0x10: {  	s5 =	sadd.s32 $0x4D800, s5;
	[dreg:$0x8] =	wrdreg s26;
	s22 =	sadd.s32 $0x2C00, s6  }
0x11: {  	s26 =	simm.s32 $0x9780;
	s23 =	sadd.s32 s8, s5;
	[dreg:$0x4] =	wrdreg s22  }
0x12: {  	s6 =	sadd.s32 $0xCA00, s6;
	s5 =	sadd.s32 s1, s5;
	[dreg:$0x5] =	wrdreg s23  }
0x13: {  	s1 =	sadd.s32 s21, s1;
	s21 =	simm.s32 $0x1;
	[dreg:$0x6] =	wrdreg s6  }
0x14: {  	v2 =	vlaneseq.u32;
	[dreg:$0x7] =	wrdreg s5;
	s0 =	sadd.s32 s0, s1;
	s22 =	simm.s32 $0x7780  }
0x15: {  	vm0 =	vmmov $0xffff;
	v1 =	vshrl.u32 v2, $0x3;
	s23 =	simm.s32 $0x7F80;
	s1 =	simm.s32 $0xBF80;
	s5 =	simm.s32 $0x3  }
0x16: {  	v0 =	vand.u32 $0x7, v2;
	v2 =	vor.u32 $0x8, v2;
	v1 =	vmul.u32 $0x8, v1;
	s6 =	simm.s32 $0x4;
	[dreg:$0x3] =	wrdreg s0;
	s0 =	simm.s32 $0x2  }
.LBB2_1:
0x17: {  	s8 =	rddreg [dreg:$0x4];
	s10 =	simm.s32 $0x5  }
0x18: {  	[tilespmem:s2], [sflag:$0x5] =	stream.linear.gather [hbm4b:s8+s2], $0x2710, $0x38;
	[tilespmem:$0xC780] =	vst v63  }
0x19: {  	_ =	swait.ge [sflag:s10], $0x2710  }
0x1a: {  	[sflag:s10] =	ssyncset.done $0x0  }
0x1b: {  	[sflag:s10] =	ssyncadd.s32 $0xFFFFD8F0  }
0x1c: {  	v3 =	vld [tilespmem:$0x0];
	_ =	sdelay $0x4  }
0x1d: {  	v4 =	vshll.u32 v3, $0x1  }
0x1e: {  	v3 =	vand.u32 $0x7, v3;
	v4 =	vand.u32 $0xFFFFFFF0, v4  }
0x1f: {  	v3 =	vor.u32 v3, v4  }
0x20: {  	v4 =	vperm.xlane v3, v0;
	_ =	sdelay $0x1  }
0x21: {  	v3 =	vperm.xlane v3, v2;
	v4 =	vadd.s32 v1, v4;
	_ =	sdelay $0x1  }
0x22: {  	v3 =	vadd.s32 v1, v3;
	_ =	sdelay $0x2  }
0x23: {  	[tilespmem:s11], [sflag:$0x1] =	stream.indirect_vreg.gather [hbm4b:s3+s2], $0x80, v4, vm0, $0xb8;
	[tilespmem:$0xC780] =	vst v63  }
0x24: {  	_ = 	snop  }
0x25: {  	[tilespmem:s12], [sflag:$0x1] =	stream.indirect_vreg.gather [hbm4b:s3+s2], $0x80, v3, vm0, $0xb8;
	[tilespmem:$0xC780] =	vst v63  }
0x26: {  	v3 =	vld [tilespmem:$0x10];
	_ =	sdelay $0x4  }
0x27: {  	v60 =	vshll.u32 v3, $0x1  }
0x28: {  	v3 =	vand.u32 $0x7, v3;
	v4 =	vand.u32 $0xFFFFFFF0, v60  }
0x29: {  	v3 =	vor.u32 v3, v4  }
0x2a: {  	v4 =	vperm.xlane v3, v0;
	_ =	sdelay $0x1  }
0x2b: {  	v3 =	vperm.xlane v3, v2;
	v4 =	vadd.s32 v1, v4;
	_ =	sdelay $0x1  }
0x2c: {  	v3 =	vadd.s32 v1, v3;
	_ =	sdelay $0x2  }
0x2d: {  	[tilespmem:s13], [sflag:$0x1] =	stream.indirect_vreg.gather [hbm4b:s3+s2], $0x80, v4, vm0, $0xb8;
	[tilespmem:$0xC780] =	vst v63  }
0x2e: {  	_ = 	snop  }
0x2f: {  	[tilespmem:s14], [sflag:$0x1] =	stream.indirect_vreg.gather [hbm4b:s3+s2], $0x80, v3, vm0, $0xb8;
	[tilespmem:$0xC780] =	vst v63  }
0x30: {  	v3 =	vld [tilespmem:$0x20];
	_ =	sdelay $0x4  }
0x31: {  	v61 =	vshll.u32 v3, $0x1  }
0x32: {  	v3 =	vand.u32 $0x7, v3;
	v4 =	vand.u32 $0xFFFFFFF0, v61  }
0x33: {  	v3 =	vor.u32 v3, v4  }
0x34: {  	v4 =	vperm.xlane v3, v0;
	_ =	sdelay $0x1  }
0x35: {  	v3 =	vperm.xlane v3, v2;
	v4 =	vadd.s32 v1, v4;
	_ =	sdelay $0x1  }
0x36: {  	v3 =	vadd.s32 v1, v3;
	_ =	sdelay $0x2  }
0x37: {  	[tilespmem:s15], [sflag:$0x1] =	stream.indirect_vreg.gather [hbm4b:s3+s2], $0x80, v4, vm0, $0xb8;
	[tilespmem:$0xC780] =	vst v63  }
0x38: {  	_ = 	snop  }
0x39: {  	[tilespmem:s16], [sflag:$0x1] =	stream.indirect_vreg.gather [hbm4b:s3+s2], $0x80, v3, vm0, $0xb8;
	[tilespmem:$0xC780] =	vst v63  }
0x3a: {  	v3 =	vld [tilespmem:$0x30];
	_ =	sdelay $0x4  }
0x3b: {  	v62 =	vshll.u32 v3, $0x1  }
0x3c: {  	v3 =	vand.u32 $0x7, v3;
	v4 =	vand.u32 $0xFFFFFFF0, v62  }
0x3d: {  	v3 =	vor.u32 v3, v4  }
0x3e: {  	v4 =	vperm.xlane v3, v0;
	_ =	sdelay $0x1  }
0x3f: {  	v3 =	vperm.xlane v3, v2;
	v4 =	vadd.s32 v1, v4;
	_ =	sdelay $0x1  }
0x40: {  	v3 =	vadd.s32 v1, v3;
	_ =	sdelay $0x2  }
0x41: {  	[tilespmem:s17], [sflag:$0x1] =	stream.indirect_vreg.gather [hbm4b:s3+s2], $0x80, v4, vm0, $0xb8;
	[tilespmem:$0xC780] =	vst v63  }
0x42: {  	_ = 	snop  }
0x43: {  	[tilespmem:s18], [sflag:$0x1] =	stream.indirect_vreg.gather [hbm4b:s3+s2], $0x80, v3, vm0, $0xb8;
	[tilespmem:$0xC780] =	vst v63  }
0x44: {  	v3 =	vld [tilespmem:$0x40];
	_ =	sdelay $0x4  }
0x45: {  	v63 =	vshll.u32 v3, $0x1  }
0x46: {  	v3 =	vand.u32 $0x7, v3;
	v4 =	vand.u32 $0xFFFFFFF0, v63  }
0x47: {  	v3 =	vor.u32 v3, v4  }
0x48: {  	v4 =	vperm.xlane v3, v0;
	_ =	sdelay $0x1  }
0x49: {  	v3 =	vperm.xlane v3, v2;
	v4 =	vadd.s32 v1, v4;
	_ =	sdelay $0x1  }
0x4a: {  	v3 =	vadd.s32 v1, v3;
	_ =	sdelay $0x2  }
0x4b: {  	[tilespmem:s19], [sflag:$0x1] =	stream.indirect_vreg.gather [hbm4b:s3+s2], $0x80, v4, vm0, $0xb8;
	[tilespmem:$0xC780] =	vst v63  }
0x4c: {  	s9 =	simm.s32 $0x0;
	s8 =	simm.s32 $0x70  }
0x4d: {  	[tilespmem:s20], [sflag:$0x1] =	stream.indirect_vreg.gather [hbm4b:s3+s2], $0x80, v3, vm0, $0xb8;
	[tilespmem:$0xC780] =	vst v63  }
.LBB2_2:
0x4e: {  	_ =	swait.ge [sflag:s21], $0x5000  }
0x4f: {  	p0 =	seq.s32 s9, $0x0;
	[sflag:s21] =	ssyncset.done $0x0  }
0x50: {  	s10 =	simm.s32 @!p0 $0x4;
	[sflag:s21] =	ssyncadd.s32 $0xFFFFB000  }
0x51: {  	_ =	swait.ge @!p0 [sflag:s10], $0x5000  }
0x52: {  	[sflag:s10] =	ssyncset.done @!p0 $0x0  }
0x53: {  	[sflag:s10] =	ssyncadd.s32 @!p0 $0xFFFFB000  }
0x54: {  	v3 =	vld [tilespmem:s8+$0xFFFFFFE0];
	_ =	sdelay $0x4  }
0x55: {  	v4 =	vshll.u32 v3, $0x1  }
0x56: {  	v3 =	vand.u32 $0x7, v3;
	v4 =	vand.u32 $0xFFFFFFF0, v4  }
0x57: {  	v3 =	vor.u32 v3, v4  }
0x58: {  	v4 =	vperm.xlane v3, v0;
	_ =	sdelay $0x1  }
0x59: {  	v3 =	vperm.xlane v3, v2;
	v4 =	vadd.s32 v1, v4;
	_ =	sdelay $0x1  }
0x5a: {  	v3 =	vadd.s32 v1, v3;
	_ =	sdelay $0x2  }
0x5b: {  	[tilespmem:s22], [sflag:$0x2] =	stream.indirect_vreg.gather [hbm4b:s3+s2], $0x80, v4, vm0, $0xb8;
	[tilespmem:$0xC780] =	vst v63  }
0x5c: {  	_ = 	snop  }
0x5d: {  	[tilespmem:s23], [sflag:$0x2] =	stream.indirect_vreg.gather [hbm4b:s3+s2], $0x80, v3, vm0, $0xb8;
	[tilespmem:$0xC780] =	vst v63  }
0x5e: {  	v3 =	vld [tilespmem:s8+$0xFFFFFFF0];
	_ =	sdelay $0x4  }
0x5f: {  	v55 =	vshll.u32 v3, $0x1  }
0x60: {  	v3 =	vand.u32 $0x7, v3;
	v4 =	vand.u32 $0xFFFFFFF0, v55  }
0x61: {  	v3 =	vor.u32 v3, v4  }
0x62: {  	v4 =	vperm.xlane v3, v0;
	_ =	sdelay $0x1  }
0x63: {  	v3 =	vperm.xlane v3, v2;
	v4 =	vadd.s32 v1, v4;
	_ =	sdelay $0x1  }
0x64: {  	v3 =	vadd.s32 v1, v3;
	_ =	sdelay $0x2  }
0x65: {  	[tilespmem:s24], [sflag:$0x2] =	stream.indirect_vreg.gather [hbm4b:s3+s2], $0x80, v4, vm0, $0xb8;
	[tilespmem:$0xC780] =	vst v63  }
0x66: {  	_ = 	snop  }
0x67: {  	[tilespmem:s25], [sflag:$0x2] =	stream.indirect_vreg.gather [hbm4b:s3+s2], $0x80, v3, vm0, $0xb8;
	[tilespmem:$0xC780] =	vst v63  }
0x68: {  	v3 =	vld [tilespmem:s8+$0x0];
	_ =	sdelay $0x4  }
0x69: {  	v56 =	vshll.u32 v3, $0x1  }
0x6a: {  	v3 =	vand.u32 $0x7, v3;
	v4 =	vand.u32 $0xFFFFFFF0, v56  }
0x6b: {  	v3 =	vor.u32 v3, v4  }
0x6c: {  	v4 =	vperm.xlane v3, v0;
	_ =	sdelay $0x1  }
0x6d: {  	v3 =	vperm.xlane v3, v2;
	v4 =	vadd.s32 v1, v4;
	_ =	sdelay $0x1  }
0x6e: {  	v3 =	vadd.s32 v1, v3;
	_ =	sdelay $0x2  }
0x6f: {  	[tilespmem:s26], [sflag:$0x2] =	stream.indirect_vreg.gather [hbm4b:s3+s2], $0x80, v4, vm0, $0xb8;
	[tilespmem:$0xC780] =	vst v63  }
0x70: {  	_ = 	snop  }
0x71: {  	[tilespmem:s28], [sflag:$0x2] =	stream.indirect_vreg.gather [hbm4b:s3+s2], $0x80, v3, vm0, $0xb8;
	[tilespmem:$0xC780] =	vst v63  }
0x72: {  	v3 =	vld [tilespmem:s8+$0x10];
	_ =	sdelay $0x4  }
0x73: {  	v57 =	vshll.u32 v3, $0x1  }
0x74: {  	v3 =	vand.u32 $0x7, v3;
	v4 =	vand.u32 $0xFFFFFFF0, v57  }
0x75: {  	v3 =	vor.u32 v3, v4  }
0x76: {  	v4 =	vperm.xlane v3, v0;
	_ =	sdelay $0x1  }
0x77: {  	v3 =	vperm.xlane v3, v2;
	v4 =	vadd.s32 v1, v4;
	_ =	sdelay $0x1  }
0x78: {  	v3 =	vadd.s32 v1, v3;
	_ =	sdelay $0x2  }
0x79: {  	[tilespmem:s29], [sflag:$0x2] =	stream.indirect_vreg.gather [hbm4b:s3+s2], $0x80, v4, vm0, $0xb8;
	[tilespmem:$0xC780] =	vst v63  }
0x7a: {  	_ = 	snop  }
0x7b: {  	[tilespmem:s30], [sflag:$0x2] =	stream.indirect_vreg.gather [hbm4b:s3+s2], $0x80, v3, vm0, $0xb8;
	[tilespmem:$0xC780] =	vst v63  }
0x7c: {  	v3 =	vld [tilespmem:s8+$0x20];
	_ =	sdelay $0x4  }
0x7d: {  	v58 =	vshll.u32 v3, $0x1  }
0x7e: {  	v3 =	vand.u32 $0x7, v3;
	v4 =	vand.u32 $0xFFFFFFF0, v58  }
0x7f: {  	v3 =	vor.u32 v3, v4  }
0x80: {  	v4 =	vperm.xlane v3, v0;
	_ =	sdelay $0x1  }
0x81: {  	v3 =	vperm.xlane v3, v2;
	v4 =	vadd.s32 v1, v4;
	_ =	sdelay $0x1  }
0x82: {  	v3 =	vadd.s32 v1, v3;
	_ =	sdelay $0x2  }
0x83: {  	[tilespmem:s31], [sflag:$0x2] =	stream.indirect_vreg.gather [hbm4b:s3+s2], $0x80, v4, vm0, $0xb8;
	[tilespmem:$0xC780] =	vst v63  }
0x84: {  	s10 =	rddreg [dreg:$0x2]  }
0x85: {  	[tilespmem:s1], [sflag:$0x2] =	stream.indirect_vreg.gather [hbm4b:s3+s2], $0x80, v3, vm0, $0xb8;
	[tilespmem:$0xC780] =	vst v63  }
0x86: {  	s10 =	sadd.s32 s9, s10  }
0x87: {  	[hbm4b:s10+s2] =	stream.linear.scatter [tilespmem:s11], [sflag:$0x3], $0x5000, $0x38;
	[tilespmem:$0xC780] =	vst v63  }
0x88: {  	_ =	swait.ge [sflag:s0], $0x5000  }
0x89: {  	[sflag:s0] =	ssyncset.done $0x0  }
0x8a: {  	[sflag:s0] =	ssyncadd.s32 $0xFFFFB000  }
0x8b: {  	_ =	swait.ge [sflag:s5], $0x5000  }
0x8c: {  	[sflag:s5] =	ssyncset.done $0x0  }
0x8d: {  	[sflag:s5] =	ssyncadd.s32 $0xFFFFB000  }
0x8e: {  	v3 =	vld [tilespmem:s8+$0x30];
	_ =	sdelay $0x4  }
0x8f: {  	v59 =	vshll.u32 v3, $0x1  }
0x90: {  	v3 =	vand.u32 $0x7, v3;
	v4 =	vand.u32 $0xFFFFFFF0, v59  }
0x91: {  	v3 =	vor.u32 v3, v4  }
0x92: {  	v4 =	vperm.xlane v3, v0;
	_ =	sdelay $0x1  }
0x93: {  	v3 =	vperm.xlane v3, v2;
	v4 =	vadd.s32 v1, v4;
	_ =	sdelay $0x1  }
0x94: {  	v3 =	vadd.s32 v1, v3;
	_ =	sdelay $0x2  }
0x95: {  	[tilespmem:s11], [sflag:$0x1] =	stream.indirect_vreg.gather [hbm4b:s3+s2], $0x80, v4, vm0, $0xb8;
	[tilespmem:$0xC780] =	vst v63  }
0x96: {  	_ = 	snop  }
0x97: {  	[tilespmem:s12], [sflag:$0x1] =	stream.indirect_vreg.gather [hbm4b:s3+s2], $0x80, v3, vm0, $0xb8;
	[tilespmem:$0xC780] =	vst v63  }
0x98: {  	v3 =	vld [tilespmem:s8+$0x40];
	_ =	sdelay $0x4  }
0x99: {  	v60 =	vshll.u32 v3, $0x1  }
0x9a: {  	v3 =	vand.u32 $0x7, v3;
	v4 =	vand.u32 $0xFFFFFFF0, v60  }
0x9b: {  	v3 =	vor.u32 v3, v4  }
0x9c: {  	v4 =	vperm.xlane v3, v0;
	_ =	sdelay $0x1  }
0x9d: {  	v3 =	vperm.xlane v3, v2;
	v4 =	vadd.s32 v1, v4;
	_ =	sdelay $0x1  }
0x9e: {  	v3 =	vadd.s32 v1, v3;
	_ =	sdelay $0x2  }
0x9f: {  	[tilespmem:s13], [sflag:$0x1] =	stream.indirect_vreg.gather [hbm4b:s3+s2], $0x80, v4, vm0, $0xb8;
	[tilespmem:$0xC780] =	vst v63  }
0xa0: {  	_ = 	snop  }
0xa1: {  	[tilespmem:s14], [sflag:$0x1] =	stream.indirect_vreg.gather [hbm4b:s3+s2], $0x80, v3, vm0, $0xb8;
	[tilespmem:$0xC780] =	vst v63  }
0xa2: {  	v3 =	vld [tilespmem:s8+$0x50];
	_ =	sdelay $0x4  }
0xa3: {  	v61 =	vshll.u32 v3, $0x1  }
0xa4: {  	v3 =	vand.u32 $0x7, v3;
	v4 =	vand.u32 $0xFFFFFFF0, v61  }
0xa5: {  	v3 =	vor.u32 v3, v4  }
0xa6: {  	v4 =	vperm.xlane v3, v0;
	_ =	sdelay $0x1  }
0xa7: {  	v3 =	vperm.xlane v3, v2;
	v4 =	vadd.s32 v1, v4;
	_ =	sdelay $0x1  }
0xa8: {  	v3 =	vadd.s32 v1, v3;
	_ =	sdelay $0x2  }
0xa9: {  	[tilespmem:s15], [sflag:$0x1] =	stream.indirect_vreg.gather [hbm4b:s3+s2], $0x80, v4, vm0, $0xb8;
	[tilespmem:$0xC780] =	vst v63  }
0xaa: {  	_ = 	snop  }
0xab: {  	[tilespmem:s16], [sflag:$0x1] =	stream.indirect_vreg.gather [hbm4b:s3+s2], $0x80, v3, vm0, $0xb8;
	[tilespmem:$0xC780] =	vst v63  }
0xac: {  	v3 =	vld [tilespmem:s8+$0x60];
	_ =	sdelay $0x4  }
0xad: {  	v62 =	vshll.u32 v3, $0x1  }
0xae: {  	v3 =	vand.u32 $0x7, v3;
	v4 =	vand.u32 $0xFFFFFFF0, v62  }
0xaf: {  	v3 =	vor.u32 v3, v4  }
0xb0: {  	v4 =	vperm.xlane v3, v0;
	_ =	sdelay $0x1  }
0xb1: {  	v3 =	vperm.xlane v3, v2;
	v4 =	vadd.s32 v1, v4;
	_ =	sdelay $0x1  }
0xb2: {  	v3 =	vadd.s32 v1, v3;
	_ =	sdelay $0x2  }
0xb3: {  	[tilespmem:s17], [sflag:$0x1] =	stream.indirect_vreg.gather [hbm4b:s3+s2], $0x80, v4, vm0, $0xb8;
	[tilespmem:$0xC780] =	vst v63  }
0xb4: {  	_ = 	snop  }
0xb5: {  	[tilespmem:s18], [sflag:$0x1] =	stream.indirect_vreg.gather [hbm4b:s3+s2], $0x80, v3, vm0, $0xb8;
	[tilespmem:$0xC780] =	vst v63  }
0xb6: {  	v3 =	vld [tilespmem:s8+$0x70];
	_ =	sdelay $0x4  }
0xb7: {  	v63 =	vshll.u32 v3, $0x1  }
0xb8: {  	v3 =	vand.u32 $0x7, v3;
	v4 =	vand.u32 $0xFFFFFFF0, v63  }
0xb9: {  	v3 =	vor.u32 v3, v4  }
0xba: {  	v4 =	vperm.xlane v3, v0;
	_ =	sdelay $0x1  }
0xbb: {  	v4 =	vadd.s32 v1, v4  }
0xbc: {  	v3 =	vperm.xlane v3, v2;
	_ =	sdelay $0x1  }
0xbd: {  	s9 =	sadd.s32 $0x1400, s9;
	v3 =	vadd.s32 v1, v3  }
0xbe: {  	p0 =	sne.s32 s9, $0x4D800  }
0xbf: {  	[tilespmem:s19], [sflag:$0x1] =	stream.indirect_vreg.gather [hbm4b:s3+s2], $0x80, v4, vm0, $0xb8;
	[tilespmem:$0xC780] =	vst v63  }
.Ltmp0:
0xc0: {  	_ = 	snop;
	(pc) =	sbr.rel @p0 .LBB2_2-.Ltmp0, $4  }
0xc1: {  	_ = 	snop  }
0xc2: {  	[tilespmem:s20], [sflag:$0x1] =	stream.indirect_vreg.gather [hbm4b:s3+s2], $0x80, v3, vm0, $0xb8;
	[tilespmem:$0xC780] =	vst v63  }
0xc3: {  	s10 =	sadd.s32 $0xA00, s10;
	s8 =	sadd.s32 $0xA0, s8  }
0xc4: {  	[hbm4b:s10+s2] =	stream.linear.scatter [tilespmem:s22], [sflag:$0x4], $0x5000, $0x38;
	[tilespmem:$0xC780] =	vst v63  }
0xc5: {  	_ =	swait.ge [sflag:s21], $0x5000  }
0xc6: {  	[sflag:s21] =	ssyncset.done $0x0  }
0xc7: {  	s8 =	simm.s32 $0x0;
	s9 =	rddreg [dreg:$0x5];
	[sflag:s21] =	ssyncadd.s32 $0xFFFFB000  }
0xc8: {  	[hbm4b:s9+s8] =	stream.linear.scatter [tilespmem:s11], [sflag:$0x3], $0x5000, $0x38;
	[tilespmem:$0xC780] =	vst v63  }
0xc9: {  	_ =	swait.ge [sflag:s6], $0x5000  }
0xca: {  	[sflag:s6] =	ssyncset.done $0x0  }
0xcb: {  	[sflag:s6] =	ssyncadd.s32 $0xFFFFB000  }
0xcc: {  	_ =	swait.ge [sflag:s5], $0x5000  }
0xcd: {  	[sflag:s5] =	ssyncset.done $0x0  }
0xce: {  	s10 =	rddreg [dreg:$0x6];
	[sflag:s5] =	ssyncadd.s32 $0xFFFFB000  }
0xcf: {  	[tilespmem:s8], [sflag:$0x5] =	stream.linear.gather [hbm4b:s10+s8], $0x2710, $0x38;
	[tilespmem:$0xC780] =	vst v63  }
0xd0: {  	s10 =	simm.s32 $0x5  }
0xd1: {  	_ =	swait.ge [sflag:s10], $0x2710  }
0xd2: {  	[sflag:s10] =	ssyncset.done $0x0  }
0xd3: {  	[sflag:s10] =	ssyncadd.s32 $0xFFFFD8F0  }
0xd4: {  	v3 =	vld [tilespmem:$0x0];
	_ =	sdelay $0x4  }
0xd5: {  	v4 =	vshll.u32 v3, $0x1  }
0xd6: {  	v3 =	vand.u32 $0x7, v3;
	v4 =	vand.u32 $0xFFFFFFF0, v4  }
0xd7: {  	v3 =	vor.u32 v3, v4  }
0xd8: {  	v4 =	vperm.xlane v3, v0;
	_ =	sdelay $0x1  }
0xd9: {  	v3 =	vperm.xlane v3, v2;
	v4 =	vadd.s32 v1, v4;
	_ =	sdelay $0x1  }
0xda: {  	v3 =	vadd.s32 v1, v3;
	_ =	sdelay $0x2  }
0xdb: {  	[tilespmem:s11], [sflag:$0x1] =	stream.indirect_vreg.gather [hbm4b:s4+s8], $0x80, v4, vm0, $0xb8;
	[tilespmem:$0xC780] =	vst v63  }
0xdc: {  	_ = 	snop  }
0xdd: {  	[tilespmem:s12], [sflag:$0x1] =	stream.indirect_vreg.gather [hbm4b:s4+s8], $0x80, v3, vm0, $0xb8;
	[tilespmem:$0xC780] =	vst v63  }
0xde: {  	v3 =	vld [tilespmem:$0x10];
	_ =	sdelay $0x4  }
0xdf: {  	v60 =	vshll.u32 v3, $0x1  }
0xe0: {  	v3 =	vand.u32 $0x7, v3;
	v4 =	vand.u32 $0xFFFFFFF0, v60  }
0xe1: {  	v3 =	vor.u32 v3, v4  }
0xe2: {  	v4 =	vperm.xlane v3, v0;
	_ =	sdelay $0x1  }
0xe3: {  	v3 =	vperm.xlane v3, v2;
	v4 =	vadd.s32 v1, v4;
	_ =	sdelay $0x1  }
0xe4: {  	v3 =	vadd.s32 v1, v3;
	_ =	sdelay $0x2  }
0xe5: {  	[tilespmem:s13], [sflag:$0x1] =	stream.indirect_vreg.gather [hbm4b:s4+s8], $0x80, v4, vm0, $0xb8;
	[tilespmem:$0xC780] =	vst v63  }
0xe6: {  	_ = 	snop  }
0xe7: {  	[tilespmem:s14], [sflag:$0x1] =	stream.indirect_vreg.gather [hbm4b:s4+s8], $0x80, v3, vm0, $0xb8;
	[tilespmem:$0xC780] =	vst v63  }
0xe8: {  	v3 =	vld [tilespmem:$0x20];
	_ =	sdelay $0x4  }
0xe9: {  	v61 =	vshll.u32 v3, $0x1  }
0xea: {  	v3 =	vand.u32 $0x7, v3;
	v4 =	vand.u32 $0xFFFFFFF0, v61  }
0xeb: {  	v3 =	vor.u32 v3, v4  }
0xec: {  	v4 =	vperm.xlane v3, v0;
	_ =	sdelay $0x1  }
0xed: {  	v3 =	vperm.xlane v3, v2;
	v4 =	vadd.s32 v1, v4;
	_ =	sdelay $0x1  }
0xee: {  	v3 =	vadd.s32 v1, v3;
	_ =	sdelay $0x2  }
0xef: {  	[tilespmem:s15], [sflag:$0x1] =	stream.indirect_vreg.gather [hbm4b:s4+s8], $0x80, v4, vm0, $0xb8;
	[tilespmem:$0xC780] =	vst v63  }
0xf0: {  	_ = 	snop  }
0xf1: {  	[tilespmem:s16], [sflag:$0x1] =	stream.indirect_vreg.gather [hbm4b:s4+s8], $0x80, v3, vm0, $0xb8;
	[tilespmem:$0xC780] =	vst v63  }
0xf2: {  	v3 =	vld [tilespmem:$0x30];
	_ =	sdelay $0x4  }
0xf3: {  	v62 =	vshll.u32 v3, $0x1  }
0xf4: {  	v3 =	vand.u32 $0x7, v3;
	v4 =	vand.u32 $0xFFFFFFF0, v62  }
0xf5: {  	v3 =	vor.u32 v3, v4  }
0xf6: {  	v4 =	vperm.xlane v3, v0;
	_ =	sdelay $0x1  }
0xf7: {  	v3 =	vperm.xlane v3, v2;
	v4 =	vadd.s32 v1, v4;
	_ =	sdelay $0x1  }
0xf8: {  	v3 =	vadd.s32 v1, v3;
	_ =	sdelay $0x2  }
0xf9: {  	[tilespmem:s17], [sflag:$0x1] =	stream.indirect_vreg.gather [hbm4b:s4+s8], $0x80, v4, vm0, $0xb8;
	[tilespmem:$0xC780] =	vst v63  }
0xfa: {  	_ = 	snop  }
0xfb: {  	[tilespmem:s18], [sflag:$0x1] =	stream.indirect_vreg.gather [hbm4b:s4+s8], $0x80, v3, vm0, $0xb8;
	[tilespmem:$0xC780] =	vst v63  }
0xfc: {  	v3 =	vld [tilespmem:$0x40];
	_ =	sdelay $0x4  }
0xfd: {  	v63 =	vshll.u32 v3, $0x1  }
0xfe: {  	v3 =	vand.u32 $0x7, v3;
	v4 =	vand.u32 $0xFFFFFFF0, v63  }
0xff: {  	v3 =	vor.u32 v3, v4  }
0x100: {  	v4 =	vperm.xlane v3, v0;
	_ =	sdelay $0x1  }
0x101: {  	v3 =	vperm.xlane v3, v2;
	v4 =	vadd.s32 v1, v4;
	_ =	sdelay $0x1  }
0x102: {  	v3 =	vadd.s32 v1, v3;
	_ =	sdelay $0x2  }
0x103: {  	[tilespmem:s19], [sflag:$0x1] =	stream.indirect_vreg.gather [hbm4b:s4+s8], $0x80, v4, vm0, $0xb8;
	[tilespmem:$0xC780] =	vst v63  }
0x104: {  	s9 =	simm.s32 $0x70  }
0x105: {  	[tilespmem:s20], [sflag:$0x1] =	stream.indirect_vreg.gather [hbm4b:s4+s8], $0x80, v3, vm0, $0xb8;
	[tilespmem:$0xC780] =	vst v63  }
.LBB2_4:
0x106: {  	_ =	swait.ge [sflag:s21], $0x5000  }
0x107: {  	p0 =	seq.s32 s8, $0x0;
	[sflag:s21] =	ssyncset.done $0x0  }
0x108: {  	s10 =	simm.s32 @!p0 $0x4;
	[sflag:s21] =	ssyncadd.s32 $0xFFFFB000  }
0x109: {  	_ =	swait.ge @!p0 [sflag:s10], $0x5000  }
0x10a: {  	[sflag:s10] =	ssyncset.done @!p0 $0x0  }
0x10b: {  	[sflag:s10] =	ssyncadd.s32 @!p0 $0xFFFFB000  }
0x10c: {  	v3 =	vld [tilespmem:s9+$0xFFFFFFE0];
	_ =	sdelay $0x4  }
0x10d: {  	v4 =	vshll.u32 v3, $0x1  }
0x10e: {  	v3 =	vand.u32 $0x7, v3;
	v4 =	vand.u32 $0xFFFFFFF0, v4  }
0x10f: {  	v3 =	vor.u32 v3, v4  }
0x110: {  	v4 =	vperm.xlane v3, v0;
	_ =	sdelay $0x1  }
0x111: {  	v3 =	vperm.xlane v3, v2;
	v4 =	vadd.s32 v1, v4;
	_ =	sdelay $0x1  }
0x112: {  	v3 =	vadd.s32 v1, v3;
	_ =	sdelay $0x2  }
0x113: {  	[tilespmem:s22], [sflag:$0x2] =	stream.indirect_vreg.gather [hbm4b:s4+s2], $0x80, v4, vm0, $0xb8;
	[tilespmem:$0xC780] =	vst v63  }
0x114: {  	_ = 	snop  }
0x115: {  	[tilespmem:s23], [sflag:$0x2] =	stream.indirect_vreg.gather [hbm4b:s4+s2], $0x80, v3, vm0, $0xb8;
	[tilespmem:$0xC780] =	vst v63  }
0x116: {  	v3 =	vld [tilespmem:s9+$0xFFFFFFF0];
	_ =	sdelay $0x4  }
0x117: {  	v55 =	vshll.u32 v3, $0x1  }
0x118: {  	v3 =	vand.u32 $0x7, v3;
	v4 =	vand.u32 $0xFFFFFFF0, v55  }
0x119: {  	v3 =	vor.u32 v3, v4  }
0x11a: {  	v4 =	vperm.xlane v3, v0;
	_ =	sdelay $0x1  }
0x11b: {  	v3 =	vperm.xlane v3, v2;
	v4 =	vadd.s32 v1, v4;
	_ =	sdelay $0x1  }
0x11c: {  	v3 =	vadd.s32 v1, v3;
	_ =	sdelay $0x2  }
0x11d: {  	[tilespmem:s24], [sflag:$0x2] =	stream.indirect_vreg.gather [hbm4b:s4+s2], $0x80, v4, vm0, $0xb8;
	[tilespmem:$0xC780] =	vst v63  }
0x11e: {  	_ = 	snop  }
0x11f: {  	[tilespmem:s25], [sflag:$0x2] =	stream.indirect_vreg.gather [hbm4b:s4+s2], $0x80, v3, vm0, $0xb8;
	[tilespmem:$0xC780] =	vst v63  }
0x120: {  	v3 =	vld [tilespmem:s9+$0x0];
	_ =	sdelay $0x4  }
0x121: {  	v56 =	vshll.u32 v3, $0x1  }
0x122: {  	v3 =	vand.u32 $0x7, v3;
	v4 =	vand.u32 $0xFFFFFFF0, v56  }
0x123: {  	v3 =	vor.u32 v3, v4  }
0x124: {  	v4 =	vperm.xlane v3, v0;
	_ =	sdelay $0x1  }
0x125: {  	v3 =	vperm.xlane v3, v2;
	v4 =	vadd.s32 v1, v4;
	_ =	sdelay $0x1  }
0x126: {  	v3 =	vadd.s32 v1, v3;
	_ =	sdelay $0x2  }
0x127: {  	[tilespmem:s26], [sflag:$0x2] =	stream.indirect_vreg.gather [hbm4b:s4+s2], $0x80, v4, vm0, $0xb8;
	[tilespmem:$0xC780] =	vst v63  }
0x128: {  	_ = 	snop  }
0x129: {  	[tilespmem:s28], [sflag:$0x2] =	stream.indirect_vreg.gather [hbm4b:s4+s2], $0x80, v3, vm0, $0xb8;
	[tilespmem:$0xC780] =	vst v63  }
0x12a: {  	v3 =	vld [tilespmem:s9+$0x10];
	_ =	sdelay $0x4  }
0x12b: {  	v57 =	vshll.u32 v3, $0x1  }
0x12c: {  	v3 =	vand.u32 $0x7, v3;
	v4 =	vand.u32 $0xFFFFFFF0, v57  }
0x12d: {  	v3 =	vor.u32 v3, v4  }
0x12e: {  	v4 =	vperm.xlane v3, v0;
	_ =	sdelay $0x1  }
0x12f: {  	v3 =	vperm.xlane v3, v2;
	v4 =	vadd.s32 v1, v4;
	_ =	sdelay $0x1  }
0x130: {  	v3 =	vadd.s32 v1, v3;
	_ =	sdelay $0x2  }
0x131: {  	[tilespmem:s29], [sflag:$0x2] =	stream.indirect_vreg.gather [hbm4b:s4+s2], $0x80, v4, vm0, $0xb8;
	[tilespmem:$0xC780] =	vst v63  }
0x132: {  	_ = 	snop  }
0x133: {  	[tilespmem:s30], [sflag:$0x2] =	stream.indirect_vreg.gather [hbm4b:s4+s2], $0x80, v3, vm0, $0xb8;
	[tilespmem:$0xC780] =	vst v63  }
0x134: {  	v3 =	vld [tilespmem:s9+$0x20];
	_ =	sdelay $0x4  }
0x135: {  	v58 =	vshll.u32 v3, $0x1  }
0x136: {  	v3 =	vand.u32 $0x7, v3;
	v4 =	vand.u32 $0xFFFFFFF0, v58  }
0x137: {  	v3 =	vor.u32 v3, v4  }
0x138: {  	v4 =	vperm.xlane v3, v0;
	_ =	sdelay $0x1  }
0x139: {  	v3 =	vperm.xlane v3, v2;
	v4 =	vadd.s32 v1, v4;
	_ =	sdelay $0x1  }
0x13a: {  	v3 =	vadd.s32 v1, v3;
	_ =	sdelay $0x2  }
0x13b: {  	[tilespmem:s31], [sflag:$0x2] =	stream.indirect_vreg.gather [hbm4b:s4+s2], $0x80, v4, vm0, $0xb8;
	[tilespmem:$0xC780] =	vst v63  }
0x13c: {  	s10 =	rddreg [dreg:$0x3]  }
0x13d: {  	[tilespmem:s1], [sflag:$0x2] =	stream.indirect_vreg.gather [hbm4b:s4+s2], $0x80, v3, vm0, $0xb8;
	[tilespmem:$0xC780] =	vst v63  }
0x13e: {  	s10 =	sadd.s32 s8, s10  }
0x13f: {  	[hbm4b:s10+s2] =	stream.linear.scatter [tilespmem:s11], [sflag:$0x3], $0x5000, $0x38;
	[tilespmem:$0xC780] =	vst v63  }
0x140: {  	_ =	swait.ge [sflag:s0], $0x5000  }
0x141: {  	[sflag:s0] =	ssyncset.done $0x0  }
0x142: {  	[sflag:s0] =	ssyncadd.s32 $0xFFFFB000  }
0x143: {  	_ =	swait.ge [sflag:s5], $0x5000  }
0x144: {  	[sflag:s5] =	ssyncset.done $0x0  }
0x145: {  	[sflag:s5] =	ssyncadd.s32 $0xFFFFB000  }
0x146: {  	v3 =	vld [tilespmem:s9+$0x30];
	_ =	sdelay $0x4  }
0x147: {  	v59 =	vshll.u32 v3, $0x1  }
0x148: {  	v3 =	vand.u32 $0x7, v3;
	v4 =	vand.u32 $0xFFFFFFF0, v59  }
0x149: {  	v3 =	vor.u32 v3, v4  }
0x14a: {  	v4 =	vperm.xlane v3, v0;
	_ =	sdelay $0x1  }
0x14b: {  	v3 =	vperm.xlane v3, v2;
	v4 =	vadd.s32 v1, v4;
	_ =	sdelay $0x1  }
0x14c: {  	v3 =	vadd.s32 v1, v3;
	_ =	sdelay $0x2  }
0x14d: {  	[tilespmem:s11], [sflag:$0x1] =	stream.indirect_vreg.gather [hbm4b:s4+s2], $0x80, v4, vm0, $0xb8;
	[tilespmem:$0xC780] =	vst v63  }
0x14e: {  	_ = 	snop  }
0x14f: {  	[tilespmem:s12], [sflag:$0x1] =	stream.indirect_vreg.gather [hbm4b:s4+s2], $0x80, v3, vm0, $0xb8;
	[tilespmem:$0xC780] =	vst v63  }
0x150: {  	v3 =	vld [tilespmem:s9+$0x40];
	_ =	sdelay $0x4  }
0x151: {  	v60 =	vshll.u32 v3, $0x1  }
0x152: {  	v3 =	vand.u32 $0x7, v3;
	v4 =	vand.u32 $0xFFFFFFF0, v60  }
0x153: {  	v3 =	vor.u32 v3, v4  }
0x154: {  	v4 =	vperm.xlane v3, v0;
	_ =	sdelay $0x1  }
0x155: {  	v3 =	vperm.xlane v3, v2;
	v4 =	vadd.s32 v1, v4;
	_ =	sdelay $0x1  }
0x156: {  	v3 =	vadd.s32 v1, v3;
	_ =	sdelay $0x2  }
0x157: {  	[tilespmem:s13], [sflag:$0x1] =	stream.indirect_vreg.gather [hbm4b:s4+s2], $0x80, v4, vm0, $0xb8;
	[tilespmem:$0xC780] =	vst v63  }
0x158: {  	_ = 	snop  }
0x159: {  	[tilespmem:s14], [sflag:$0x1] =	stream.indirect_vreg.gather [hbm4b:s4+s2], $0x80, v3, vm0, $0xb8;
	[tilespmem:$0xC780] =	vst v63  }
0x15a: {  	v3 =	vld [tilespmem:s9+$0x50];
	_ =	sdelay $0x4  }
0x15b: {  	v61 =	vshll.u32 v3, $0x1  }
0x15c: {  	v3 =	vand.u32 $0x7, v3;
	v4 =	vand.u32 $0xFFFFFFF0, v61  }
0x15d: {  	v3 =	vor.u32 v3, v4  }
0x15e: {  	v4 =	vperm.xlane v3, v0;
	_ =	sdelay $0x1  }
0x15f: {  	v3 =	vperm.xlane v3, v2;
	v4 =	vadd.s32 v1, v4;
	_ =	sdelay $0x1  }
0x160: {  	v3 =	vadd.s32 v1, v3;
	_ =	sdelay $0x2  }
0x161: {  	[tilespmem:s15], [sflag:$0x1] =	stream.indirect_vreg.gather [hbm4b:s4+s2], $0x80, v4, vm0, $0xb8;
	[tilespmem:$0xC780] =	vst v63  }
0x162: {  	_ = 	snop  }
0x163: {  	[tilespmem:s16], [sflag:$0x1] =	stream.indirect_vreg.gather [hbm4b:s4+s2], $0x80, v3, vm0, $0xb8;
	[tilespmem:$0xC780] =	vst v63  }
0x164: {  	v3 =	vld [tilespmem:s9+$0x60];
	_ =	sdelay $0x4  }
0x165: {  	v62 =	vshll.u32 v3, $0x1  }
0x166: {  	v3 =	vand.u32 $0x7, v3;
	v4 =	vand.u32 $0xFFFFFFF0, v62  }
0x167: {  	v3 =	vor.u32 v3, v4  }
0x168: {  	v4 =	vperm.xlane v3, v0;
	_ =	sdelay $0x1  }
0x169: {  	v3 =	vperm.xlane v3, v2;
	v4 =	vadd.s32 v1, v4;
	_ =	sdelay $0x1  }
0x16a: {  	v3 =	vadd.s32 v1, v3;
	_ =	sdelay $0x2  }
0x16b: {  	[tilespmem:s17], [sflag:$0x1] =	stream.indirect_vreg.gather [hbm4b:s4+s2], $0x80, v4, vm0, $0xb8;
	[tilespmem:$0xC780] =	vst v63  }
0x16c: {  	_ = 	snop  }
0x16d: {  	[tilespmem:s18], [sflag:$0x1] =	stream.indirect_vreg.gather [hbm4b:s4+s2], $0x80, v3, vm0, $0xb8;
	[tilespmem:$0xC780] =	vst v63  }
0x16e: {  	v3 =	vld [tilespmem:s9+$0x70];
	_ =	sdelay $0x4  }
0x16f: {  	v63 =	vshll.u32 v3, $0x1  }
0x170: {  	v3 =	vand.u32 $0x7, v3;
	v4 =	vand.u32 $0xFFFFFFF0, v63  }
0x171: {  	v3 =	vor.u32 v3, v4  }
0x172: {  	v4 =	vperm.xlane v3, v0;
	_ =	sdelay $0x1  }
0x173: {  	v4 =	vadd.s32 v1, v4  }
0x174: {  	v3 =	vperm.xlane v3, v2;
	_ =	sdelay $0x1  }
0x175: {  	s8 =	sadd.s32 $0x1400, s8;
	v3 =	vadd.s32 v1, v3  }
0x176: {  	p0 =	sne.s32 s8, $0x4D800  }
0x177: {  	[tilespmem:s19], [sflag:$0x1] =	stream.indirect_vreg.gather [hbm4b:s4+s2], $0x80, v4, vm0, $0xb8;
	[tilespmem:$0xC780] =	vst v63  }
.Ltmp1:
0x178: {  	_ = 	snop;
	(pc) =	sbr.rel @p0 .LBB2_4-.Ltmp1, $4  }
0x179: {  	_ = 	snop  }
0x17a: {  	[tilespmem:s20], [sflag:$0x1] =	stream.indirect_vreg.gather [hbm4b:s4+s2], $0x80, v3, vm0, $0xb8;
	[tilespmem:$0xC780] =	vst v63  }
0x17b: {  	s10 =	sadd.s32 $0xA00, s10;
	s9 =	sadd.s32 $0xA0, s9  }
0x17c: {  	[hbm4b:s10+s2] =	stream.linear.scatter [tilespmem:s22], [sflag:$0x4], $0x5000, $0x38;
	[tilespmem:$0xC780] =	vst v63  }
0x17d: {  	_ =	swait.ge [sflag:s21], $0x5000  }
0x17e: {  	[sflag:s21] =	ssyncset.done $0x0  }
0x17f: {  	s8 =	rddreg [dreg:$0x7];
	[sflag:s21] =	ssyncadd.s32 $0xFFFFB000  }
0x180: {  	[hbm4b:s8+s2] =	stream.linear.scatter [tilespmem:s11], [sflag:$0x3], $0x5000, $0x38;
	[tilespmem:$0xC780] =	vst v63  }
0x181: {  	_ =	swait.ge [sflag:s6], $0x5000  }
0x182: {  	[sflag:s6] =	ssyncset.done $0x0  }
0x183: {  	[sflag:s6] =	ssyncadd.s32 $0xFFFFB000  }
0x184: {  	_ =	swait.ge [sflag:s5], $0x5000  }
0x185: {  	s7 =	sadd.s32 $0x1, s7;
	s10 =	rddreg [dreg:$0x8]  }
0x186: {  	p0 =	sne.s32 s7, s10  }
.Ltmp2:
0x187: {  	_ = 	snop;
	(pc) =	sbr.rel @p0 .LBB2_1-.Ltmp2, $3  }
0x188: {  	_ =	sdelay $0x1  }
0x189: {  	[sflag:s5] =	ssyncset.done $0x0  }
0x18a: {  	[sflag:s5] =	ssyncadd.s32 $0xFFFFB000  }
0x18b: {  	_ =	sfence.sel $0x180000  }
0x18c: {  	[bflag:$0x0] =	sbarrier.arrive $0xFFFF  }
0x18d: {  	_ =	strace $0x90000047  }
0x18e: {  	s0 =	stileid.u32;
	[bflag:$0x2] =	sbarrier.arrive $0xFFFF  }
0x18f: {  	p0 =	sne.s32 s0, $0x0;
	s0 =	rddreg [dreg:$0x1]  }
0x190: {  	s0 =	sadd.s32 @!p0 $0x100000, s0  }
0x191: {  	[sflag:s0] =	ssyncadd.tile.s32 @!p0 $0x1;
	_ =	shalt  }
.Lfunc_end2:
_tile_overlayer_lowered:
.L_overlay_start_2:
0x192: {  	(tag) =	ssettag $0x2  }
0x193: {  	s0 =	rddreg [dreg:$0x0];
	s2 =	stileid.u32  }
0x194: {  	s1 =	rddreg [dreg:$0x1];
	p0 =	sne.s32 s2, $0x0  }
0x195: {  	s3 =	rddreg [dreg:$0x2];
	[bflag:$0x3] =	sbarrier.arrive $0xFFFF;
	s2 =	simm.s32 @!p0 $0x1C06  }
0x196: {  	[timem:s3], [sflag:s2] =	dma.local @!p0 [hbm:s0], s1  }
0x197: {  	s0 =	simm.s32 @!p0 $0x6  }
0x198: {  	_ =	swait.ge @!p0 [sflag:s0], s1  }
0x199: {  	s1 =	ssub.s32 @!p0 $0x0, s1;
	[sflag:s0] =	ssyncset.done @!p0 $0x0  }
0x19a: {  	[sflag:s0] =	ssyncadd.s32 @!p0 s1  }
0x19b: {  	[bflag:$0x3] =	sbarrier.arrive $0xFFFF  }
0x19c: {  	_ =	shalt  }

// kernel: scatter_offload_async_start
scs
__scs_entry_jumppad:
0x0: {  	(pc) =	sbr.rel $0x88, $3  }
0x1: {  	(tag) =	ssettag $0x0;
	lr =	simm.s32 $0x1  }
0x2: {  	[smem:$0x3F8F] =	sst lr;
	_ =	strace $0xD0000000  }
0x3: {  	_ = 	snop  }
0x4: {  	_ = 	snop  }
0x5: {  	_ = 	snop  }
0x6: {  	_ = 	snop  }
0x7: {  	_ = 	snop  }
__scs_overlays_trampoline_lowered:
0x8: {  	[smem:$0x3F9E] =	sst s0  }
0x9: {  	[smem:$0x3F9F] =	sst s1  }
0xa: {  	[smem:$0x3FA0] =	sst s2  }
0xb: {  	[smem:$0x3FA1] =	sst s3  }
0xc: {  	[smem:$0x3FA2] =	sst s4  }
0xd: {  	[smem:$0x3FA3] =	sst s5  }
0xe: {  	[smem:$0x3FA4] =	sst s6  }
0xf: {  	[smem:$0x3FA5] =	sst s7  }
0x10: {  	[smem:$0x3FA6] =	sst s8  }
0x11: {  	[smem:$0x3FA7] =	sst s9;
	s0 =	simm.s32 @!p0 $0x0  }
0x12: {  	s1 =	sld [smem:$0x3F8D];
	s0 =	simm.s32 @p0 $0x1  }
0x13: {  	[smem:$0x3FA8] =	sst s0;
	s0 =	simm.s32 @!p1 $0x0  }
0x14: {  	s2 =	sld [smem:$0x3F8C];
	s0 =	simm.s32 @p1 $0x1  }
0x15: {  	[smem:$0x3FA9] =	sst s0;
	s0 =	simm.s32 @!p2 $0x0  }
0x16: {  	s3 =	sld [smem:$0x3FDB];
	s0 =	simm.s32 @p2 $0x1  }
0x17: {  	s4 =	simm.s32 $0x1BF5;
	[smem:$0x3FAB] =	sst s0  }
0x18: {  	s0 =	sld [smem:$0x3F8E];
	_ =	swait.ge [sflag:s4], $0x0  }
0x19: {  	s7 =	sld [smem:$0x3F8F]  }
0x1a: {  	s8 =	sadd.s32 $0xFFFFE003, lr  }
0x1b: {  	s9 =	sadd.s32 $0xFFFFFEF7, lr;
	s5 =	simm.s32 $0xFFFFFFFF;
	p2 =	slt.u32 s8, $0xFFFFF086  }
0x1c: {  	p1 =	slt.u32 s9, $0xF7A;
	s5 =	simm.s32 @!p2 $0x0  }
0x1d: {  	s5 =	simm.s32 @p1 $0x1;
	p0 =	seq.s32 s7, s2  }
0x1e: {  	s7 =	smul.u32 @!p0 $0xF7A, s2;
	p2 =	seq.s32 @!p0 s5, $0x0  }
0x1f: {  	s9 =	smul.u32 $0xF7A, s1;
	s8 =	simm.s32 @!p0 $0x1BF5;
	p2 =	por !p2, p0  }
0x20: {  	[sflag:s8] =	ssyncset.s32 @!p0 $0xFFFFF086;
	s6 =	sadd.s32 @!p0 s3, s7;
	s7 =	simm.s32 @!p0 $0x108  }
0x21: {  	s3 =	sadd.s32 s3, s9;
	s6 =	sadd.s32 @!p0 $0x88, s6;
	s7 =	simm.s32 @p2 $0x1082  }
0x22: {  	[simem:s7], [sflag:s8] =	dma.local @!p0 [hbm:s6], $0xF7A  }
0x23: {  	s9 =	sor.u32 $0xD0000000, s2;
	s6 =	simm.s32 $0x108;
	_ =	swait.ge @!p0 [sflag:s8], $0x0  }
0x24: {  	s3 =	sadd.s32 $0x88, s3;
	s6 =	simm.s32 @!p1 $0x1082;
	[sflag:s4] =	ssyncset.s32 $0xFFFFF086  }
0x25: {  	[simem:s6], [sflag:s4] =	dma.local [hbm:s3], $0xF7A  }
0x26: {  	[smem:$0x3F8F] =	sst s1;
	(tag) =	ssettag s2;
	_ =	strace s9  }
0x27: {  	s1 =	sld [smem:$0x3F9F]  }
0x28: {  	s2 =	sld [smem:$0x3FA0]  }
0x29: {  	s4 =	sld [smem:$0x3FA2]  }
0x2a: {  	p0 =	seq.s32 s5, $0x0;
	s5 =	sld [smem:$0x3FA3]  }
0x2b: {  	s6 =	sld [smem:$0x3FA4]  }
0x2c: {  	s7 =	sld [smem:$0x3FA5]  }
0x2d: {  	s3 =	simm.s32 $0x108;
	s8 =	sld [smem:$0x3FA6]  }
0x2e: {  	s3 =	simm.s32 @!p0 $0x1082;
	s9 =	sld [smem:$0x3FA7]  }
0x2f: {  	lr =	sadd.s32 s0, s3;
	s0 =	sld [smem:$0x3F9E]  }
0x30: {  	s3 =	sld [smem:$0x3FA1]  }
0x31: {  	[smem:$0x3FAA] =	sst s10  }
0x32: {  	s10 =	sld [smem:$0x3FA8];
	_ =	sdelay $0x3  }
0x33: {  	p0 =	seq.s32 s10, $0x1;
	s10 =	sld [smem:$0x3FAA];
	_ =	sdelay $0x3  }
0x34: {  	[smem:$0x3FAA] =	sst s10  }
0x35: {  	s10 =	sld [smem:$0x3FA9];
	_ =	sdelay $0x3  }
0x36: {  	p1 =	seq.s32 s10, $0x1;
	s10 =	sld [smem:$0x3FAA];
	_ =	sdelay $0x3  }
0x37: {  	[smem:$0x3FAA] =	sst s10  }
0x38: {  	s10 =	sld [smem:$0x3FAB]  }
0x39: {  	_ = 	snop;
	(pc) =	sbr.ind lr, $3  }
0x3a: {  	_ = 	snop  }
0x3b: {  	_ = 	snop  }
0x3c: {  	p2 =	seq.s32 s10, $0x1;
	s10 =	sld [smem:$0x3FAA]  }
0x3d: {  	_ =	shalt  }
0x3e: {  	_ =	shalt  }
0x3f: {  	_ =	shalt  }
0x40: {  	_ =	shalt  }
0x41: {  	_ =	shalt  }
0x42: {  	_ =	shalt  }
0x43: {  	_ =	shalt  }
0x44: {  	_ =	shalt  }
0x45: {  	_ =	shalt  }
0x46: {  	_ =	shalt  }
0x47: {  	_ =	shalt  }
0x48: {  	_ =	shalt  }
0x49: {  	_ =	shalt  }
0x4a: {  	_ =	shalt  }
0x4b: {  	_ =	shalt  }
0x4c: {  	_ =	shalt  }
0x4d: {  	_ =	shalt  }
0x4e: {  	_ =	shalt  }
0x4f: {  	_ =	shalt  }
0x50: {  	_ =	shalt  }
0x51: {  	_ =	shalt  }
0x52: {  	_ =	shalt  }
0x53: {  	_ =	shalt  }
0x54: {  	_ =	shalt  }
0x55: {  	_ =	shalt  }
0x56: {  	_ =	shalt  }
0x57: {  	_ =	shalt  }
0x58: {  	_ =	shalt  }
0x59: {  	_ =	shalt  }
0x5a: {  	_ =	shalt  }
0x5b: {  	_ =	shalt  }
0x5c: {  	_ =	shalt  }
0x5d: {  	_ =	shalt  }
0x5e: {  	_ =	shalt  }
0x5f: {  	_ =	shalt  }
0x60: {  	_ =	shalt  }
0x61: {  	_ =	shalt  }
0x62: {  	_ =	shalt  }
0x63: {  	_ =	shalt  }
0x64: {  	_ =	shalt  }
0x65: {  	_ =	shalt  }
0x66: {  	_ =	shalt  }
0x67: {  	_ =	shalt  }
0x68: {  	_ =	shalt  }
0x69: {  	_ =	shalt  }
0x6a: {  	_ =	shalt  }
0x6b: {  	_ =	shalt  }
0x6c: {  	_ =	shalt  }
0x6d: {  	_ =	shalt  }
0x6e: {  	_ =	shalt  }
0x6f: {  	_ =	shalt  }
0x70: {  	_ =	shalt  }
0x71: {  	_ =	shalt  }
0x72: {  	_ =	shalt  }
0x73: {  	_ =	shalt  }
0x74: {  	_ =	shalt  }
0x75: {  	_ =	shalt  }
0x76: {  	_ =	shalt  }
0x77: {  	_ =	shalt  }
0x78: {  	_ =	shalt  }
0x79: {  	_ =	shalt  }
0x7a: {  	_ =	shalt  }
0x7b: {  	_ =	shalt  }
0x7c: {  	_ =	shalt  }
0x7d: {  	_ =	shalt  }
0x7e: {  	_ =	shalt  }
0x7f: {  	_ =	shalt  }
0x80: {  	_ =	shalt  }
0x81: {  	_ =	shalt  }
0x82: {  	_ =	shalt  }
0x83: {  	_ =	shalt  }
0x84: {  	_ =	shalt  }
0x85: {  	_ =	shalt  }
0x86: {  	_ =	shalt  }
0x87: {  	_ =	shalt  }
.Lfunc_end0:
.L_simem_size_0:
called_computation_lowered:
.L_overlay_start_0:
0x88: {  	s2 =	sld [smem:$0x3FD9]  }
0x89: {  	s3 =	sld [smem:$0x3FFE];
	_ =	sdelay $0x1  }
0x8a: {  	s1 =	srdreg.scid  }
0x8b: {  	s0 =	sand.u32 $0x1, s1  }
0x8c: {  	s15 =	sshll.u32 s0, $0xA;
	s2 =	sadd.s32 s3, s2  }
0x8d: {  	s2 =	sadd.s32 s2, s15  }
0x8e: {  	[smem:$0x3FB6] =	sst s2  }
0x8f: {  	_ = 	snop  }
0x90: {  	(tm) =	ssettm $0x1  }
0x91: {  	s16 =	sld [smem:$0x3FFB];
	_ =	sdelay $0x3  }
0x92: {  	_ =	strace s16  }
0x93: {  	s2 =	sld [smem:$0x3FFC];
	_ =	sdelay $0x3  }
0x94: {  	_ =	strace s2  }
0x95: {  	s2 =	sld [smem:$0x3FFD];
	_ =	sdelay $0x3  }
0x96: {  	_ =	strace s2  }
0x97: {  	_ =	strace $0x8FFFFFFF  }
0x98: {  	s17 =	sld [smem:$0x3FDB];
	_ =	sdelay $0x1  }
0x99: {  	s18 =	simm.s32 $_scs_section_size  }
0x9a: {  	s4 =	simm.s32 $_size__tile_overlayer_lowered;
	s5 =	simm.s32 $_tile_overlayer_lowered  }
0x9b: {  	s21 =	simm.s32 $0x1BFF;
	s20 =	sshll.u32 s5, $0x1;
	s2 =	sadd.s32 s18, s17  }
0x9c: {  	s6 =	simm.s32 $0x0;
	s19 =	sshll.u32 s4, $0x1;
	s4 =	sadd.s32 s20, s2  }
0x9d: {  	[timem:s6], [sflag:s21] =	dma.local [hbm:s4], s19  }
0x9e: {  	_ =	swait.ge [sflag:s21], s19  }
0x9f: {  	s3 =	ssub.s32 $0x0, s19;
	[sflag:s21] =	ssyncset.done $0x0  }
0xa0: {  	[sflag:s21] =	ssyncadd.s32 s3;
	_ =	sdelay $0x1  }
0xa1: {  	s22 =	simm.s32 $0x1B8B  }
0xa2: {  	_ =	swait.ge [sflag:s22], $0x1  }
0xa3: {  	[sflag:s22] =	ssyncset.done $0x0  }
0xa4: {  	s23 =	sld [smem:$0x3FFE];
	[sflag:s22] =	ssyncadd.s32 $0xFFFFFFFF  }
0xa5: {  	s25 =	simm.s32 $0x1B8E;
	s24 =	sld [smem:$0x0]  }
0xa6: {  	s26 =	simm.s32 $execute0_lowered;
	[smem:$0x3FD2] =	sst s25  }
0xa7: {  	s5 =	sshll.u32 s26, $0x1;
	_ =	strace $0x80000049;
	[dreg:$0x1] =	wrdreg $0xFFFFFFFF  }
0xa8: {  	s28 =	simm.s32 $_size_execute0_lowered;
	s2 =	sadd.s32 s2, s5;
	[dreg:$0x0] =	wrdreg $0x0  }
0xa9: {  	s5 =	sshll.u32 s28, $0x1;
	[dreg:$0x2] =	wrdreg s2  }
0xaa: {  	[dreg:$0x3] =	wrdreg s5  }
0xab: {  	[dreg:$0x4] =	wrdreg $0xC0  }
0xac: {  	_ =	task [dreg:s6], $0x5FFFF  }
0xad: {  	[dreg:$0x1] =	wrdreg $0xFFFFFFFF  }
0xae: {  	[dreg:$0x0] =	wrdreg $0x60  }
0xaf: {  	[dreg:$0x2] =	wrdreg s23  }
0xb0: {  	[dreg:$0x3] =	wrdreg s1  }
0xb1: {  	[dreg:$0x4] =	wrdreg s24  }
0xb2: {  	[dreg:$0x5] =	wrdreg $0x9  }
0xb3: {  	_ =	task.clear_ibuf [dreg:s6], $0x6FFFF;
	_ =	strace $0x90000049  }
0xb4: {  	s29 =	simm.s32 $0x9;
	_ =	strace $0x8000004B  }
0xb5: {  	_ =	swait.ge [sflag:s29], $0x1  }
0xb6: {  	[sflag:s29] =	ssyncadd.s32 $0xFFFFFFFF  }
0xb7: {  	_ =	strace $0x9000004B  }
0xb8: {  	_ =	sfence  }
0xb9: {  	s30 =	sld [smem:$0x0];
	_ =	sdelay $0x2  }
0xba: {  	s31 =	sshll.u32 s1, $0xD;
	s1 =	sshrl.u32 s1, $0x2  }
0xbb: {  	s3 =	sand.u32 $0x4000, s31;
	s1 =	sadd.s32 s1, s30  }
0xbc: {  	s0 =	sor.u32 s3, s0;
	s1 =	sshll.u32 s1, $0x11  }
0xbd: {  	s0 =	sor.u32 s1, s0  }
0xbe: {  	s0 =	sadd.s32 $0x8F2B, s0  }
0xbf: {  	[sflag:s0] =	ssyncadd.remote.s32 $0x1  }
0xc0: {  	_ =	sfence.sel $0xFFFF  }
0xc1: {  	[dreg:$0x0] =	wrdreg $0xFFFFFFFF;
	(pc) =	sbr.abs _section_cstart, $3  }
0xc2: {  	[dreg:$0x1] =	wrdreg $0xFFFFFFFF  }
0xc3: {  	_ =	task.clear_ibuf [dreg:s6], $0x2FFFF;
	_ =	strace $0x9FFFFFFF  }
0xc4: {  	(tm) =	ssettm $0x7FFFFFFF  }
0xc5: {  	_ =	shalt  }
tec
execute0_lowered:
.L_overlay_start_1:
0x0: {  	(tag) =	ssettag $0x1  }
0x1: {  	s7 =	rddreg [dreg:$0x0]  }
0x2: {  	s5 =	rddreg [dreg:$0x1];
	_ =	strace $0x8000004A;
	s0 =	simm.s32 $0x1  }
0x3: {  	v0 =	vimm.s32 $0x0;
	[sflag:s0] =	ssyncpa.u1 $0x0  }
0x4: {  	[tilespmem:$0x428] =	vst v0  }
0x5: {  	[tilespmem:$0x438] =	vst v0  }
0x6: {  	[tilespmem:$0x448] =	vst v0  }
0x7: {  	[tilespmem:$0x458] =	vst v0  }
0x8: {  	[tilespmem:$0x468] =	vst v0  }
0x9: {  	[tilespmem:$0x478] =	vst v0  }
0xa: {  	[tilespmem:$0x488] =	vst v0  }
0xb: {  	[tilespmem:$0x498] =	vst v0  }
0xc: {  	[tilespmem:$0x4A8] =	vst v0  }
0xd: {  	[tilespmem:$0x4B8] =	vst v0  }
0xe: {  	[tilespmem:$0x4C8] =	vst v0  }
0xf: {  	[tilespmem:$0x4D8] =	vst v0  }
0x10: {  	[tilespmem:$0x4E8] =	vst v0  }
0x11: {  	[tilespmem:$0x4F8] =	vst v0  }
0x12: {  	[tilespmem:$0x508] =	vst v0  }
0x13: {  	[tilespmem:$0x518] =	vst v0  }
0x14: {  	[tilespmem:$0x528] =	vst v0  }
0x15: {  	[tilespmem:$0x538] =	vst v0  }
0x16: {  	[tilespmem:$0x548] =	vst v0  }
0x17: {  	[tilespmem:$0x558] =	vst v0  }
0x18: {  	[tilespmem:$0x568] =	vst v0  }
0x19: {  	[tilespmem:$0x578] =	vst v0  }
0x1a: {  	[tilespmem:$0x588] =	vst v0  }
0x1b: {  	[tilespmem:$0x598] =	vst v0  }
0x1c: {  	[tilespmem:$0x5A8] =	vst v0  }
0x1d: {  	[tilespmem:$0x5B8] =	vst v0  }
0x1e: {  	[tilespmem:$0x5C8] =	vst v0  }
0x1f: {  	[tilespmem:$0x5D8] =	vst v0  }
0x20: {  	[tilespmem:$0x5E8] =	vst v0  }
0x21: {  	[tilespmem:$0x5F8] =	vst v0  }
0x22: {  	[tilespmem:$0x608] =	vst v0  }
0x23: {  	[tilespmem:$0x618] =	vst v0  }
0x24: {  	[tilespmem:$0x628] =	vst v0  }
0x25: {  	[tilespmem:$0x638] =	vst v0  }
0x26: {  	[tilespmem:$0x648] =	vst v0  }
0x27: {  	[tilespmem:$0x658] =	vst v0  }
0x28: {  	[tilespmem:$0x668] =	vst v0  }
0x29: {  	[tilespmem:$0x678] =	vst v0  }
0x2a: {  	[tilespmem:$0x688] =	vst v0  }
0x2b: {  	[tilespmem:$0x698] =	vst v0  }
0x2c: {  	[tilespmem:$0x6A8] =	vst v0  }
0x2d: {  	[tilespmem:$0x6B8] =	vst v0  }
0x2e: {  	[tilespmem:$0x6C8] =	vst v0  }
0x2f: {  	[tilespmem:$0x6D8] =	vst v0  }
0x30: {  	[tilespmem:$0x6E8] =	vst v0  }
0x31: {  	[tilespmem:$0x6F8] =	vst v0  }
0x32: {  	[tilespmem:$0x708] =	vst v0  }
0x33: {  	[tilespmem:$0x718] =	vst v0  }
0x34: {  	[tilespmem:$0x728] =	vst v0  }
0x35: {  	[tilespmem:$0x738] =	vst v0  }
0x36: {  	[tilespmem:$0x748] =	vst v0  }
0x37: {  	[tilespmem:$0x758] =	vst v0  }
0x38: {  	[tilespmem:$0x768] =	vst v0  }
0x39: {  	[tilespmem:$0x778] =	vst v0  }
0x3a: {  	[tilespmem:$0x788] =	vst v0  }
0x3b: {  	[tilespmem:$0x798] =	vst v0  }
0x3c: {  	[tilespmem:$0x7A8] =	vst v0  }
0x3d: {  	[tilespmem:$0x7B8] =	vst v0  }
0x3e: {  	[tilespmem:$0x7C8] =	vst v0  }
0x3f: {  	[tilespmem:$0x7D8] =	vst v0  }
0x40: {  	[tilespmem:$0x7E8] =	vst v0  }
0x41: {  	[tilespmem:$0x7F8] =	vst v0  }
0x42: {  	[tilespmem:$0x808] =	vst v0  }
0x43: {  	[tilespmem:$0x818] =	vst v0  }
0x44: {  	[tilespmem:$0x828] =	vst v0  }
0x45: {  	[tilespmem:$0x838] =	vst v0  }
0x46: {  	[tilespmem:$0x848] =	vst v0  }
0x47: {  	[tilespmem:$0x858] =	vst v0  }
0x48: {  	[tilespmem:$0x868] =	vst v0  }
0x49: {  	[tilespmem:$0x878] =	vst v0  }
0x4a: {  	[tilespmem:$0x888] =	vst v0  }
0x4b: {  	[tilespmem:$0x898] =	vst v0  }
0x4c: {  	[tilespmem:$0x8A8] =	vst v0  }
0x4d: {  	[tilespmem:$0x8B8] =	vst v0  }
0x4e: {  	[tilespmem:$0x8C8] =	vst v0  }
0x4f: {  	[tilespmem:$0x8D8] =	vst v0  }
0x50: {  	[tilespmem:$0x8E8] =	vst v0  }
0x51: {  	[tilespmem:$0x8F8] =	vst v0  }
0x52: {  	[tilespmem:$0x908] =	vst v0  }
0x53: {  	[tilespmem:$0x918] =	vst v0  }
0x54: {  	[tilespmem:$0x928] =	vst v0  }
0x55: {  	[tilespmem:$0x938] =	vst v0  }
0x56: {  	[tilespmem:$0x948] =	vst v0  }
0x57: {  	[tilespmem:$0x958] =	vst v0  }
0x58: {  	[tilespmem:$0x968] =	vst v0  }
0x59: {  	[tilespmem:$0x978] =	vst v0  }
0x5a: {  	[tilespmem:$0x988] =	vst v0  }
0x5b: {  	[tilespmem:$0x998] =	vst v0  }
0x5c: {  	[tilespmem:$0x9A8] =	vst v0  }
0x5d: {  	[tilespmem:$0x9B8] =	vst v0  }
0x5e: {  	[tilespmem:$0x9C8] =	vst v0  }
0x5f: {  	[tilespmem:$0x9D8] =	vst v0  }
0x60: {  	[tilespmem:$0x9E8] =	vst v0  }
0x61: {  	[tilespmem:$0x9F8] =	vst v0  }
0x62: {  	[tilespmem:$0xA08] =	vst v0  }
0x63: {  	[tilespmem:$0xA18] =	vst v0  }
0x64: {  	[tilespmem:$0xA28] =	vst v0  }
0x65: {  	[tilespmem:$0xA38] =	vst v0  }
0x66: {  	[tilespmem:$0xA48] =	vst v0  }
0x67: {  	[tilespmem:$0xA58] =	vst v0  }
0x68: {  	[tilespmem:$0xA68] =	vst v0  }
0x69: {  	[tilespmem:$0xA78] =	vst v0  }
0x6a: {  	[tilespmem:$0xA88] =	vst v0  }
0x6b: {  	[tilespmem:$0xA98] =	vst v0  }
0x6c: {  	[tilespmem:$0xAA8] =	vst v0  }
0x6d: {  	[tilespmem:$0xAB8] =	vst v0  }
0x6e: {  	[tilespmem:$0xAC8] =	vst v0  }
0x6f: {  	[tilespmem:$0xAD8] =	vst v0  }
0x70: {  	[tilespmem:$0xAE8] =	vst v0  }
0x71: {  	[tilespmem:$0xAF8] =	vst v0  }
0x72: {  	[tilespmem:$0xB08] =	vst v0  }
0x73: {  	[tilespmem:$0xB18] =	vst v0  }
0x74: {  	[tilespmem:$0xB28] =	vst v0  }
0x75: {  	[tilespmem:$0xB38] =	vst v0  }
0x76: {  	[tilespmem:$0xB48] =	vst v0  }
0x77: {  	[tilespmem:$0xB58] =	vst v0  }
0x78: {  	[tilespmem:$0xB68] =	vst v0  }
0x79: {  	[tilespmem:$0xB78] =	vst v0  }
0x7a: {  	[tilespmem:$0xB88] =	vst v0  }
0x7b: {  	[tilespmem:$0xB98] =	vst v0  }
0x7c: {  	[tilespmem:$0xBA8] =	vst v0  }
0x7d: {  	[tilespmem:$0xBB8] =	vst v0  }
0x7e: {  	[tilespmem:$0xBC8] =	vst v0  }
0x7f: {  	[tilespmem:$0xBD8] =	vst v0  }
0x80: {  	[tilespmem:$0xBE8] =	vst v0  }
0x81: {  	[tilespmem:$0xBF8] =	vst v0  }
0x82: {  	[tilespmem:$0xC08] =	vst v0  }
0x83: {  	[tilespmem:$0xC18] =	vst v0  }
0x84: {  	[tilespmem:$0xC28] =	vst v0  }
0x85: {  	[tilespmem:$0xC38] =	vst v0  }
0x86: {  	[tilespmem:$0xC48] =	vst v0  }
0x87: {  	[tilespmem:$0xC58] =	vst v0  }
0x88: {  	[tilespmem:$0xC68] =	vst v0  }
0x89: {  	[tilespmem:$0xC78] =	vst v0  }
0x8a: {  	[tilespmem:$0xC88] =	vst v0  }
0x8b: {  	[tilespmem:$0xC98] =	vst v0  }
0x8c: {  	[tilespmem:$0xCA8] =	vst v0  }
0x8d: {  	[tilespmem:$0xCB8] =	vst v0  }
0x8e: {  	[tilespmem:$0xCC8] =	vst v0  }
0x8f: {  	[tilespmem:$0xCD8] =	vst v0  }
0x90: {  	[tilespmem:$0xCE8] =	vst v0  }
0x91: {  	[tilespmem:$0xCF8] =	vst v0  }
0x92: {  	[tilespmem:$0xD08] =	vst v0  }
0x93: {  	[tilespmem:$0xD18] =	vst v0  }
0x94: {  	[tilespmem:$0xD28] =	vst v0  }
0x95: {  	[tilespmem:$0xD38] =	vst v0  }
0x96: {  	[tilespmem:$0xD48] =	vst v0  }
0x97: {  	[tilespmem:$0xD58] =	vst v0  }
0x98: {  	[tilespmem:$0xD68] =	vst v0  }
0x99: {  	[tilespmem:$0xD78] =	vst v0  }
0x9a: {  	[tilespmem:$0xD88] =	vst v0  }
0x9b: {  	[tilespmem:$0xD98] =	vst v0  }
0x9c: {  	[tilespmem:$0xDA8] =	vst v0  }
0x9d: {  	[tilespmem:$0xDB8] =	vst v0  }
0x9e: {  	[tilespmem:$0xDC8] =	vst v0  }
0x9f: {  	[tilespmem:$0xDD8] =	vst v0  }
0xa0: {  	[tilespmem:$0xDE8] =	vst v0  }
0xa1: {  	[tilespmem:$0xDF8] =	vst v0  }
0xa2: {  	[tilespmem:$0xE08] =	vst v0  }
0xa3: {  	[tilespmem:$0xE18] =	vst v0  }
0xa4: {  	[tilespmem:$0xE28] =	vst v0  }
0xa5: {  	[tilespmem:$0xE38] =	vst v0  }
0xa6: {  	[tilespmem:$0xE48] =	vst v0  }
0xa7: {  	[tilespmem:$0xE58] =	vst v0  }
0xa8: {  	[tilespmem:$0xE68] =	vst v0  }
0xa9: {  	[tilespmem:$0xE78] =	vst v0  }
0xaa: {  	[tilespmem:$0xE88] =	vst v0  }
0xab: {  	[tilespmem:$0xE98] =	vst v0  }
0xac: {  	[tilespmem:$0xEA8] =	vst v0  }
0xad: {  	[tilespmem:$0xEB8] =	vst v0  }
0xae: {  	[tilespmem:$0xEC8] =	vst v0  }
0xaf: {  	[tilespmem:$0xED8] =	vst v0  }
0xb0: {  	[tilespmem:$0xEE8] =	vst v0  }
0xb1: {  	[tilespmem:$0xEF8] =	vst v0  }
0xb2: {  	[tilespmem:$0xF08] =	vst v0  }
0xb3: {  	[tilespmem:$0xF18] =	vst v0  }
0xb4: {  	[tilespmem:$0xF28] =	vst v0  }
0xb5: {  	[tilespmem:$0xF38] =	vst v0  }
0xb6: {  	[tilespmem:$0xF48] =	vst v0  }
0xb7: {  	[tilespmem:$0xF58] =	vst v0  }
0xb8: {  	[tilespmem:$0xF68] =	vst v0  }
0xb9: {  	[tilespmem:$0xF78] =	vst v0  }
0xba: {  	[tilespmem:$0xF88] =	vst v0  }
0xbb: {  	[tilespmem:$0xF98] =	vst v0  }
0xbc: {  	[tilespmem:$0xFA8] =	vst v0  }
0xbd: {  	[tilespmem:$0xFB8] =	vst v0  }
0xbe: {  	[tilespmem:$0xFC8] =	vst v0  }
0xbf: {  	[tilespmem:$0xFD8] =	vst v0  }
0xc0: {  	[tilespmem:$0xFE8] =	vst v0  }
0xc1: {  	[tilespmem:$0xFF8] =	vst v0  }
0xc2: {  	[tilespmem:$0x1008] =	vst v0  }
0xc3: {  	[tilespmem:$0x1018] =	vst v0  }
0xc4: {  	[tilespmem:$0x1028] =	vst v0  }
0xc5: {  	[tilespmem:$0x1038] =	vst v0  }
0xc6: {  	[tilespmem:$0x1048] =	vst v0  }
0xc7: {  	[tilespmem:$0x1058] =	vst v0  }
0xc8: {  	[tilespmem:$0x1068] =	vst v0  }
0xc9: {  	[tilespmem:$0x1078] =	vst v0  }
0xca: {  	[tilespmem:$0x1088] =	vst v0  }
0xcb: {  	[tilespmem:$0x1098] =	vst v0  }
0xcc: {  	[tilespmem:$0x10A8] =	vst v0  }
0xcd: {  	[tilespmem:$0x10B8] =	vst v0  }
0xce: {  	[tilespmem:$0x10C8] =	vst v0  }
0xcf: {  	[tilespmem:$0x10D8] =	vst v0  }
0xd0: {  	[tilespmem:$0x10E8] =	vst v0  }
0xd1: {  	[tilespmem:$0x10F8] =	vst v0  }
0xd2: {  	[tilespmem:$0x1108] =	vst v0  }
0xd3: {  	[tilespmem:$0x1118] =	vst v0  }
0xd4: {  	[tilespmem:$0x1128] =	vst v0  }
0xd5: {  	[tilespmem:$0x1138] =	vst v0  }
0xd6: {  	[tilespmem:$0x1148] =	vst v0  }
0xd7: {  	[tilespmem:$0x1158] =	vst v0  }
0xd8: {  	[tilespmem:$0x1168] =	vst v0  }
0xd9: {  	[tilespmem:$0x1178] =	vst v0  }
0xda: {  	[tilespmem:$0x1188] =	vst v0  }
0xdb: {  	[tilespmem:$0x1198] =	vst v0  }
0xdc: {  	[tilespmem:$0x11A8] =	vst v0  }
0xdd: {  	[tilespmem:$0x11B8] =	vst v0  }
0xde: {  	[tilespmem:$0x11C8] =	vst v0  }
0xdf: {  	[tilespmem:$0x11D8] =	vst v0  }
0xe0: {  	[tilespmem:$0x11E8] =	vst v0  }
0xe1: {  	[tilespmem:$0x11F8] =	vst v0  }
0xe2: {  	[tilespmem:$0x1208] =	vst v0  }
0xe3: {  	[tilespmem:$0x1218] =	vst v0  }
0xe4: {  	[tilespmem:$0x1228] =	vst v0  }
0xe5: {  	[tilespmem:$0x1238] =	vst v0  }
0xe6: {  	[tilespmem:$0x1248] =	vst v0  }
0xe7: {  	[tilespmem:$0x1258] =	vst v0  }
0xe8: {  	[tilespmem:$0x1268] =	vst v0  }
0xe9: {  	[tilespmem:$0x1278] =	vst v0  }
0xea: {  	[tilespmem:$0x1288] =	vst v0  }
0xeb: {  	[tilespmem:$0x1298] =	vst v0  }
0xec: {  	[tilespmem:$0x12A8] =	vst v0  }
0xed: {  	[tilespmem:$0x12B8] =	vst v0  }
0xee: {  	[tilespmem:$0x12C8] =	vst v0  }
0xef: {  	[tilespmem:$0x12D8] =	vst v0  }
0xf0: {  	[tilespmem:$0x12E8] =	vst v0  }
0xf1: {  	[tilespmem:$0x12F8] =	vst v0  }
0xf2: {  	[tilespmem:$0x1308] =	vst v0  }
0xf3: {  	[tilespmem:$0x1318] =	vst v0  }
0xf4: {  	[tilespmem:$0x1328] =	vst v0  }
0xf5: {  	[tilespmem:$0x1338] =	vst v0  }
0xf6: {  	[tilespmem:$0x1348] =	vst v0  }
0xf7: {  	[tilespmem:$0x1358] =	vst v0  }
0xf8: {  	[tilespmem:$0x1368] =	vst v0  }
0xf9: {  	[tilespmem:$0x1378] =	vst v0  }
0xfa: {  	[tilespmem:$0x1388] =	vst v0  }
0xfb: {  	[tilespmem:$0x1398] =	vst v0  }
0xfc: {  	[tilespmem:$0x13A8] =	vst v0  }
0xfd: {  	[tilespmem:$0x13B8] =	vst v0  }
0xfe: {  	[tilespmem:$0x13C8] =	vst v0  }
0xff: {  	[tilespmem:$0x13D8] =	vst v0  }
0x100: {  	[tilespmem:$0x13E8] =	vst v0  }
0x101: {  	[tilespmem:$0x13F8] =	vst v0  }
0x102: {  	[tilespmem:$0x1408] =	vst v0  }
0x103: {  	[tilespmem:$0x1418] =	vst v0  }
0x104: {  	[tilespmem:$0x1428] =	vst v0  }
0x105: {  	[tilespmem:$0x1438] =	vst v0  }
0x106: {  	[tilespmem:$0x1448] =	vst v0  }
0x107: {  	[tilespmem:$0x1458] =	vst v0  }
0x108: {  	[tilespmem:$0x1468] =	vst v0  }
0x109: {  	[tilespmem:$0x1478] =	vst v0  }
0x10a: {  	[tilespmem:$0x1488] =	vst v0  }
0x10b: {  	[tilespmem:$0x1498] =	vst v0  }
0x10c: {  	[tilespmem:$0x14A8] =	vst v0  }
0x10d: {  	[tilespmem:$0x14B8] =	vst v0  }
0x10e: {  	[tilespmem:$0x14C8] =	vst v0  }
0x10f: {  	[tilespmem:$0x14D8] =	vst v0  }
0x110: {  	[tilespmem:$0x14E8] =	vst v0  }
0x111: {  	[tilespmem:$0x14F8] =	vst v0  }
0x112: {  	[tilespmem:$0x1508] =	vst v0  }
0x113: {  	[tilespmem:$0x1518] =	vst v0  }
0x114: {  	[tilespmem:$0x1528] =	vst v0  }
0x115: {  	[tilespmem:$0x1538] =	vst v0  }
0x116: {  	[tilespmem:$0x1548] =	vst v0  }
0x117: {  	[tilespmem:$0x1558] =	vst v0  }
0x118: {  	[tilespmem:$0x1568] =	vst v0  }
0x119: {  	[tilespmem:$0x1578] =	vst v0  }
0x11a: {  	[tilespmem:$0x1588] =	vst v0  }
0x11b: {  	[tilespmem:$0x1598] =	vst v0  }
0x11c: {  	[tilespmem:$0x15A8] =	vst v0  }
0x11d: {  	[tilespmem:$0x15B8] =	vst v0  }
0x11e: {  	[tilespmem:$0x15C8] =	vst v0  }
0x11f: {  	[tilespmem:$0x15D8] =	vst v0  }
0x120: {  	[tilespmem:$0x15E8] =	vst v0  }
0x121: {  	[tilespmem:$0x15F8] =	vst v0  }
0x122: {  	[tilespmem:$0x1608] =	vst v0  }
0x123: {  	[tilespmem:$0x1618] =	vst v0  }
0x124: {  	[tilespmem:$0x1628] =	vst v0  }
0x125: {  	[tilespmem:$0x1638] =	vst v0  }
0x126: {  	[tilespmem:$0x1648] =	vst v0  }
0x127: {  	[tilespmem:$0x1658] =	vst v0  }
0x128: {  	[tilespmem:$0x1668] =	vst v0  }
0x129: {  	[tilespmem:$0x1678] =	vst v0  }
0x12a: {  	[tilespmem:$0x1688] =	vst v0  }
0x12b: {  	[tilespmem:$0x1698] =	vst v0  }
0x12c: {  	[tilespmem:$0x16A8] =	vst v0  }
0x12d: {  	[tilespmem:$0x16B8] =	vst v0  }
0x12e: {  	[tilespmem:$0x16C8] =	vst v0  }
0x12f: {  	[tilespmem:$0x16D8] =	vst v0  }
0x130: {  	[tilespmem:$0x16E8] =	vst v0  }
0x131: {  	[tilespmem:$0x16F8] =	vst v0  }
0x132: {  	[tilespmem:$0x1708] =	vst v0  }
0x133: {  	[tilespmem:$0x1718] =	vst v0  }
0x134: {  	[tilespmem:$0x1728] =	vst v0  }
0x135: {  	[tilespmem:$0x1738] =	vst v0  }
0x136: {  	[tilespmem:$0x1748] =	vst v0  }
0x137: {  	[tilespmem:$0x1758] =	vst v0  }
0x138: {  	[tilespmem:$0x1768] =	vst v0  }
0x139: {  	[tilespmem:$0x1778] =	vst v0  }
0x13a: {  	[tilespmem:$0x1788] =	vst v0  }
0x13b: {  	[tilespmem:$0x1798] =	vst v0  }
0x13c: {  	[tilespmem:$0x17A8] =	vst v0  }
0x13d: {  	[tilespmem:$0x17B8] =	vst v0  }
0x13e: {  	[tilespmem:$0x17C8] =	vst v0  }
0x13f: {  	[tilespmem:$0x17D8] =	vst v0  }
0x140: {  	[tilespmem:$0x17E8] =	vst v0  }
0x141: {  	[tilespmem:$0x17F8] =	vst v0  }
0x142: {  	[tilespmem:$0x1808] =	vst v0  }
0x143: {  	[tilespmem:$0x1818] =	vst v0  }
0x144: {  	[tilespmem:$0x1828] =	vst v0  }
0x145: {  	[tilespmem:$0x1838] =	vst v0  }
0x146: {  	[tilespmem:$0x1848] =	vst v0  }
0x147: {  	[tilespmem:$0x1858] =	vst v0  }
0x148: {  	[tilespmem:$0x1868] =	vst v0  }
0x149: {  	[tilespmem:$0x1878] =	vst v0  }
0x14a: {  	[tilespmem:$0x1888] =	vst v0  }
0x14b: {  	[tilespmem:$0x1898] =	vst v0  }
0x14c: {  	[tilespmem:$0x18A8] =	vst v0  }
0x14d: {  	[tilespmem:$0x18B8] =	vst v0  }
0x14e: {  	[tilespmem:$0x18C8] =	vst v0  }
0x14f: {  	[tilespmem:$0x18D8] =	vst v0  }
0x150: {  	[tilespmem:$0x18E8] =	vst v0  }
0x151: {  	[tilespmem:$0x18F8] =	vst v0  }
0x152: {  	[tilespmem:$0x1908] =	vst v0  }
0x153: {  	[tilespmem:$0x1918] =	vst v0  }
0x154: {  	[tilespmem:$0x1928] =	vst v0  }
0x155: {  	[tilespmem:$0x1938] =	vst v0  }
0x156: {  	[tilespmem:$0x1948] =	vst v0  }
0x157: {  	[tilespmem:$0x1958] =	vst v0  }
0x158: {  	[tilespmem:$0x1968] =	vst v0  }
0x159: {  	[tilespmem:$0x1978] =	vst v0  }
0x15a: {  	[tilespmem:$0x1988] =	vst v0  }
0x15b: {  	[tilespmem:$0x1998] =	vst v0  }
0x15c: {  	[tilespmem:$0x19A8] =	vst v0  }
0x15d: {  	[tilespmem:$0x19B8] =	vst v0  }
0x15e: {  	[tilespmem:$0x19C8] =	vst v0  }
0x15f: {  	[tilespmem:$0x19D8] =	vst v0  }
0x160: {  	[tilespmem:$0x19E8] =	vst v0  }
0x161: {  	[tilespmem:$0x19F8] =	vst v0  }
0x162: {  	[tilespmem:$0x2928] =	vst v0  }
0x163: {  	[tilespmem:$0x2918] =	vst v0  }
0x164: {  	[tilespmem:$0x2908] =	vst v0  }
0x165: {  	[tilespmem:$0x2958] =	vst v0  }
0x166: {  	[tilespmem:$0x2948] =	vst v0  }
0x167: {  	[tilespmem:$0x2938] =	vst v0  }
0x168: {  	[tilespmem:$0x1A08] =	vst v0  }
0x169: {  	[tilespmem:$0x1A18] =	vst v0  }
0x16a: {  	[tilespmem:$0x1A28] =	vst v0  }
0x16b: {  	[tilespmem:$0x1A38] =	vst v0  }
0x16c: {  	[tilespmem:$0x1A48] =	vst v0  }
0x16d: {  	[tilespmem:$0x1A58] =	vst v0  }
0x16e: {  	[tilespmem:$0x1A68] =	vst v0  }
0x16f: {  	[tilespmem:$0x1A78] =	vst v0  }
0x170: {  	[tilespmem:$0x1A88] =	vst v0  }
0x171: {  	[tilespmem:$0x1A98] =	vst v0  }
0x172: {  	[tilespmem:$0x1AA8] =	vst v0  }
0x173: {  	[tilespmem:$0x1AB8] =	vst v0  }
0x174: {  	[tilespmem:$0x1AC8] =	vst v0  }
0x175: {  	[tilespmem:$0x1AD8] =	vst v0  }
0x176: {  	[tilespmem:$0x1AE8] =	vst v0  }
0x177: {  	[tilespmem:$0x1AF8] =	vst v0  }
0x178: {  	[tilespmem:$0x1B08] =	vst v0  }
0x179: {  	[tilespmem:$0x1B18] =	vst v0  }
0x17a: {  	[tilespmem:$0x1B28] =	vst v0  }
0x17b: {  	[tilespmem:$0x1B38] =	vst v0  }
0x17c: {  	[tilespmem:$0x1B48] =	vst v0  }
0x17d: {  	[tilespmem:$0x1B58] =	vst v0  }
0x17e: {  	[tilespmem:$0x1B68] =	vst v0  }
0x17f: {  	[tilespmem:$0x1B78] =	vst v0  }
0x180: {  	[tilespmem:$0x1B88] =	vst v0  }
0x181: {  	[tilespmem:$0x1B98] =	vst v0  }
0x182: {  	[tilespmem:$0x1BA8] =	vst v0  }
0x183: {  	[tilespmem:$0x1BB8] =	vst v0  }
0x184: {  	[tilespmem:$0x1BC8] =	vst v0  }
0x185: {  	[tilespmem:$0x1BD8] =	vst v0  }
0x186: {  	[tilespmem:$0x1BE8] =	vst v0  }
0x187: {  	[tilespmem:$0x1BF8] =	vst v0  }
0x188: {  	[tilespmem:$0x1C08] =	vst v0  }
0x189: {  	[tilespmem:$0x1C18] =	vst v0  }
0x18a: {  	[tilespmem:$0x1C28] =	vst v0  }
0x18b: {  	[tilespmem:$0x1C38] =	vst v0  }
0x18c: {  	[tilespmem:$0x1C48] =	vst v0  }
0x18d: {  	[tilespmem:$0x1C58] =	vst v0  }
0x18e: {  	[tilespmem:$0x1C68] =	vst v0  }
0x18f: {  	[tilespmem:$0x1C78] =	vst v0  }
0x190: {  	[tilespmem:$0x1C88] =	vst v0  }
0x191: {  	[tilespmem:$0x1C98] =	vst v0  }
0x192: {  	[tilespmem:$0x1CA8] =	vst v0  }
0x193: {  	[tilespmem:$0x1CB8] =	vst v0  }
0x194: {  	[tilespmem:$0x1CC8] =	vst v0  }
0x195: {  	[tilespmem:$0x1CD8] =	vst v0  }
0x196: {  	[tilespmem:$0x1CE8] =	vst v0  }
0x197: {  	[tilespmem:$0x1CF8] =	vst v0  }
0x198: {  	[tilespmem:$0x1D08] =	vst v0  }
0x199: {  	[tilespmem:$0x1D18] =	vst v0  }
0x19a: {  	[tilespmem:$0x1D28] =	vst v0  }
0x19b: {  	[tilespmem:$0x1D38] =	vst v0  }
0x19c: {  	[tilespmem:$0x1D48] =	vst v0  }
0x19d: {  	[tilespmem:$0x1D58] =	vst v0  }
0x19e: {  	[tilespmem:$0x1D68] =	vst v0  }
0x19f: {  	[tilespmem:$0x1D78] =	vst v0  }
0x1a0: {  	[tilespmem:$0x1D88] =	vst v0  }
0x1a1: {  	[tilespmem:$0x1D98] =	vst v0  }
0x1a2: {  	[tilespmem:$0x1DA8] =	vst v0  }
0x1a3: {  	[tilespmem:$0x1DB8] =	vst v0  }
0x1a4: {  	[tilespmem:$0x1DC8] =	vst v0  }
0x1a5: {  	[tilespmem:$0x1DD8] =	vst v0  }
0x1a6: {  	[tilespmem:$0x1DE8] =	vst v0  }
0x1a7: {  	[tilespmem:$0x1DF8] =	vst v0  }
0x1a8: {  	[tilespmem:$0x1E08] =	vst v0  }
0x1a9: {  	[tilespmem:$0x1E18] =	vst v0  }
0x1aa: {  	[tilespmem:$0x1E28] =	vst v0  }
0x1ab: {  	[tilespmem:$0x1E38] =	vst v0  }
0x1ac: {  	[tilespmem:$0x1E48] =	vst v0  }
0x1ad: {  	[tilespmem:$0x1E58] =	vst v0  }
0x1ae: {  	[tilespmem:$0x1E68] =	vst v0  }
0x1af: {  	[tilespmem:$0x1E78] =	vst v0  }
0x1b0: {  	[tilespmem:$0x1E88] =	vst v0  }
0x1b1: {  	[tilespmem:$0x1E98] =	vst v0  }
0x1b2: {  	[tilespmem:$0x1EA8] =	vst v0  }
0x1b3: {  	[tilespmem:$0x1EB8] =	vst v0  }
0x1b4: {  	[tilespmem:$0x1EC8] =	vst v0  }
0x1b5: {  	[tilespmem:$0x1ED8] =	vst v0  }
0x1b6: {  	[tilespmem:$0x1EE8] =	vst v0  }
0x1b7: {  	[tilespmem:$0x1EF8] =	vst v0  }
0x1b8: {  	[tilespmem:$0x1F08] =	vst v0  }
0x1b9: {  	[tilespmem:$0x1F18] =	vst v0  }
0x1ba: {  	[tilespmem:$0x1F28] =	vst v0  }
0x1bb: {  	[tilespmem:$0x1F38] =	vst v0  }
0x1bc: {  	[tilespmem:$0x1F48] =	vst v0  }
0x1bd: {  	[tilespmem:$0x1F58] =	vst v0  }
0x1be: {  	[tilespmem:$0x1F68] =	vst v0  }
0x1bf: {  	[tilespmem:$0x1F78] =	vst v0  }
0x1c0: {  	[tilespmem:$0x1F88] =	vst v0  }
0x1c1: {  	[tilespmem:$0x1F98] =	vst v0  }
0x1c2: {  	[tilespmem:$0x1FA8] =	vst v0  }
0x1c3: {  	[tilespmem:$0x1FB8] =	vst v0  }
0x1c4: {  	[tilespmem:$0x1FC8] =	vst v0  }
0x1c5: {  	[tilespmem:$0x1FD8] =	vst v0  }
0x1c6: {  	[tilespmem:$0x1FE8] =	vst v0  }
0x1c7: {  	[tilespmem:$0x1FF8] =	vst v0  }
0x1c8: {  	[tilespmem:$0x2008] =	vst v0  }
0x1c9: {  	[tilespmem:$0x2018] =	vst v0  }
0x1ca: {  	[tilespmem:$0x2028] =	vst v0  }
0x1cb: {  	[tilespmem:$0x2038] =	vst v0  }
0x1cc: {  	[tilespmem:$0x2048] =	vst v0  }
0x1cd: {  	[tilespmem:$0x2058] =	vst v0  }
0x1ce: {  	[tilespmem:$0x2068] =	vst v0  }
0x1cf: {  	[tilespmem:$0x2078] =	vst v0  }
0x1d0: {  	[tilespmem:$0x2088] =	vst v0  }
0x1d1: {  	[tilespmem:$0x2098] =	vst v0  }
0x1d2: {  	[tilespmem:$0x20A8] =	vst v0  }
0x1d3: {  	[tilespmem:$0x20B8] =	vst v0  }
0x1d4: {  	[tilespmem:$0x20C8] =	vst v0  }
0x1d5: {  	[tilespmem:$0x20D8] =	vst v0  }
0x1d6: {  	[tilespmem:$0x20E8] =	vst v0  }
0x1d7: {  	[tilespmem:$0x20F8] =	vst v0  }
0x1d8: {  	[tilespmem:$0x2108] =	vst v0  }
0x1d9: {  	[tilespmem:$0x2118] =	vst v0  }
0x1da: {  	[tilespmem:$0x2128] =	vst v0  }
0x1db: {  	[tilespmem:$0x2138] =	vst v0  }
0x1dc: {  	[tilespmem:$0x2148] =	vst v0  }
0x1dd: {  	[tilespmem:$0x2158] =	vst v0  }
0x1de: {  	[tilespmem:$0x2168] =	vst v0  }
0x1df: {  	[tilespmem:$0x2178] =	vst v0  }
0x1e0: {  	[tilespmem:$0x2188] =	vst v0  }
0x1e1: {  	[tilespmem:$0x2198] =	vst v0  }
0x1e2: {  	[tilespmem:$0x21A8] =	vst v0  }
0x1e3: {  	[tilespmem:$0x21B8] =	vst v0  }
0x1e4: {  	[tilespmem:$0x21C8] =	vst v0  }
0x1e5: {  	[tilespmem:$0x21D8] =	vst v0  }
0x1e6: {  	[tilespmem:$0x21E8] =	vst v0  }
0x1e7: {  	[tilespmem:$0x21F8] =	vst v0  }
0x1e8: {  	[tilespmem:$0x2208] =	vst v0  }
0x1e9: {  	[tilespmem:$0x2218] =	vst v0  }
0x1ea: {  	[tilespmem:$0x2228] =	vst v0  }
0x1eb: {  	[tilespmem:$0x2238] =	vst v0  }
0x1ec: {  	[tilespmem:$0x2248] =	vst v0  }
0x1ed: {  	[tilespmem:$0x2258] =	vst v0  }
0x1ee: {  	[tilespmem:$0x2268] =	vst v0  }
0x1ef: {  	[tilespmem:$0x2278] =	vst v0  }
0x1f0: {  	[tilespmem:$0x2288] =	vst v0  }
0x1f1: {  	[tilespmem:$0x2298] =	vst v0  }
0x1f2: {  	[tilespmem:$0x22A8] =	vst v0  }
0x1f3: {  	[tilespmem:$0x22B8] =	vst v0  }
0x1f4: {  	[tilespmem:$0x22C8] =	vst v0  }
0x1f5: {  	[tilespmem:$0x22D8] =	vst v0  }
0x1f6: {  	[tilespmem:$0x22E8] =	vst v0  }
0x1f7: {  	[tilespmem:$0x22F8] =	vst v0  }
0x1f8: {  	[tilespmem:$0x2308] =	vst v0  }
0x1f9: {  	[tilespmem:$0x2318] =	vst v0  }
0x1fa: {  	[tilespmem:$0x2328] =	vst v0  }
0x1fb: {  	[tilespmem:$0x2338] =	vst v0  }
0x1fc: {  	[tilespmem:$0x2348] =	vst v0  }
0x1fd: {  	[tilespmem:$0x2358] =	vst v0  }
0x1fe: {  	[tilespmem:$0x2368] =	vst v0  }
0x1ff: {  	[tilespmem:$0x2378] =	vst v0  }
0x200: {  	[tilespmem:$0x2388] =	vst v0  }
0x201: {  	[tilespmem:$0x2398] =	vst v0  }
0x202: {  	[tilespmem:$0x23A8] =	vst v0  }
0x203: {  	[tilespmem:$0x23B8] =	vst v0  }
0x204: {  	[tilespmem:$0x23C8] =	vst v0  }
0x205: {  	[tilespmem:$0x23D8] =	vst v0  }
0x206: {  	[tilespmem:$0x23E8] =	vst v0  }
0x207: {  	[tilespmem:$0x23F8] =	vst v0  }
0x208: {  	[tilespmem:$0x2408] =	vst v0  }
0x209: {  	[tilespmem:$0x2418] =	vst v0  }
0x20a: {  	[tilespmem:$0x2428] =	vst v0  }
0x20b: {  	[tilespmem:$0x2438] =	vst v0  }
0x20c: {  	[tilespmem:$0x2448] =	vst v0  }
0x20d: {  	[tilespmem:$0x2458] =	vst v0  }
0x20e: {  	[tilespmem:$0x2468] =	vst v0  }
0x20f: {  	[tilespmem:$0x2478] =	vst v0  }
0x210: {  	[tilespmem:$0x2488] =	vst v0  }
0x211: {  	[tilespmem:$0x2498] =	vst v0  }
0x212: {  	[tilespmem:$0x24A8] =	vst v0  }
0x213: {  	[tilespmem:$0x24B8] =	vst v0  }
0x214: {  	[tilespmem:$0x24C8] =	vst v0  }
0x215: {  	[tilespmem:$0x24D8] =	vst v0  }
0x216: {  	[tilespmem:$0x24E8] =	vst v0  }
0x217: {  	[tilespmem:$0x24F8] =	vst v0  }
0x218: {  	[tilespmem:$0x2508] =	vst v0  }
0x219: {  	[tilespmem:$0x2518] =	vst v0  }
0x21a: {  	[tilespmem:$0x2528] =	vst v0  }
0x21b: {  	[tilespmem:$0x2538] =	vst v0  }
0x21c: {  	[tilespmem:$0x2548] =	vst v0  }
0x21d: {  	[tilespmem:$0x2558] =	vst v0  }
0x21e: {  	[tilespmem:$0x2568] =	vst v0  }
0x21f: {  	[tilespmem:$0x2578] =	vst v0  }
0x220: {  	[tilespmem:$0x2588] =	vst v0  }
0x221: {  	[tilespmem:$0x2598] =	vst v0  }
0x222: {  	[tilespmem:$0x25A8] =	vst v0  }
0x223: {  	[tilespmem:$0x25B8] =	vst v0  }
0x224: {  	[tilespmem:$0x25C8] =	vst v0  }
0x225: {  	[tilespmem:$0x25D8] =	vst v0  }
0x226: {  	[tilespmem:$0x25E8] =	vst v0  }
0x227: {  	[tilespmem:$0x25F8] =	vst v0  }
0x228: {  	[tilespmem:$0x2608] =	vst v0  }
0x229: {  	[tilespmem:$0x2618] =	vst v0  }
0x22a: {  	[tilespmem:$0x2628] =	vst v0  }
0x22b: {  	[tilespmem:$0x2638] =	vst v0  }
0x22c: {  	[tilespmem:$0x2648] =	vst v0  }
0x22d: {  	[tilespmem:$0x2658] =	vst v0  }
0x22e: {  	[tilespmem:$0x2668] =	vst v0  }
0x22f: {  	[tilespmem:$0x2678] =	vst v0  }
0x230: {  	[tilespmem:$0x2688] =	vst v0  }
0x231: {  	[tilespmem:$0x2698] =	vst v0  }
0x232: {  	[tilespmem:$0x26A8] =	vst v0  }
0x233: {  	[tilespmem:$0x26B8] =	vst v0  }
0x234: {  	[tilespmem:$0x26C8] =	vst v0  }
0x235: {  	[tilespmem:$0x26D8] =	vst v0  }
0x236: {  	[tilespmem:$0x26E8] =	vst v0  }
0x237: {  	[tilespmem:$0x26F8] =	vst v0  }
0x238: {  	[tilespmem:$0x2708] =	vst v0  }
0x239: {  	[tilespmem:$0x2718] =	vst v0  }
0x23a: {  	[tilespmem:$0x2728] =	vst v0  }
0x23b: {  	[tilespmem:$0x2738] =	vst v0  }
0x23c: {  	[tilespmem:$0x2748] =	vst v0  }
0x23d: {  	[tilespmem:$0x2758] =	vst v0  }
0x23e: {  	[tilespmem:$0x2768] =	vst v0  }
0x23f: {  	[tilespmem:$0x2778] =	vst v0  }
0x240: {  	[tilespmem:$0x2788] =	vst v0  }
0x241: {  	[tilespmem:$0x2798] =	vst v0  }
0x242: {  	[tilespmem:$0x27A8] =	vst v0  }
0x243: {  	[tilespmem:$0x27B8] =	vst v0  }
0x244: {  	[tilespmem:$0x27C8] =	vst v0  }
0x245: {  	[tilespmem:$0x27D8] =	vst v0  }
0x246: {  	[tilespmem:$0x27E8] =	vst v0  }
0x247: {  	[tilespmem:$0x27F8] =	vst v0  }
0x248: {  	[tilespmem:$0x2808] =	vst v0  }
0x249: {  	[tilespmem:$0x2818] =	vst v0  }
0x24a: {  	[tilespmem:$0x2828] =	vst v0  }
0x24b: {  	[tilespmem:$0x2838] =	vst v0  }
0x24c: {  	[tilespmem:$0x2848] =	vst v0  }
0x24d: {  	[tilespmem:$0x2858] =	vst v0  }
0x24e: {  	[tilespmem:$0x2868] =	vst v0  }
0x24f: {  	[tilespmem:$0x2878] =	vst v0  }
0x250: {  	[tilespmem:$0x2888] =	vst v0  }
0x251: {  	[tilespmem:$0x2898] =	vst v0  }
0x252: {  	[tilespmem:$0x28A8] =	vst v0  }
0x253: {  	[tilespmem:$0x28B8] =	vst v0  }
0x254: {  	[tilespmem:$0x28C8] =	vst v0  }
0x255: {  	[tilespmem:$0x28D8] =	vst v0  }
0x256: {  	[tilespmem:$0x28E8] =	vst v0  }
0x257: {  	[tilespmem:$0x28F8] =	vst v0  }
0x258: {  	[tilespmem:$0x2968] =	vst v0  }
0x259: {  	[tilespmem:$0x2978] =	vst v0  }
0x25a: {  	[tilespmem:$0x2988] =	vst v0  }
0x25b: {  	[tilespmem:$0x2998] =	vst v0  }
0x25c: {  	[tilespmem:$0x29A8] =	vst v0  }
0x25d: {  	[tilespmem:$0x29B8] =	vst v0  }
0x25e: {  	[tilespmem:$0x29C8] =	vst v0  }
0x25f: {  	[tilespmem:$0x29D8] =	vst v0  }
0x260: {  	[tilespmem:$0x29E8] =	vst v0  }
0x261: {  	[tilespmem:$0x29F8] =	vst v0  }
0x262: {  	[tilespmem:$0x2A08] =	vst v0  }
0x263: {  	[tilespmem:$0x2A18] =	vst v0  }
0x264: {  	[tilespmem:$0x2A28] =	vst v0  }
0x265: {  	[tilespmem:$0x2A38] =	vst v0  }
0x266: {  	[tilespmem:$0x2A48] =	vst v0  }
0x267: {  	[tilespmem:$0x2A58] =	vst v0  }
0x268: {  	[tilespmem:$0x2A68] =	vst v0  }
0x269: {  	[tilespmem:$0x2A78] =	vst v0  }
0x26a: {  	[tilespmem:$0x2A88] =	vst v0  }
0x26b: {  	[tilespmem:$0x2A98] =	vst v0  }
0x26c: {  	[tilespmem:$0x2AA8] =	vst v0  }
0x26d: {  	[tilespmem:$0x2AB8] =	vst v0  }
0x26e: {  	[tilespmem:$0x2AC8] =	vst v0  }
0x26f: {  	[tilespmem:$0x2AD8] =	vst v0  }
0x270: {  	[tilespmem:$0x2AE8] =	vst v0  }
0x271: {  	[tilespmem:$0x2AF8] =	vst v0  }
0x272: {  	[tilespmem:$0x2B08] =	vst v0  }
0x273: {  	[tilespmem:$0x2B18] =	vst v0  }
0x274: {  	[tilespmem:$0x2B28] =	vst v0  }
0x275: {  	[tilespmem:$0x2B38] =	vst v0  }
0x276: {  	[tilespmem:$0x2B48] =	vst v0  }
0x277: {  	[tilespmem:$0x2B58] =	vst v0  }
0x278: {  	[tilespmem:$0x2B68] =	vst v0  }
0x279: {  	[tilespmem:$0x2B78] =	vst v0  }
0x27a: {  	[tilespmem:$0x2B88] =	vst v0  }
0x27b: {  	[tilespmem:$0x2B98] =	vst v0  }
0x27c: {  	[tilespmem:$0x2BA8] =	vst v0  }
0x27d: {  	[tilespmem:$0x2BB8] =	vst v0  }
0x27e: {  	[tilespmem:$0x2BC8] =	vst v0  }
0x27f: {  	[tilespmem:$0x2BD8] =	vst v0  }
0x280: {  	[tilespmem:$0x2BE8] =	vst v0  }
0x281: {  	[tilespmem:$0x2BF8] =	vst v0  }
0x282: {  	[tilespmem:$0x2C08] =	vst v0  }
0x283: {  	[tilespmem:$0x2C18] =	vst v0  }
0x284: {  	[tilespmem:$0x2C28] =	vst v0  }
0x285: {  	[tilespmem:$0x2C38] =	vst v0  }
0x286: {  	[tilespmem:$0x2C48] =	vst v0  }
0x287: {  	[tilespmem:$0x2C58] =	vst v0  }
0x288: {  	[tilespmem:$0x2C68] =	vst v0  }
0x289: {  	[tilespmem:$0x2C78] =	vst v0  }
0x28a: {  	[tilespmem:$0x2C88] =	vst v0  }
0x28b: {  	[tilespmem:$0x2C98] =	vst v0  }
0x28c: {  	[tilespmem:$0x2CA8] =	vst v0  }
0x28d: {  	[tilespmem:$0x2CB8] =	vst v0  }
0x28e: {  	[tilespmem:$0x2CC8] =	vst v0  }
0x28f: {  	[tilespmem:$0x2CD8] =	vst v0  }
0x290: {  	[tilespmem:$0x2CE8] =	vst v0  }
0x291: {  	[tilespmem:$0x2CF8] =	vst v0  }
0x292: {  	[tilespmem:$0x2D08] =	vst v0  }
0x293: {  	[tilespmem:$0x2D18] =	vst v0  }
0x294: {  	[tilespmem:$0x2D28] =	vst v0  }
0x295: {  	[tilespmem:$0x2D38] =	vst v0  }
0x296: {  	[tilespmem:$0x2D48] =	vst v0  }
0x297: {  	[tilespmem:$0x2D58] =	vst v0  }
0x298: {  	[tilespmem:$0x2D68] =	vst v0  }
0x299: {  	[tilespmem:$0x2D78] =	vst v0  }
0x29a: {  	[tilespmem:$0x2D88] =	vst v0  }
0x29b: {  	[tilespmem:$0x2D98] =	vst v0  }
0x29c: {  	[tilespmem:$0x2DA8] =	vst v0  }
0x29d: {  	[tilespmem:$0x2DB8] =	vst v0  }
0x29e: {  	[tilespmem:$0x2DC8] =	vst v0  }
0x29f: {  	[tilespmem:$0x2DD8] =	vst v0  }
0x2a0: {  	[tilespmem:$0x2DE8] =	vst v0  }
0x2a1: {  	[tilespmem:$0x2DF8] =	vst v0  }
0x2a2: {  	[tilespmem:$0x2E08] =	vst v0  }
0x2a3: {  	[tilespmem:$0x2E18] =	vst v0  }
0x2a4: {  	[tilespmem:$0x2E28] =	vst v0  }
0x2a5: {  	[tilespmem:$0x2E38] =	vst v0  }
0x2a6: {  	[tilespmem:$0x2E48] =	vst v0  }
0x2a7: {  	[tilespmem:$0x2E58] =	vst v0  }
0x2a8: {  	[tilespmem:$0x2E68] =	vst v0  }
0x2a9: {  	[tilespmem:$0x2E78] =	vst v0  }
0x2aa: {  	[tilespmem:$0x2E88] =	vst v0  }
0x2ab: {  	[tilespmem:$0x2E98] =	vst v0  }
0x2ac: {  	[tilespmem:$0x2EA8] =	vst v0  }
0x2ad: {  	[tilespmem:$0x2EB8] =	vst v0  }
0x2ae: {  	[tilespmem:$0x2EC8] =	vst v0  }
0x2af: {  	[tilespmem:$0x2ED8] =	vst v0  }
0x2b0: {  	[tilespmem:$0x2EE8] =	vst v0  }
0x2b1: {  	[tilespmem:$0x2EF8] =	vst v0  }
0x2b2: {  	[tilespmem:$0x2F08] =	vst v0  }
0x2b3: {  	[tilespmem:$0x2F18] =	vst v0  }
0x2b4: {  	[tilespmem:$0x2F28] =	vst v0  }
0x2b5: {  	[tilespmem:$0x2F38] =	vst v0  }
0x2b6: {  	[tilespmem:$0x2F48] =	vst v0  }
0x2b7: {  	[tilespmem:$0x2F58] =	vst v0  }
0x2b8: {  	[tilespmem:$0x2F68] =	vst v0  }
0x2b9: {  	[tilespmem:$0x2F78] =	vst v0  }
0x2ba: {  	[tilespmem:$0x2F88] =	vst v0  }
0x2bb: {  	[tilespmem:$0x2F98] =	vst v0  }
0x2bc: {  	[tilespmem:$0x2FA8] =	vst v0  }
0x2bd: {  	[tilespmem:$0x2FB8] =	vst v0  }
0x2be: {  	[tilespmem:$0x2FC8] =	vst v0  }
0x2bf: {  	[tilespmem:$0x2FD8] =	vst v0  }
0x2c0: {  	[tilespmem:$0x2FE8] =	vst v0  }
0x2c1: {  	[tilespmem:$0x2FF8] =	vst v0  }
0x2c2: {  	[tilespmem:$0x3008] =	vst v0  }
0x2c3: {  	[tilespmem:$0x3018] =	vst v0  }
0x2c4: {  	[tilespmem:$0x3028] =	vst v0  }
0x2c5: {  	[tilespmem:$0x3038] =	vst v0  }
0x2c6: {  	[tilespmem:$0x3048] =	vst v0  }
0x2c7: {  	[tilespmem:$0x3058] =	vst v0  }
0x2c8: {  	[tilespmem:$0x3068] =	vst v0  }
0x2c9: {  	[tilespmem:$0x3078] =	vst v0  }
0x2ca: {  	[tilespmem:$0x3088] =	vst v0  }
0x2cb: {  	[tilespmem:$0x3098] =	vst v0  }
0x2cc: {  	[tilespmem:$0x30A8] =	vst v0  }
0x2cd: {  	[tilespmem:$0x30B8] =	vst v0  }
0x2ce: {  	[tilespmem:$0x30C8] =	vst v0  }
0x2cf: {  	[tilespmem:$0x30D8] =	vst v0  }
0x2d0: {  	[tilespmem:$0x30E8] =	vst v0  }
0x2d1: {  	[tilespmem:$0x30F8] =	vst v0  }
0x2d2: {  	[tilespmem:$0x3108] =	vst v0  }
0x2d3: {  	[tilespmem:$0x3118] =	vst v0  }
0x2d4: {  	[tilespmem:$0x3128] =	vst v0  }
0x2d5: {  	[tilespmem:$0x3138] =	vst v0  }
0x2d6: {  	[tilespmem:$0x3148] =	vst v0  }
0x2d7: {  	[tilespmem:$0x3158] =	vst v0  }
0x2d8: {  	[tilespmem:$0x3168] =	vst v0  }
0x2d9: {  	[tilespmem:$0x3178] =	vst v0  }
0x2da: {  	[tilespmem:$0x3188] =	vst v0  }
0x2db: {  	[tilespmem:$0x3198] =	vst v0  }
0x2dc: {  	[tilespmem:$0x31A8] =	vst v0  }
0x2dd: {  	[tilespmem:$0x31B8] =	vst v0  }
0x2de: {  	[tilespmem:$0x31C8] =	vst v0  }
0x2df: {  	[tilespmem:$0x31D8] =	vst v0  }
0x2e0: {  	[tilespmem:$0x31E8] =	vst v0  }
0x2e1: {  	[tilespmem:$0x31F8] =	vst v0  }
0x2e2: {  	[tilespmem:$0x3208] =	vst v0  }
0x2e3: {  	[tilespmem:$0x3218] =	vst v0  }
0x2e4: {  	[tilespmem:$0x3228] =	vst v0  }
0x2e5: {  	[tilespmem:$0x3238] =	vst v0  }
0x2e6: {  	[tilespmem:$0x3248] =	vst v0  }
0x2e7: {  	[tilespmem:$0x3258] =	vst v0  }
0x2e8: {  	[tilespmem:$0x3268] =	vst v0  }
0x2e9: {  	[tilespmem:$0x3278] =	vst v0  }
0x2ea: {  	[tilespmem:$0x3288] =	vst v0  }
0x2eb: {  	[tilespmem:$0x3298] =	vst v0  }
0x2ec: {  	[tilespmem:$0x32A8] =	vst v0  }
0x2ed: {  	[tilespmem:$0x32B8] =	vst v0  }
0x2ee: {  	[tilespmem:$0x32C8] =	vst v0  }
0x2ef: {  	[tilespmem:$0x32D8] =	vst v0  }
0x2f0: {  	[tilespmem:$0x32E8] =	vst v0  }
0x2f1: {  	[tilespmem:$0x32F8] =	vst v0  }
0x2f2: {  	[tilespmem:$0x3308] =	vst v0  }
0x2f3: {  	[tilespmem:$0x3318] =	vst v0  }
0x2f4: {  	[tilespmem:$0x3328] =	vst v0  }
0x2f5: {  	[tilespmem:$0x3338] =	vst v0  }
0x2f6: {  	[tilespmem:$0x3348] =	vst v0  }
0x2f7: {  	[tilespmem:$0x3358] =	vst v0  }
0x2f8: {  	[tilespmem:$0x3368] =	vst v0  }
0x2f9: {  	[tilespmem:$0x3378] =	vst v0  }
0x2fa: {  	[tilespmem:$0x3388] =	vst v0  }
0x2fb: {  	[tilespmem:$0x3398] =	vst v0  }
0x2fc: {  	[tilespmem:$0x33A8] =	vst v0  }
0x2fd: {  	[tilespmem:$0x33B8] =	vst v0  }
0x2fe: {  	[tilespmem:$0x33C8] =	vst v0  }
0x2ff: {  	[tilespmem:$0x33D8] =	vst v0  }
0x300: {  	[tilespmem:$0x33E8] =	vst v0  }
0x301: {  	[tilespmem:$0x33F8] =	vst v0  }
0x302: {  	[tilespmem:$0x3408] =	vst v0  }
0x303: {  	[tilespmem:$0x3418] =	vst v0  }
0x304: {  	[tilespmem:$0x3428] =	vst v0  }
0x305: {  	[tilespmem:$0x3438] =	vst v0  }
0x306: {  	[tilespmem:$0x3448] =	vst v0  }
0x307: {  	[tilespmem:$0x3458] =	vst v0  }
0x308: {  	[tilespmem:$0x3468] =	vst v0  }
0x309: {  	[tilespmem:$0x3478] =	vst v0  }
0x30a: {  	[tilespmem:$0x3488] =	vst v0  }
0x30b: {  	[tilespmem:$0x3498] =	vst v0  }
0x30c: {  	[tilespmem:$0x34A8] =	vst v0  }
0x30d: {  	[tilespmem:$0x34B8] =	vst v0  }
0x30e: {  	[tilespmem:$0x34C8] =	vst v0  }
0x30f: {  	[tilespmem:$0x34D8] =	vst v0  }
0x310: {  	[tilespmem:$0x34E8] =	vst v0  }
0x311: {  	[tilespmem:$0x34F8] =	vst v0  }
0x312: {  	[tilespmem:$0x3508] =	vst v0  }
0x313: {  	[tilespmem:$0x3518] =	vst v0  }
0x314: {  	[tilespmem:$0x3528] =	vst v0  }
0x315: {  	[tilespmem:$0x3538] =	vst v0  }
0x316: {  	[tilespmem:$0x3548] =	vst v0  }
0x317: {  	[tilespmem:$0x3558] =	vst v0  }
0x318: {  	[tilespmem:$0x3568] =	vst v0  }
0x319: {  	[tilespmem:$0x3578] =	vst v0  }
0x31a: {  	[tilespmem:$0x3588] =	vst v0  }
0x31b: {  	[tilespmem:$0x3598] =	vst v0  }
0x31c: {  	[tilespmem:$0x35A8] =	vst v0  }
0x31d: {  	[tilespmem:$0x35B8] =	vst v0  }
0x31e: {  	[tilespmem:$0x35C8] =	vst v0  }
0x31f: {  	[tilespmem:$0x35D8] =	vst v0  }
0x320: {  	[tilespmem:$0x35E8] =	vst v0  }
0x321: {  	[tilespmem:$0x35F8] =	vst v0  }
0x322: {  	[tilespmem:$0x3608] =	vst v0  }
0x323: {  	[tilespmem:$0x3618] =	vst v0  }
0x324: {  	[tilespmem:$0x3628] =	vst v0  }
0x325: {  	[tilespmem:$0x3638] =	vst v0  }
0x326: {  	[tilespmem:$0x3648] =	vst v0  }
0x327: {  	[tilespmem:$0x3658] =	vst v0  }
0x328: {  	[tilespmem:$0x3668] =	vst v0  }
0x329: {  	[tilespmem:$0x3678] =	vst v0  }
0x32a: {  	[tilespmem:$0x3688] =	vst v0  }
0x32b: {  	[tilespmem:$0x3698] =	vst v0  }
0x32c: {  	[tilespmem:$0x36A8] =	vst v0  }
0x32d: {  	[tilespmem:$0x36B8] =	vst v0  }
0x32e: {  	[tilespmem:$0x36C8] =	vst v0  }
0x32f: {  	[tilespmem:$0x36D8] =	vst v0  }
0x330: {  	[tilespmem:$0x36E8] =	vst v0  }
0x331: {  	[tilespmem:$0x36F8] =	vst v0  }
0x332: {  	[tilespmem:$0x3708] =	vst v0  }
0x333: {  	[tilespmem:$0x3718] =	vst v0  }
0x334: {  	[tilespmem:$0x3728] =	vst v0  }
0x335: {  	[tilespmem:$0x3738] =	vst v0  }
0x336: {  	[tilespmem:$0x3748] =	vst v0  }
0x337: {  	[tilespmem:$0x3758] =	vst v0  }
0x338: {  	[tilespmem:$0x3768] =	vst v0  }
0x339: {  	[tilespmem:$0x3778] =	vst v0  }
0x33a: {  	[tilespmem:$0x3788] =	vst v0  }
0x33b: {  	[tilespmem:$0x3798] =	vst v0  }
0x33c: {  	[tilespmem:$0x37A8] =	vst v0  }
0x33d: {  	[tilespmem:$0x37B8] =	vst v0  }
0x33e: {  	[tilespmem:$0x37C8] =	vst v0  }
0x33f: {  	[tilespmem:$0x37D8] =	vst v0  }
0x340: {  	[tilespmem:$0x37E8] =	vst v0  }
0x341: {  	[tilespmem:$0x37F8] =	vst v0  }
0x342: {  	[tilespmem:$0x3808] =	vst v0  }
0x343: {  	[tilespmem:$0x3818] =	vst v0  }
0x344: {  	[tilespmem:$0x3828] =	vst v0  }
0x345: {  	[tilespmem:$0x3838] =	vst v0  }
0x346: {  	[tilespmem:$0x3848] =	vst v0  }
0x347: {  	[tilespmem:$0x3858] =	vst v0  }
0x348: {  	[tilespmem:$0x3868] =	vst v0  }
0x349: {  	[tilespmem:$0x3878] =	vst v0  }
0x34a: {  	[tilespmem:$0x3888] =	vst v0  }
0x34b: {  	[tilespmem:$0x3898] =	vst v0  }
0x34c: {  	[tilespmem:$0x38A8] =	vst v0  }
0x34d: {  	[tilespmem:$0x38B8] =	vst v0  }
0x34e: {  	[tilespmem:$0x38C8] =	vst v0  }
0x34f: {  	[tilespmem:$0x38D8] =	vst v0  }
0x350: {  	[tilespmem:$0x38E8] =	vst v0  }
0x351: {  	[tilespmem:$0x38F8] =	vst v0  }
0x352: {  	[tilespmem:$0x3908] =	vst v0  }
0x353: {  	[tilespmem:$0x3918] =	vst v0  }
0x354: {  	[tilespmem:$0x3928] =	vst v0  }
0x355: {  	[tilespmem:$0x3948] =	vst v0  }
0x356: {  	[tilespmem:$0x3978] =	vst v0  }
0x357: {  	[tilespmem:$0x39A8] =	vst v0  }
0x358: {  	[tilespmem:$0x4828] =	vst v0  }
0x359: {  	[tilespmem:$0x4818] =	vst v0  }
0x35a: {  	[tilespmem:$0x39B8] =	vst v0  }
0x35b: {  	[tilespmem:$0x3968] =	vst v0  }
0x35c: {  	[tilespmem:$0x4808] =	vst v0  }
0x35d: {  	[tilespmem:$0x47F8] =	vst v0  }
0x35e: {  	[tilespmem:$0x47E8] =	vst v0  }
0x35f: {  	[tilespmem:$0x47D8] =	vst v0  }
0x360: {  	[tilespmem:$0x47C8] =	vst v0  }
0x361: {  	[tilespmem:$0x47B8] =	vst v0  }
0x362: {  	[tilespmem:$0x47A8] =	vst v0  }
0x363: {  	[tilespmem:$0x4798] =	vst v0  }
0x364: {  	[tilespmem:$0x4788] =	vst v0  }
0x365: {  	[tilespmem:$0x4778] =	vst v0  }
0x366: {  	[tilespmem:$0x4768] =	vst v0  }
0x367: {  	[tilespmem:$0x4758] =	vst v0  }
0x368: {  	[tilespmem:$0x4748] =	vst v0  }
0x369: {  	[tilespmem:$0x4738] =	vst v0  }
0x36a: {  	[tilespmem:$0x4728] =	vst v0  }
0x36b: {  	[tilespmem:$0x4718] =	vst v0  }
0x36c: {  	[tilespmem:$0x4708] =	vst v0  }
0x36d: {  	[tilespmem:$0x46F8] =	vst v0  }
0x36e: {  	[tilespmem:$0x46E8] =	vst v0  }
0x36f: {  	[tilespmem:$0x46D8] =	vst v0  }
0x370: {  	[tilespmem:$0x46C8] =	vst v0  }
0x371: {  	[tilespmem:$0x46B8] =	vst v0  }
0x372: {  	[tilespmem:$0x46A8] =	vst v0  }
0x373: {  	[tilespmem:$0x4698] =	vst v0  }
0x374: {  	[tilespmem:$0x4688] =	vst v0  }
0x375: {  	[tilespmem:$0x4678] =	vst v0  }
0x376: {  	[tilespmem:$0x4668] =	vst v0  }
0x377: {  	[tilespmem:$0x4658] =	vst v0  }
0x378: {  	[tilespmem:$0x4648] =	vst v0  }
0x379: {  	[tilespmem:$0x4638] =	vst v0  }
0x37a: {  	[tilespmem:$0x4628] =	vst v0  }
0x37b: {  	[tilespmem:$0x4618] =	vst v0  }
0x37c: {  	[tilespmem:$0x4608] =	vst v0  }
0x37d: {  	[tilespmem:$0x45F8] =	vst v0  }
0x37e: {  	[tilespmem:$0x45E8] =	vst v0  }
0x37f: {  	[tilespmem:$0x45D8] =	vst v0  }
0x380: {  	[tilespmem:$0x45C8] =	vst v0  }
0x381: {  	[tilespmem:$0x45B8] =	vst v0  }
0x382: {  	[tilespmem:$0x45A8] =	vst v0  }
0x383: {  	[tilespmem:$0x4598] =	vst v0  }
0x384: {  	[tilespmem:$0x4588] =	vst v0  }
0x385: {  	[tilespmem:$0x4578] =	vst v0  }
0x386: {  	[tilespmem:$0x4568] =	vst v0  }
0x387: {  	[tilespmem:$0x4558] =	vst v0  }
0x388: {  	[tilespmem:$0x4548] =	vst v0  }
0x389: {  	[tilespmem:$0x4538] =	vst v0  }
0x38a: {  	[tilespmem:$0x4528] =	vst v0  }
0x38b: {  	[tilespmem:$0x4518] =	vst v0  }
0x38c: {  	[tilespmem:$0x4508] =	vst v0  }
0x38d: {  	[tilespmem:$0x44F8] =	vst v0  }
0x38e: {  	[tilespmem:$0x44E8] =	vst v0  }
0x38f: {  	[tilespmem:$0x44D8] =	vst v0  }
0x390: {  	[tilespmem:$0x44C8] =	vst v0  }
0x391: {  	[tilespmem:$0x44B8] =	vst v0  }
0x392: {  	[tilespmem:$0x44A8] =	vst v0  }
0x393: {  	[tilespmem:$0x4498] =	vst v0  }
0x394: {  	[tilespmem:$0x4488] =	vst v0  }
0x395: {  	[tilespmem:$0x4478] =	vst v0  }
0x396: {  	[tilespmem:$0x4468] =	vst v0  }
0x397: {  	[tilespmem:$0x4458] =	vst v0  }
0x398: {  	[tilespmem:$0x4448] =	vst v0  }
0x399: {  	[tilespmem:$0x4438] =	vst v0  }
0x39a: {  	[tilespmem:$0x4428] =	vst v0  }
0x39b: {  	[tilespmem:$0x4418] =	vst v0  }
0x39c: {  	[tilespmem:$0x4408] =	vst v0  }
0x39d: {  	[tilespmem:$0x43F8] =	vst v0  }
0x39e: {  	[tilespmem:$0x43E8] =	vst v0  }
0x39f: {  	[tilespmem:$0x43D8] =	vst v0  }
0x3a0: {  	[tilespmem:$0x43C8] =	vst v0  }
0x3a1: {  	[tilespmem:$0x43B8] =	vst v0  }
0x3a2: {  	[tilespmem:$0x43A8] =	vst v0  }
0x3a3: {  	[tilespmem:$0x4398] =	vst v0  }
0x3a4: {  	[tilespmem:$0x4388] =	vst v0  }
0x3a5: {  	[tilespmem:$0x4378] =	vst v0  }
0x3a6: {  	[tilespmem:$0x4368] =	vst v0  }
0x3a7: {  	[tilespmem:$0x4358] =	vst v0  }
0x3a8: {  	[tilespmem:$0x4348] =	vst v0  }
0x3a9: {  	[tilespmem:$0x4338] =	vst v0  }
0x3aa: {  	[tilespmem:$0x4328] =	vst v0  }
0x3ab: {  	[tilespmem:$0x4318] =	vst v0  }
0x3ac: {  	[tilespmem:$0x4308] =	vst v0  }
0x3ad: {  	[tilespmem:$0x42F8] =	vst v0  }
0x3ae: {  	[tilespmem:$0x42E8] =	vst v0  }
0x3af: {  	[tilespmem:$0x42D8] =	vst v0  }
0x3b0: {  	[tilespmem:$0x42C8] =	vst v0  }
0x3b1: {  	[tilespmem:$0x42B8] =	vst v0  }
0x3b2: {  	[tilespmem:$0x42A8] =	vst v0  }
0x3b3: {  	[tilespmem:$0x4298] =	vst v0  }
0x3b4: {  	[tilespmem:$0x4288] =	vst v0  }
0x3b5: {  	[tilespmem:$0x4278] =	vst v0  }
0x3b6: {  	[tilespmem:$0x4268] =	vst v0  }
0x3b7: {  	[tilespmem:$0x4258] =	vst v0  }
0x3b8: {  	[tilespmem:$0x4248] =	vst v0  }
0x3b9: {  	[tilespmem:$0x4238] =	vst v0  }
0x3ba: {  	[tilespmem:$0x4228] =	vst v0  }
0x3bb: {  	[tilespmem:$0x4218] =	vst v0  }
0x3bc: {  	[tilespmem:$0x4208] =	vst v0  }
0x3bd: {  	[tilespmem:$0x41F8] =	vst v0  }
0x3be: {  	[tilespmem:$0x41E8] =	vst v0  }
0x3bf: {  	[tilespmem:$0x41D8] =	vst v0  }
0x3c0: {  	[tilespmem:$0x41C8] =	vst v0  }
0x3c1: {  	[tilespmem:$0x41B8] =	vst v0  }
0x3c2: {  	[tilespmem:$0x41A8] =	vst v0  }
0x3c3: {  	[tilespmem:$0x4198] =	vst v0  }
0x3c4: {  	[tilespmem:$0x4188] =	vst v0  }
0x3c5: {  	[tilespmem:$0x4178] =	vst v0  }
0x3c6: {  	[tilespmem:$0x4168] =	vst v0  }
0x3c7: {  	[tilespmem:$0x4158] =	vst v0  }
0x3c8: {  	[tilespmem:$0x4148] =	vst v0  }
0x3c9: {  	[tilespmem:$0x4138] =	vst v0  }
0x3ca: {  	[tilespmem:$0x4128] =	vst v0  }
0x3cb: {  	[tilespmem:$0x4118] =	vst v0  }
0x3cc: {  	[tilespmem:$0x4108] =	vst v0  }
0x3cd: {  	[tilespmem:$0x40F8] =	vst v0  }
0x3ce: {  	[tilespmem:$0x40E8] =	vst v0  }
0x3cf: {  	[tilespmem:$0x40D8] =	vst v0  }
0x3d0: {  	[tilespmem:$0x40C8] =	vst v0  }
0x3d1: {  	[tilespmem:$0x40B8] =	vst v0  }
0x3d2: {  	[tilespmem:$0x40A8] =	vst v0  }
0x3d3: {  	[tilespmem:$0x4098] =	vst v0  }
0x3d4: {  	[tilespmem:$0x4088] =	vst v0  }
0x3d5: {  	[tilespmem:$0x4078] =	vst v0  }
0x3d6: {  	[tilespmem:$0x4068] =	vst v0  }
0x3d7: {  	[tilespmem:$0x4058] =	vst v0  }
0x3d8: {  	[tilespmem:$0x4048] =	vst v0  }
0x3d9: {  	[tilespmem:$0x4038] =	vst v0  }
0x3da: {  	[tilespmem:$0x4028] =	vst v0  }
0x3db: {  	[tilespmem:$0x4018] =	vst v0  }
0x3dc: {  	[tilespmem:$0x4008] =	vst v0  }
0x3dd: {  	[tilespmem:$0x3FF8] =	vst v0  }
0x3de: {  	[tilespmem:$0x3FE8] =	vst v0  }
0x3df: {  	[tilespmem:$0x3FD8] =	vst v0  }
0x3e0: {  	[tilespmem:$0x3FC8] =	vst v0  }
0x3e1: {  	[tilespmem:$0x3FB8] =	vst v0  }
0x3e2: {  	[tilespmem:$0x3FA8] =	vst v0  }
0x3e3: {  	[tilespmem:$0x3F98] =	vst v0  }
0x3e4: {  	[tilespmem:$0x3F88] =	vst v0  }
0x3e5: {  	[tilespmem:$0x3F78] =	vst v0  }
0x3e6: {  	[tilespmem:$0x3F68] =	vst v0  }
0x3e7: {  	[tilespmem:$0x3F58] =	vst v0  }
0x3e8: {  	[tilespmem:$0x3F48] =	vst v0  }
0x3e9: {  	[tilespmem:$0x3F38] =	vst v0  }
0x3ea: {  	[tilespmem:$0x3F28] =	vst v0  }
0x3eb: {  	[tilespmem:$0x3F18] =	vst v0  }
0x3ec: {  	[tilespmem:$0x3F08] =	vst v0  }
0x3ed: {  	[tilespmem:$0x3EF8] =	vst v0  }
0x3ee: {  	[tilespmem:$0x3EE8] =	vst v0  }
0x3ef: {  	[tilespmem:$0x3ED8] =	vst v0  }
0x3f0: {  	[tilespmem:$0x3EC8] =	vst v0  }
0x3f1: {  	[tilespmem:$0x3EB8] =	vst v0  }
0x3f2: {  	[tilespmem:$0x3EA8] =	vst v0  }
0x3f3: {  	[tilespmem:$0x3E98] =	vst v0  }
0x3f4: {  	[tilespmem:$0x3E88] =	vst v0  }
0x3f5: {  	[tilespmem:$0x3E78] =	vst v0  }
0x3f6: {  	[tilespmem:$0x3E68] =	vst v0  }
0x3f7: {  	[tilespmem:$0x3E58] =	vst v0  }
0x3f8: {  	[tilespmem:$0x3E48] =	vst v0  }
0x3f9: {  	[tilespmem:$0x3E38] =	vst v0  }
0x3fa: {  	[tilespmem:$0x3E28] =	vst v0  }
0x3fb: {  	[tilespmem:$0x3E18] =	vst v0  }
0x3fc: {  	[tilespmem:$0x3E08] =	vst v0  }
0x3fd: {  	[tilespmem:$0x3DF8] =	vst v0  }
0x3fe: {  	[tilespmem:$0x3DE8] =	vst v0  }
0x3ff: {  	[tilespmem:$0x3DD8] =	vst v0  }
0x400: {  	[tilespmem:$0x3DC8] =	vst v0  }
0x401: {  	[tilespmem:$0x3DB8] =	vst v0  }
0x402: {  	[tilespmem:$0x3DA8] =	vst v0  }
0x403: {  	[tilespmem:$0x3D98] =	vst v0  }
0x404: {  	[tilespmem:$0x3D88] =	vst v0  }
0x405: {  	[tilespmem:$0x3D78] =	vst v0  }
0x406: {  	[tilespmem:$0x3D68] =	vst v0  }
0x407: {  	[tilespmem:$0x3D58] =	vst v0  }
0x408: {  	[tilespmem:$0x3D48] =	vst v0  }
0x409: {  	[tilespmem:$0x3D38] =	vst v0  }
0x40a: {  	[tilespmem:$0x3D28] =	vst v0  }
0x40b: {  	[tilespmem:$0x3D18] =	vst v0  }
0x40c: {  	[tilespmem:$0x3D08] =	vst v0  }
0x40d: {  	[tilespmem:$0x3CF8] =	vst v0  }
0x40e: {  	[tilespmem:$0x3CE8] =	vst v0  }
0x40f: {  	[tilespmem:$0x3CD8] =	vst v0  }
0x410: {  	[tilespmem:$0x3CC8] =	vst v0  }
0x411: {  	[tilespmem:$0x3CB8] =	vst v0  }
0x412: {  	[tilespmem:$0x3CA8] =	vst v0  }
0x413: {  	[tilespmem:$0x3C98] =	vst v0  }
0x414: {  	[tilespmem:$0x3C88] =	vst v0  }
0x415: {  	[tilespmem:$0x3C78] =	vst v0  }
0x416: {  	[tilespmem:$0x3C68] =	vst v0  }
0x417: {  	[tilespmem:$0x3C58] =	vst v0  }
0x418: {  	[tilespmem:$0x3C48] =	vst v0  }
0x419: {  	[tilespmem:$0x3C38] =	vst v0  }
0x41a: {  	[tilespmem:$0x3C28] =	vst v0  }
0x41b: {  	[tilespmem:$0x3C18] =	vst v0  }
0x41c: {  	[tilespmem:$0x3C08] =	vst v0  }
0x41d: {  	[tilespmem:$0x3BF8] =	vst v0  }
0x41e: {  	[tilespmem:$0x3BE8] =	vst v0  }
0x41f: {  	[tilespmem:$0x3BD8] =	vst v0  }
0x420: {  	[tilespmem:$0x3BC8] =	vst v0  }
0x421: {  	[tilespmem:$0x3BB8] =	vst v0  }
0x422: {  	[tilespmem:$0x3BA8] =	vst v0  }
0x423: {  	[tilespmem:$0x3B98] =	vst v0  }
0x424: {  	[tilespmem:$0x3B88] =	vst v0  }
0x425: {  	[tilespmem:$0x3B78] =	vst v0  }
0x426: {  	[tilespmem:$0x3B68] =	vst v0  }
0x427: {  	[tilespmem:$0x3B58] =	vst v0  }
0x428: {  	[tilespmem:$0x3B48] =	vst v0  }
0x429: {  	[tilespmem:$0x3B38] =	vst v0  }
0x42a: {  	[tilespmem:$0x3B28] =	vst v0  }
0x42b: {  	[tilespmem:$0x3B18] =	vst v0  }
0x42c: {  	[tilespmem:$0x3B08] =	vst v0  }
0x42d: {  	[tilespmem:$0x3AF8] =	vst v0  }
0x42e: {  	[tilespmem:$0x3AE8] =	vst v0  }
0x42f: {  	[tilespmem:$0x3AD8] =	vst v0  }
0x430: {  	[tilespmem:$0x3AC8] =	vst v0  }
0x431: {  	[tilespmem:$0x3AB8] =	vst v0  }
0x432: {  	[tilespmem:$0x3AA8] =	vst v0  }
0x433: {  	[tilespmem:$0x3A98] =	vst v0  }
0x434: {  	[tilespmem:$0x3A88] =	vst v0  }
0x435: {  	[tilespmem:$0x3A78] =	vst v0  }
0x436: {  	[tilespmem:$0x3A68] =	vst v0  }
0x437: {  	[tilespmem:$0x3A58] =	vst v0  }
0x438: {  	[tilespmem:$0x3A48] =	vst v0  }
0x439: {  	[tilespmem:$0x3A38] =	vst v0  }
0x43a: {  	[tilespmem:$0x3A28] =	vst v0  }
0x43b: {  	[tilespmem:$0x3A18] =	vst v0  }
0x43c: {  	[tilespmem:$0x3A08] =	vst v0  }
0x43d: {  	[tilespmem:$0x39F8] =	vst v0  }
0x43e: {  	s6 =	stileid.u32;
	s2 =	simm.s32 $0x2720;
	s8 =	simm.s32 $0x2;
	[tilespmem:$0x39E8] =	vst v0  }
0x43f: {  	s26 =	simm.s32 $0x9;
	s28 =	simm.s32 $0xA;
	s29 =	simm.s32 $0xB;
	[tilespmem:$0x39D8] =	vst v0  }
0x440: {  	p1 =	por $0x0, $0x0;
	s19 =	simm.s32 $0x80;
	s20 =	simm.s32 $0x400;
	[tilespmem:$0x39C8] =	vst v0  }
0x441: {  	s18 =	simm.s32 $0xC;
	s22 =	simm.s32 $0x0;
	s24 =	smul.u32 $0x138, s6;
	[tilespmem:$0x3998] =	vst v0  }
0x442: {  	s4 =	sadd.s32 $0x2C00, s7;
	p0 =	slt.u32 s6, $0x8;
	s1 =	smin.u32 s6, $0x8;
	[tilespmem:$0x3988] =	vst v0  }
0x443: {  	s25 =	sand.u32 $0x1, s5;
	s30 =	smul.u32 $0x1080, s6;
	[tilespmem:$0x3958] =	vst v0;
	s2 =	simm.s32 @!p0 $0x2700  }
0x444: {  	[tilespmem:$0x3938] =	vst v0;
	[sflag:s8] =	ssyncpa.u1 $0x0;
	v0 =	vimm.s32 $0xFFFFFFFF;
	[dreg:$0x4] =	wrdreg s25;
	s0 =	sadd.s32 s1, s24  }
0x445: {  	s1 =	smul.u32 $0x4E20, s25;
	[tilespmem:$0x8C48] =	vst v0;
	[sflag:s26] =	ssyncpa.u1 $0x0;
	s21 =	sshll.u32 s0, $0x5  }
0x446: {  	s17 =	sshrl.u32 s30, $0x2;
	s25 =	simm.s32 $0x0;
	s0 =	sadd.s32 s2, s21  }
0x447: {  	s24 =	simm.s32 $0x0;
	[sflag:s28] =	ssyncpa.u1 $0x0;
	s10 =	smin.u32 s0, $0x27100  }
.Ltmp0:
0x448: {  	s1 =	sadd.s32 s1, s7;
	s0 =	ssub.s32 s10, s21;
	(pc) =	sbr.rel .LBB2_1-.Ltmp0, $4  }
0x449: {  	s7 =	sadd.s32 $0x1930800, s7;
	[sflag:s29] =	ssyncpa.u1 $0x0;
	p0 =	sgt.s32 s0, $0x0  }
0x44a: {  	s23 =	smov.u32 s21;
	s31 =	sadd.s32 $0x191CC00, s1;
	s0 =	simm.s32 @!p0 $0x0  }
0x44b: {  	s13 =	sadd.s32 $0x1926A00, s1;
	[dreg:$0x5] =	wrdreg s31;
	s14 =	sshrl.u32 s0, $0x5  }
0x44c: {  	v0 =	vlaneseq.u32;
	p0 =	por $0x1, $0x1;
	s15 =	sadd.s32 $0x1, s14;
	[dreg:$0x6] =	wrdreg s14  }
.LBB2_28:
0x44d: {  	s1 =	sshrl.u32 s1, $0x2  }
.LBB2_30:
0x44e: {  	_ =	swait.ge [sflag:s18], s1  }
0x44f: {  	s31 =	ssub.s32 $0x0, s1;
	v1 =	vmov s28;
	vm0 =	veq.s32 v0, $0x0;
	[sflag:s18] =	ssyncset.done $0x0  }
0x450: {  	vm15 =	veq.s32 v0, $0x2;
	v1 =	vsel vm0, s0, v1;
	[sflag:s18] =	ssyncadd.s32 s31  }
0x451: {  	v1 =	vsel vm15, s25, v1;
	[sflag:s18] =	ssyncpa.u1 $0x1  }
0x452: {  	[tilespmem:$0x8C48] =	vst v1  }
.LBB2_31:
0x453: {  	s0 =	sadd.s32 $0x20, s23  }
0x454: {  	s1 =	smov.u32 s21;
	p2 =	slt.s32 s0, s10  }
0x455: {  	s1 =	smov.u32 @p2 s0;
	p2 =	sne.s32 s24, s15  }
.Ltmp1:
0x456: {  	_ = 	snop;
	(pc) =	sbr.rel @!p2 .LBB2_32-.Ltmp1, $4  }
0x457: {  	_ = 	snop  }
0x458: {  	s25 =	smov.u32 s22  }
0x459: {  	s31 =	sadd.s32 $0x1, s24;
	s22 =	smov.u32 s23;
	p0 =	por !p0, !p0  }
0x45a: {  	p1 =	por !p1, !p1;
	s24 =	smov.u32 s31;
	s23 =	smov.u32 s1  }
.LBB2_1:
0x45b: {  	p2 =	sge.u32 s24, s14  }
0x45c: {  	s0 =	smov.u32 s23;
	p3 =	sgt.s32 @!p2 s23, $0x270E0  }
0x45d: {  	s1 =	sshra.s32 @!p2 s23, $0x1F;
	s2 =	smulhi.u32 @!p2 $0xAAAAAAAB, s24;
	p3 =	por !p3, p2  }
0x45e: {  	s1 =	sand.u32 @!p2 s1, s23;
	s0 =	simm.s32 @p3 $0x270E0  }
0x45f: {  	s0 =	ssub.s32 @!p2 s0, s1;
	s1 =	sshrl.u32 @!p2 s2, $0x1  }
0x460: {  	s0 =	sadd.s32 @!p2 $0xFFFD8F20, s0;
	s1 =	smul.u32 @!p2 $0x3, s1  }
0x461: {  	s5 =	sand.u32 @!p2 $0x7, s23;
	s2 =	sshll.u32 @!p2 s0, $0x2;
	p3 =	sgt.s32 @!p2 s0, $0x1F  }
0x462: {  	s0 =	ssub.s32 @!p2 $0x80, s2;
	s1 =	ssub.s32 @!p2 s24, s1;
	p3 =	por !p3, p2  }
0x463: {  	s2 =	sshrl.u32 @!p2 s23, $0x3;
	s0 =	sshrl.u32 @!p2 s0, $0x2;
	s1 =	sshll.u32 @!p2 s1, $0x5  }
0x464: {  	s2 =	sadd.s32 @!p2 s2, s13;
	s0 =	simm.s32 @!p3 $0x0;
	s1 =	sor.u32 @!p2 $0xCE88, s1  }
0x465: {  	[tilespmem:s1], [sflag:$0xA] =	stream.linear.gather @!p2 [hbm4b:s2+s5], s0, $0x38;
	[tilespmem:$0x16F28] =	vst v63  }
0x466: {  	s0 =	sadd.s32 $0xFFFFFFFF, s24  }
0x467: {  	p2 =	slt.u32 s0, s14  }
.Ltmp2:
0x468: {  	_ = 	snop;
	(pc) =	sbr.rel @!p2 .LBB2_7-.Ltmp2, $1  }
0x469: {  	_ =	sdelay $0x3  }
0x46a: {  	p2 =	sgt.s32 s22, $0x270E0;
	s1 =	smov.u32 s22;
	s2 =	sshra.s32 s22, $0x1F  }
0x46b: {  	s1 =	simm.s32 @!p2 $0x270E0;
	s2 =	sand.u32 s2, s22  }
0x46c: {  	s1 =	ssub.s32 s1, s2  }
0x46d: {  	s31 =	smulhi.u32 $0xAAAAAAAB, s0;
	s1 =	sadd.s32 $0xFFFD8F20, s1  }
0x46e: {  	s3 =	sand.u32 $0x1, s0;
	s5 =	sshll.u32 s1, $0x2  }
0x46f: {  	s6 =	simm.s32 $0xA;
	s2 =	sshrl.u32 s31, $0x1;
	s5 =	ssub.s32 $0x80, s5  }
0x470: {  	s2 =	smul.u32 $0x3, s2;
	p2 =	sgt.s32 s1, $0x1F;
	s1 =	sshrl.u32 s5, $0x2  }
0x471: {  	s11 =	sshrl.u32 s22, $0x3;
	s12 =	sand.u32 $0x7, s22;
	s1 =	simm.s32 @p2 $0x0  }
0x472: {  	s8 =	ssub.s32 s0, s2;
	s5 =	sshll.u32 s3, $0x5;
	_ =	swait.ge [sflag:s6], s1  }
0x473: {  	s9 =	ssub.s32 $0x0, s1;
	[sflag:s6] =	ssyncset.done $0x0;
	s3 =	rddreg [dreg:$0x5]  }
0x474: {  	s5 =	sadd.s32 $0xCEE8, s5;
	[sflag:s6] =	ssyncadd.s32 s9;
	s2 =	sadd.s32 s11, s3  }
0x475: {  	[tilespmem:s5], [sflag:$0xB] =	stream.linear.gather [hbm4b:s2+s12], s1, $0x38;
	[tilespmem:$0x16F28] =	vst v63  }
0x476: {  	s1 =	sshll.u32 s8, $0x5  }
0x477: {  	s0 =	sor.u32 $0xCE88, s1  }
0x478: {  	v1 =	vld.msk [tilespmem:s0+$0x0], $0xffff;
	_ =	sdelay $0x3  }
0x479: {  	s16 =	simm.s32 $0x0  }
0x47a: {  	(v2sf) =	vpush v1, s16;
	_ =	sdelay $0x5  }
0x47b: {  	s26 =	simm.s32 $0x1  }
0x47c: {  	(v2sf) =	vpush v1, s26;
	_ =	sdelay $0x4  }
0x47d: {  	s31 =	simm.s32 $0x2  }
0x47e: {  	(v2sf) =	vpush v1, s31  }
0x47f: {  	s8 =	simm.s32 $0x3  }
0x480: {  	s28 =	spop (v2sf);
	(v2sf) =	vpush v1, s8;
	_ =	sdelay $0x1  }
0x481: {  	s2 =	simm.s32 $0x1;
	s29 =	sshrl.u32 s28, $0x3  }
0x482: {  	s2 =	simm.s32 @!p0 $0x0;
	s0 =	sshll.u32 s28, $0x7;
	s5 =	smul.u32 $0x1400, s29  }
0x483: {  	s2 =	smul.u32 $0x14000, s2;
	s0 =	sand.u32 $0x380, s0  }
0x484: {  	s0 =	sor.u32 s0, s5  }
0x485: {  	s30 =	sshrl.u32 s2, $0x2;
	s0 =	sshrl.u32 s0, $0x3  }
0x486: {  	s2 =	sadd.s32 $0xCF28, s30;
	s6 =	spop (v2sf);
	s0 =	sadd.s32 s7, s0  }
0x487: {  	[tilespmem:s2], [sflag:$0x9] =	stream.strided.gather [hbm4b:s0+s19], $0x280, s20, s19, $0x38;
	[tilespmem:$0x16F28] =	vst v63  }
0x488: {  	s8 =	sshrl.u32 s6, $0x3;
	s5 =	simm.s32 $0x4;
	s0 =	sadd.s32 $0xF728, s30  }
.LBB2_3:
0x489: {  	(v2sf) =	vpush v1, s5;
	s8 =	smul.u32 $0x1400, s8;
	s6 =	sshll.u32 s6, $0x7;
	p2 =	seq.s32 s5, $0xF  }
.Ltmp3:
0x48a: {  	s5 =	sadd.s32 $0x1, s5;
	s6 =	sand.u32 $0x380, s6;
	(pc) =	sbr.rel @!p2 .LBB2_3-.Ltmp3, $4  }
0x48b: {  	s8 =	sor.u32 s6, s8  }
0x48c: {  	s6 =	spop (v2sf);
	s11 =	sshrl.u32 s8, $0x3  }
0x48d: {  	s2 =	sadd.s32 $0x280, s2;
	s8 =	sshrl.u32 s6, $0x3;
	s11 =	sadd.s32 s7, s11  }
0x48e: {  	[tilespmem:s2], [sflag:$0x9] =	stream.strided.gather [hbm4b:s11+s19], $0x280, s20, s19, $0x38;
	[tilespmem:$0x16F28] =	vst v63  }
0x48f: {  	s5 =	smul.u32 $0x1400, s8;
	s6 =	sshll.u32 s6, $0x7  }
0x490: {  	s6 =	sand.u32 $0x380, s6  }
0x491: {  	s31 =	spop (v2sf);
	s2 =	sadd.s32 $0x280, s2;
	s5 =	sor.u32 s6, s5  }
0x492: {  	s3 =	sshrl.u32 s31, $0x3;
	s6 =	sshll.u32 s31, $0x7;
	s5 =	sshrl.u32 s5, $0x3  }
0x493: {  	s8 =	smul.u32 $0x1400, s3;
	s6 =	sand.u32 $0x380, s6;
	s5 =	sadd.s32 s7, s5  }
0x494: {  	[tilespmem:s2], [sflag:$0x9] =	stream.strided.gather [hbm4b:s5+s19], $0x280, s20, s19, $0x38;
	[tilespmem:$0x16F28] =	vst v63  }
0x495: {  	s5 =	sor.u32 s6, s8  }
0x496: {  	s5 =	sshrl.u32 s5, $0x3  }
0x497: {  	s2 =	sadd.s32 $0x280, s2;
	s5 =	sadd.s32 s7, s5  }
0x498: {  	[tilespmem:s2], [sflag:$0x9] =	stream.strided.gather [hbm4b:s5+s19], $0x280, s20, s19, $0x38;
	[tilespmem:$0x16F28] =	vst v63  }
0x499: {  	s9 =	spop (v2sf)  }
0x49a: {  	s11 =	sshrl.u32 s9, $0x3  }
0x49b: {  	s6 =	sshll.u32 s9, $0x7;
	s12 =	smul.u32 $0x1400, s11  }
0x49c: {  	s6 =	sand.u32 $0x380, s6  }
0x49d: {  	s5 =	sor.u32 s6, s12  }
0x49e: {  	s5 =	sshrl.u32 s5, $0x3  }
0x49f: {  	s2 =	sadd.s32 $0x280, s2;
	s5 =	sadd.s32 s7, s5  }
0x4a0: {  	[tilespmem:s2], [sflag:$0x9] =	stream.strided.gather [hbm4b:s5+s19], $0x280, s20, s19, $0x38;
	[tilespmem:$0x16F28] =	vst v63  }
0x4a1: {  	v1 =	vld.msk [tilespmem:s1+$0xCE98], $0xffff;
	_ =	sdelay $0x3  }
0x4a2: {  	s16 =	simm.s32 $0x0  }
0x4a3: {  	(v2sf) =	vpush v1, s16;
	_ =	sdelay $0x7  }
0x4a4: {  	s26 =	simm.s32 $0x1  }
0x4a5: {  	(v2sf) =	vpush v1, s26;
	_ =	sdelay $0x4  }
0x4a6: {  	s30 =	simm.s32 $0x2  }
0x4a7: {  	s28 =	spop (v2sf);
	(v2sf) =	vpush v1, s30  }
0x4a8: {  	s31 =	simm.s32 $0x3  }
0x4a9: {  	(v2sf) =	vpush v1, s31;
	_ =	sdelay $0x1  }
0x4aa: {  	s29 =	sshrl.u32 s28, $0x3  }
0x4ab: {  	s1 =	sshll.u32 s28, $0x7;
	s2 =	smul.u32 $0x1400, s29  }
0x4ac: {  	s1 =	sand.u32 $0x380, s1  }
0x4ad: {  	s1 =	sor.u32 s1, s2  }
0x4ae: {  	s1 =	sshrl.u32 s1, $0x3  }
0x4af: {  	s2 =	spop (v2sf);
	s1 =	sadd.s32 s7, s1  }
0x4b0: {  	[tilespmem:s0], [sflag:$0x9] =	stream.strided.gather [hbm4b:s1+s19], $0x280, s20, s19, $0x38;
	[tilespmem:$0x16F28] =	vst v63  }
0x4b1: {  	s5 =	sshrl.u32 s2, $0x3;
	s1 =	simm.s32 $0x4  }
.LBB2_5:
0x4b2: {  	(v2sf) =	vpush v1, s1;
	s5 =	smul.u32 $0x1400, s5;
	s2 =	sshll.u32 s2, $0x7;
	p2 =	seq.s32 s1, $0xF  }
.Ltmp4:
0x4b3: {  	s1 =	sadd.s32 $0x1, s1;
	s2 =	sand.u32 $0x380, s2;
	(pc) =	sbr.rel @!p2 .LBB2_5-.Ltmp4, $4  }
0x4b4: {  	s5 =	sor.u32 s2, s5  }
0x4b5: {  	s2 =	spop (v2sf);
	s6 =	sshrl.u32 s5, $0x3  }
0x4b6: {  	s0 =	sadd.s32 $0x280, s0;
	s5 =	sshrl.u32 s2, $0x3;
	s6 =	sadd.s32 s7, s6  }
0x4b7: {  	[tilespmem:s0], [sflag:$0x9] =	stream.strided.gather [hbm4b:s6+s19], $0x280, s20, s19, $0x38;
	[tilespmem:$0x16F28] =	vst v63  }
0x4b8: {  	s1 =	smul.u32 $0x1400, s5;
	s2 =	sshll.u32 s2, $0x7  }
0x4b9: {  	s2 =	sand.u32 $0x380, s2  }
0x4ba: {  	s16 =	spop (v2sf);
	s0 =	sadd.s32 $0x280, s0;
	s1 =	sor.u32 s2, s1  }
0x4bb: {  	s26 =	sshrl.u32 s16, $0x3;
	s2 =	sshll.u32 s16, $0x7;
	s1 =	sshrl.u32 s1, $0x3  }
0x4bc: {  	s28 =	smul.u32 $0x1400, s26;
	s2 =	sand.u32 $0x380, s2;
	s1 =	sadd.s32 s7, s1  }
0x4bd: {  	[tilespmem:s0], [sflag:$0x9] =	stream.strided.gather [hbm4b:s1+s19], $0x280, s20, s19, $0x38;
	[tilespmem:$0x16F28] =	vst v63  }
0x4be: {  	s1 =	sor.u32 s2, s28  }
0x4bf: {  	s1 =	sshrl.u32 s1, $0x3  }
0x4c0: {  	s0 =	sadd.s32 $0x280, s0;
	s1 =	sadd.s32 s7, s1  }
0x4c1: {  	[tilespmem:s0], [sflag:$0x9] =	stream.strided.gather [hbm4b:s1+s19], $0x280, s20, s19, $0x38;
	[tilespmem:$0x16F28] =	vst v63  }
0x4c2: {  	s29 =	spop (v2sf)  }
0x4c3: {  	s30 =	sshrl.u32 s29, $0x3  }
0x4c4: {  	s2 =	sshll.u32 s29, $0x7;
	s31 =	smul.u32 $0x1400, s30  }
0x4c5: {  	s2 =	sand.u32 $0x380, s2  }
0x4c6: {  	s1 =	sor.u32 s2, s31  }
0x4c7: {  	s1 =	sshrl.u32 s1, $0x3  }
0x4c8: {  	s0 =	sadd.s32 $0x280, s0;
	s1 =	sadd.s32 s7, s1  }
0x4c9: {  	[tilespmem:s0], [sflag:$0x9] =	stream.strided.gather [hbm4b:s1+s19], $0x280, s20, s19, $0x38;
	[tilespmem:$0x16F28] =	vst v63  }
.LBB2_7:
0x4ca: {  	p2 =	slt.u32 s24, $0x2  }
.Ltmp5:
0x4cb: {  	_ = 	snop;
	(pc) =	sbr.rel @p2 .LBB2_31-.Ltmp5, $1  }
0x4cc: {  	_ =	sdelay $0x3  }
0x4cd: {  	p2 =	sgt.s32 s25, $0x270E0;
	s0 =	smov.u32 s25;
	s1 =	sshra.s32 s25, $0x1F  }
0x4ce: {  	s0 =	simm.s32 @!p2 $0x270E0;
	s1 =	sand.u32 s1, s25  }
0x4cf: {  	s0 =	ssub.s32 s0, s1  }
0x4d0: {  	s0 =	sadd.s32 $0xFFFD8F20, s0  }
0x4d1: {  	s2 =	simm.s32 $0x9;
	s29 =	sshll.u32 s0, $0x2  }
0x4d2: {  	_ =	swait.ge [sflag:s2], $0x5000;
	s1 =	ssub.s32 $0x80, s29  }
0x4d3: {  	[sflag:s2] =	ssyncset.done $0x0;
	p2 =	sgt.s32 s0, $0x1F;
	s0 =	sshrl.u32 s1, $0x2  }
0x4d4: {  	s30 =	simm.s32 $0xB;
	[sflag:s2] =	ssyncadd.s32 $0xFFFFB000;
	s0 =	simm.s32 @p2 $0x0  }
0x4d5: {  	_ =	swait.ge [sflag:s30], s0  }
0x4d6: {  	s0 =	ssub.s32 $0x0, s0;
	[sflag:s30] =	ssyncset.done $0x0  }
0x4d7: {  	[sflag:s30] =	ssyncadd.s32 s0  }
0x4d8: {  	v1 =	vld [tilespmem:$0x8C48];
	_ =	sdelay $0x4  }
0x4d9: {  	(v2sf) =	vpush v1, $0x0  }
0x4da: {  	(v2sf) =	vpush v1, $0x1  }
0x4db: {  	(v2sf) =	vpush v1, $0x2;
	_ =	sdelay $0x3  }
0x4dc: {  	s0 =	sadd.s32 $0x20, s25  }
0x4dd: {  	s5 =	ssub.s32 $0x4E200, s25;
	p2 =	slt.s32 s10, s0  }
0x4de: {  	s0 =	smov.u32 @p2 s10;
	p2 =	sgt.s32 s5, $0x0  }
0x4df: {  	s26 =	ssub.s32 s0, s25;
	s5 =	simm.s32 @!p2 $0x0  }
0x4e0: {  	p2 =	slt.s32 s5, s26  }
0x4e1: {  	s26 =	smov.u32 @p2 s5  }
0x4e2: {  	p2 =	slt.s32 s26, $0x1  }
.Ltmp6:
0x4e3: {  	_ = 	snop;
	(pc) =	sbr.rel @p2 .LBB2_12-.Ltmp6, $4  }
0x4e4: {  	s1 =	simm.s32 $0x1  }
0x4e5: {  	s1 =	simm.s32 @!p1 $0x0;
	s2 =	spop (v2sf)  }
0x4e6: {  	s31 =	sshll.u32 s1, $0x5;
	s6 =	spop (v2sf)  }
0x4e7: {  	s0 =	sadd.s32 $0xCEE8, s31;
	s25 =	spop (v2sf)  }
0x4e8: {  	s5 =	smin.u32 s26, $0x10  }
0x4e9: {  	v1 =	vmov s5  }
0x4ea: {  	vm1 =	vgt.u32 v1, v0;
	_ =	sdelay $0x1  }
0x4eb: {  	p3 =	sgt.s32 s26, $0x10  }
.Ltmp7:
0x4ec: {  	_ = 	snop;
	(pc) =	sbr.rel @!p3 .LBB2_11-.Ltmp7, $3  }
0x4ed: {  	_ =	sdelay $0x1  }
0x4ee: {  	v1 =	vld.msk [tilespmem:s0+$0x0 ss:$0x1], vm1  }
0x4ef: {  	s16 =	simm.s32 $0x10;
	s28 =	sadd.s32 $0xFFFFFFF0, s26;
	s5 =	smov.u32 s0;
	vm0 =	vmmov vm1  }
.LBB2_10:
0x4f0: {  	s8 =	smin.u32 s28, $0x10;
	s16 =	sadd.s32 $0x10, s16  }
0x4f1: {  	v2 =	vmov s8;
	p3 =	slt.s32 s16, s26  }
0x4f2: {  	vm1 =	vgt.u32 v2, v0  }
0x4f3: {  	v2 =	vshrl.u32 v1, $0x3  }
0x4f4: {  	v1 =	vshll.u32 v1, $0x4;
	v2 =	vmul.u32 $0x280, v2  }
0x4f5: {  	v1 =	vand.u32 $0x70, v1  }
.Ltmp8:
0x4f6: {  	v1 =	vor.u32 v1, v2;
	(pc) =	sbr.rel @p3 .LBB2_10-.Ltmp8, $3  }
0x4f7: {  	[tilespmem:s5+$0x0] =	vst.msk vm0, v1;
	s5 =	sadd.s32 $0x10, s5;
	vm0 =	vmmov vm1  }
0x4f8: {  	v1 =	vld.msk [tilespmem:s5+$0x0 ss:$0x1], vm1;
	_ =	sdelay $0x1  }
0x4f9: {  	s28 =	sadd.s32 $0xFFFFFFF0, s28  }
.LBB2_11:
0x4fa: {  	_ =	sdelay $0x2  }
0x4fb: {  	v2 =	vshrl.u32 v1, $0x3  }
0x4fc: {  	v1 =	vshll.u32 v1, $0x4;
	v2 =	vmul.u32 $0x280, v2  }
0x4fd: {  	v1 =	vand.u32 $0x70, v1  }
0x4fe: {  	v1 =	vor.u32 v1, v2  }
0x4ff: {  	[tilespmem:s5+$0x0] =	vst.msk vm0, v1  }
.LBB2_12:
0x500: {  	s5 =	sand.u32 $0x1, s24  }
0x501: {  	p3 =	sne.s32 s6, $0xFFFFFFFF;
	s5 =	sshll.u32 s5, $0x5  }
0x502: {  	v1 =	vld.msk @!p3 [tilespmem:s5+$0xCEE8], $0x1;
	_ =	sdelay $0x4  }
0x503: {  	(v2sf) =	vpush @!p3 v1, $0x0;
	_ =	sdelay $0xc  }
.Ltmp9:
0x504: {  	_ = 	snop;
	(pc) =	sbr.rel @p2 .LBB2_29-.Ltmp9, $4  }
0x505: {  	_ = 	snop  }
0x506: {  	s31 =	spop @!p3 (v2sf)  }
0x507: {  	s25 =	simm.s32 @!p3 $0x0;
	s28 =	smov.u32 s31  }
0x508: {  	[sflag:s18] =	ssyncpa.u1 $0x0;
	s31 =	smov.u32 @p3 s2;
	s28 =	smov.u32 @p3 s6  }
0x509: {  	v1 =	vld.msk [tilespmem:s0+$0x0], $0x1;
	_ =	sdelay $0x4  }
0x50a: {  	(v2sf) =	vpush v1, $0x0;
	_ =	sdelay $0xd  }
0x50b: {  	s1 =	smul.u32 $0x14000, s1  }
0x50c: {  	s14 =	smov.u32 s10;
	s2 =	spop (v2sf)  }
0x50d: {  	s29 =	simm.s32 $0x0;
	s1 =	sshrl.u32 s1, $0x2;
	p2 =	seq.s32 s31, s2  }
0x50e: {  	s30 =	sadd.s32 $0xCF28, s1;
	p3 =	sgt.s32 @!p2 s31, $0x0;
	s6 =	smul.u32 @!p2 $0x840, s29  }
0x50f: {  	s1 =	sadd.s32 $0xCEE8, s5;
	s5 =	smov.u32 s31;
	p3 =	por !p3, p2  }
0x510: {  	s10 =	smov.u32 s15;
	s5 =	simm.s32 @p3 $0x0;
	s12 =	sshra.s32 @!p2 s6, $0x2  }
0x511: {  	s3 =	smov.u32 s13;
	s11 =	smin.u32 @!p2 s5, $0xC32FE;
	s6 =	sadd.s32 @!p2 $0x4838, s12  }
0x512: {  	s5 =	sand.u32 @!p2 $0xFFFF8, s11;
	s13 =	sadd.s32 @!p2 $0x80, s11;
	s15 =	sadd.s32 @!p2 $0x100, s11  }
0x513: {  	s18 =	sadd.s32 @!p2 s4, s5;
	s5 =	sand.u32 @!p2 $0x7, s11;
	s13 =	sand.u32 @!p2 $0x1FFFF8, s13  }
0x514: {  	[tilespmem:s6], [sflag:$0x2] =	stream.linear.gather @!p2 [hbm4b:s18+s5], $0x80, $0x38;
	[tilespmem:$0x16F28] =	vst v63  }
0x515: {  	s16 =	sadd.s32 @!p2 $0x48B8, s12;
	s6 =	sadd.s32 @!p2 s4, s13;
	s13 =	sand.u32 @!p2 $0x1FFFF8, s15  }
0x516: {  	[tilespmem:s16], [sflag:$0x2] =	stream.linear.gather @!p2 [hbm4b:s6+s5], $0x80, $0x38;
	[tilespmem:$0x16F28] =	vst v63  }
0x517: {  	s8 =	ssub.s32 $0x0, s26;
	s6 =	sadd.s32 @!p2 s4, s13;
	s13 =	sadd.s32 @!p2 $0x4938, s12  }
0x518: {  	[tilespmem:s13], [sflag:$0x2] =	stream.linear.gather @!p2 [hbm4b:s6+s5], $0x80, $0x38;
	[tilespmem:$0x16F28] =	vst v63  }
0x519: {  	s6 =	sadd.s32 $0x1, s8  }
0x51a: {  	s15 =	sadd.s32 @!p2 $0x180, s11;
	p3 =	seq.s32 s6, $0x0  }
.Ltmp10:
0x51b: {  	s15 =	sand.u32 @!p2 $0x1FFFF8, s15;
	(pc) =	sbr.rel @p3 .LBB2_15-.Ltmp10, $4  }
0x51c: {  	s8 =	sadd.s32 @!p2 s4, s15;
	s13 =	sadd.s32 @!p2 $0x49B8, s12  }
0x51d: {  	[tilespmem:s13], [sflag:$0x2] =	stream.linear.gather @!p2 [hbm4b:s8+s5], $0x80, $0x38;
	[tilespmem:$0x16F28] =	vst v63  }
0x51e: {  	s16 =	simm.s32 @!p2 $0x1;
	s8 =	sadd.s32 @!p2 $0x200, s11  }
0x51f: {  	s16 =	smov.u32 @p2 s29;
	s11 =	sand.u32 @!p2 $0x1FFFF8, s8;
	s8 =	sadd.s32 @!p2 $0x4A38, s12  }
.LBB2_14:
0x520: {  	s12 =	smov.u32 s16  }
0x521: {  	s6 =	sadd.s32 $0x1, s6;
	s11 =	sadd.s32 @!p2 s4, s11;
	s0 =	sadd.s32 $0x1, s0  }
0x522: {  	[tilespmem:s8], [sflag:$0x2] =	stream.linear.gather @!p2 [hbm4b:s11+s5], $0x10, $0x38;
	[tilespmem:$0x16F28] =	vst v63  }
0x523: {  	p3 =	seq.s32 s6, $0x0;
	s5 =	smov.u32 s2;
	v1 =	vld.msk [tilespmem:s0+$0x0], $0x1;
	_ =	sdelay $0x4  }
0x524: {  	(v2sf) =	vpush v1, $0x0;
	_ =	sdelay $0xe  }
0x525: {  	s2 =	spop (v2sf)  }
0x526: {  	p2 =	seq.s32 s5, s2  }
0x527: {  	p4 =	sgt.s32 @!p2 s5, $0x0;
	s8 =	smul.u32 @!p2 $0x840, s16;
	s16 =	sadd.s32 @!p2 $0x1, s16  }
0x528: {  	p4 =	por !p4, p2;
	s16 =	smov.u32 @p2 s12  }
0x529: {  	s5 =	simm.s32 @p4 $0x0;
	s8 =	sshra.s32 @!p2 s8, $0x2  }
0x52a: {  	s11 =	smin.u32 @!p2 s5, $0xC32FE;
	s12 =	sadd.s32 @!p2 $0x4838, s8;
	s13 =	sadd.s32 @!p2 $0x48B8, s8  }
0x52b: {  	s5 =	sand.u32 @!p2 $0xFFFF8, s11;
	s15 =	sadd.s32 @!p2 $0x80, s11;
	s18 =	sadd.s32 @!p2 $0x100, s11  }
0x52c: {  	s9 =	sadd.s32 @!p2 s4, s5;
	s5 =	sand.u32 @!p2 $0x7, s11;
	s15 =	sand.u32 @!p2 $0x1FFFF8, s15  }
0x52d: {  	[tilespmem:s12], [sflag:$0x2] =	stream.linear.gather @!p2 [hbm4b:s9+s5], $0x80, $0x38;
	[tilespmem:$0x16F28] =	vst v63  }
0x52e: {  	s9 =	sadd.s32 @!p2 s4, s15;
	s12 =	sand.u32 @!p2 $0x1FFFF8, s18;
	s15 =	sadd.s32 @!p2 $0x180, s11  }
0x52f: {  	[tilespmem:s13], [sflag:$0x2] =	stream.linear.gather @!p2 [hbm4b:s9+s5], $0x80, $0x38;
	[tilespmem:$0x16F28] =	vst v63  }
0x530: {  	s9 =	sadd.s32 @!p2 s4, s12  }
.Ltmp11:
0x531: {  	s12 =	sadd.s32 @!p2 $0x4938, s8;
	s13 =	sand.u32 @!p2 $0x1FFFF8, s15;
	(pc) =	sbr.rel @!p3 .LBB2_14-.Ltmp11, $4  }
0x532: {  	[tilespmem:s12], [sflag:$0x2] =	stream.linear.gather @!p2 [hbm4b:s9+s5], $0x80, $0x38;
	[tilespmem:$0x16F28] =	vst v63  }
0x533: {  	s11 =	sadd.s32 @!p2 $0x200, s11;
	s9 =	sadd.s32 @!p2 s4, s13;
	s12 =	sadd.s32 @!p2 $0x49B8, s8  }
0x534: {  	[tilespmem:s12], [sflag:$0x2] =	stream.linear.gather @!p2 [hbm4b:s9+s5], $0x80, $0x38;
	[tilespmem:$0x16F28] =	vst v63  }
0x535: {  	s11 =	sand.u32 @!p2 $0x1FFFF8, s11;
	s8 =	sadd.s32 @!p2 $0x4A38, s8  }
.LBB2_15:
0x536: {  	s0 =	sadd.s32 @!p2 s4, s11;
	s2 =	smul.u32 $0x840, s16  }
0x537: {  	[tilespmem:s8], [sflag:$0x2] =	stream.linear.gather @!p2 [hbm4b:s0+s5], $0x10, $0x38;
	[tilespmem:$0x16F28] =	vst v63  }
.Ltmp12:
0x538: {  	s18 =	simm.s32 $0x2;
	v1 =	vmov s1;
	s1 =	simm.s32 $0x0;
	(pc) =	sbr.rel .LBB2_16-.Ltmp12, $4  }
0x539: {  	s13 =	smov.u32 s3;
	s3 =	simm.s32 $0x1;
	s16 =	sshrl.u32 s2, $0x2  }
0x53a: {  	s15 =	smov.u32 s10;
	s10 =	smov.u32 s14;
	_ =	swait.ge [sflag:s18], s16  }
0x53b: {  	s2 =	simm.s32 $0x0;
	s0 =	ssub.s32 $0x0, s16;
	[sflag:s18] =	ssyncset.done $0x0  }
0x53c: {  	s14 =	rddreg [dreg:$0x6];
	[sflag:s18] =	ssyncadd.s32 s0;
	s18 =	simm.s32 $0xC  }
.LBB2_26:
0x53d: {  	[tilespmem:s5+$0x0] =	vst v2;
	s29 =	sadd.s32 $0x1, s29  }
.LBB2_27:
0x53e: {  	s2 =	sadd.s32 $0x1, s2  }
0x53f: {  	p2 =	sne.s32 s2, s26  }
.Ltmp13:
0x540: {  	_ = 	snop;
	(pc) =	sbr.rel @!p2 .LBB2_28-.Ltmp13, $2  }
0x541: {  	_ =	sdelay $0x2  }
0x542: {  	s30 =	sadd.s32 $0x280, s30;
	s31 =	smov.u32 s0  }
.LBB2_16:
0x543: {  	_ =	sdelay $0x3  }
0x544: {  	v2 =	vld.idx.msk [tilespmem:v1+s2+$0x0 ss:$0x1], $0x1;
	_ =	sdelay $0x4  }
0x545: {  	(v2sf) =	vpush v2, $0x0;
	_ =	sdelay $0xe  }
0x546: {  	s0 =	spop (v2sf)  }
0x547: {  	p2 =	sne.s32 s31, s0  }
.Ltmp14:
0x548: {  	_ = 	snop;
	(pc) =	sbr.rel @p2 .LBB2_20-.Ltmp14, $3  }
0x549: {  	_ = 	snop  }
0x54a: {  	s5 =	smul.u32 $0x840, s25;
	_ =	sdelay $0x1  }
0x54b: {  	s5 =	sshra.s32 s5, $0x2  }
0x54c: {  	s5 =	sadd.s32 $0x428, s5;
	s6 =	simm.s32 $0x0;
	v2 =	vld [tilespmem:s30+$0x0];
	s8 =	smov.u32 s30  }
.LBB2_18:
0x54d: {  	s6 =	sadd.s32 $0x10, s6  }
0x54e: {  	p2 =	slt.u32 s6, $0x200  }
.Ltmp15:
0x54f: {  	_ = 	snop;
	(pc) =	sbr.rel @p2 .LBB2_18-.Ltmp15, $3  }
0x550: {  	_ =	sdelay $0x1  }
0x551: {  	s8 =	sadd.s32 $0x10, s8;
	[tilespmem:s5+$0x0] =	vst.add.f32.msk $0xffff, v2;
	s5 =	sadd.s32 $0x10, s5  }
0x552: {  	v2 =	vld [tilespmem:s8+$0x0]  }
.Ltmp16:
0x553: {  	_ = 	snop;
	(pc) =	sbr.rel .LBB2_27-.Ltmp16, $2  }
0x554: {  	_ =	sdelay $0x2  }
0x555: {  	[tilespmem:s5+$0x0] =	vst.add.f32.msk $0xffff, v2  }
.LBB2_20:
0x556: {  	p2 =	seq.s32 s31, s28  }
.Ltmp17:
0x557: {  	_ = 	snop;
	(pc) =	sbr.rel @!p2 .LBB2_21-.Ltmp17, $1  }
0x558: {  	_ =	sdelay $0x3  }
.Ltmp18:
0x559: {  	s5 =	sadd.s32 $0x428, s5;
	(pc) =	sbr.rel .LBB2_24-.Ltmp18, $4  }
0x55a: {  	[spmem:s17] =	stream.linear.scatter [tilespmem:s5], [sflag:$0x1], $0x210, $0x38;
	[tilespmem:$0x16F28] =	vst v63  }
0x55b: {  	_ =	swait.ge [sflag:s3], $0x210  }
0x55c: {  	[sflag:s3] =	ssyncset.done $0x0  }
0x55d: {  	[sflag:s3] =	ssyncadd.s32 $0xFFFFFDF0  }
.LBB2_21:
0x55e: {  	s6 =	smul.u32 $0x840, s29;
	_ =	sdelay $0x1  }
0x55f: {  	s6 =	sshra.s32 s6, $0x2  }
0x560: {  	s16 =	sadd.s32 $0x4838, s6;
	s6 =	sadd.s32 $0x428, s5  }
0x561: {  	s11 =	simm.s32 $0x0;
	v2 =	vld [tilespmem:s16+$0x0];
	s8 =	smov.u32 s6  }
.LBB2_22:
0x562: {  	s11 =	sadd.s32 $0x10, s11  }
0x563: {  	p2 =	slt.u32 s11, $0x200  }
.Ltmp19:
0x564: {  	_ = 	snop;
	(pc) =	sbr.rel @p2 .LBB2_22-.Ltmp19, $3  }
0x565: {  	_ =	sdelay $0x1  }
0x566: {  	s16 =	sadd.s32 $0x10, s16;
	[tilespmem:s8+$0x0] =	vst.add.f32.msk $0xffff, v2;
	s8 =	sadd.s32 $0x10, s8  }
0x567: {  	v2 =	vld [tilespmem:s16+$0x0]  }
0x568: {  	_ =	sdelay $0x1  }
0x569: {  	p2 =	sgt.u32 s31, $0xC32FE  }
0x56a: {  	s9 =	sand.u32 @!p2 $0xFFFF8, s31  }
0x56b: {  	[tilespmem:s8+$0x0] =	vst.add.f32.msk $0xffff, v2;
	s8 =	sadd.s32 @!p2 s4, s9;
	s9 =	sand.u32 @!p2 $0x7, s31  }
0x56c: {  	[hbm4b:s8+s9] =	stream.linear.scatter @!p2 [tilespmem:s6], [sflag:$0xC], $0x80, $0x38;
	[tilespmem:$0x16F28] =	vst v63  }
0x56d: {  	s6 =	sadd.s32 @!p2 $0x80, s31  }
0x56e: {  	s6 =	sand.u32 @!p2 $0x1FFFF8, s6  }
0x56f: {  	s8 =	sadd.s32 @!p2 $0x4A8, s5;
	s6 =	sadd.s32 @!p2 s4, s6  }
0x570: {  	[hbm4b:s6+s9] =	stream.linear.scatter @!p2 [tilespmem:s8], [sflag:$0xC], $0x80, $0x38;
	[tilespmem:$0x16F28] =	vst v63  }
0x571: {  	s6 =	sadd.s32 @!p2 $0x100, s31  }
0x572: {  	s6 =	sand.u32 @!p2 $0x1FFFF8, s6  }
0x573: {  	s8 =	sadd.s32 @!p2 $0x528, s5;
	s6 =	sadd.s32 @!p2 s4, s6  }
0x574: {  	[hbm4b:s6+s9] =	stream.linear.scatter @!p2 [tilespmem:s8], [sflag:$0xC], $0x80, $0x38;
	[tilespmem:$0x16F28] =	vst v63  }
0x575: {  	s6 =	sadd.s32 @!p2 $0x180, s31  }
0x576: {  	s6 =	sand.u32 @!p2 $0x1FFFF8, s6  }
0x577: {  	s8 =	sadd.s32 @!p2 $0x5A8, s5;
	s6 =	sadd.s32 @!p2 s4, s6  }
0x578: {  	[hbm4b:s6+s9] =	stream.linear.scatter @!p2 [tilespmem:s8], [sflag:$0xC], $0x80, $0x38;
	[tilespmem:$0x16F28] =	vst v63  }
0x579: {  	s6 =	sadd.s32 @!p2 $0x200, s31;
	s8 =	simm.s32 $0x0  }
0x57a: {  	s6 =	sand.u32 @!p2 $0x1FFFF8, s6;
	s8 =	simm.s32 @!p2 $0x840  }
0x57b: {  	s5 =	sadd.s32 @!p2 $0x628, s5;
	s6 =	sadd.s32 @!p2 s4, s6;
	s1 =	sadd.s32 s8, s1  }
0x57c: {  	[hbm4b:s6+s9] =	stream.linear.scatter @!p2 [tilespmem:s5], [sflag:$0xC], $0x10, $0x38;
	[tilespmem:$0x16F28] =	vst v63  }
.LBB2_24:
0x57d: {  	s5 =	sadd.s32 $0x1, s25  }
0x57e: {  	s25 =	sand.u32 $0x1F, s5  }
0x57f: {  	s5 =	smul.u32 $0x840, s25;
	_ =	sdelay $0x1  }
0x580: {  	s5 =	sshrl.u32 s5, $0x2  }
0x581: {  	s6 =	simm.s32 $0x0;
	v2 =	vld [tilespmem:s30+$0x0];
	s8 =	smov.u32 s30;
	s5 =	sadd.s32 $0x428, s5  }
.LBB2_25:
0x582: {  	s6 =	sadd.s32 $0x10, s6  }
0x583: {  	p2 =	slt.u32 s6, $0x200  }
.Ltmp20:
0x584: {  	_ = 	snop;
	(pc) =	sbr.rel @p2 .LBB2_25-.Ltmp20, $3  }
0x585: {  	_ =	sdelay $0x1  }
0x586: {  	[tilespmem:s5+$0x0] =	vst v2;
	s5 =	sadd.s32 $0x10, s5;
	s8 =	sadd.s32 $0x10, s8  }
0x587: {  	v2 =	vld [tilespmem:s8+$0x0]  }
.Ltmp21:
0x588: {  	_ = 	snop;
	(pc) =	sbr.rel .LBB2_26-.Ltmp21, $1  }
0x589: {  	_ =	sdelay $0x3  }
.LBB2_29:
.Ltmp22:
0x58a: {  	(pc) =	sbr.rel .LBB2_30-.Ltmp22, $4  }
0x58b: {  	_ = 	snop  }
0x58c: {  	s0 =	simm.s32 $0x2  }
0x58d: {  	_ =	swait.ge [sflag:s0], $0x0  }
0x58e: {  	s1 =	simm.s32 $0x0;
	[sflag:s0] =	ssyncset.done $0x0;
	s0 =	smov.u32 s31  }
.LBB2_32:
0x58f: {  	_ =	sfence.sel $0x180000  }
0x590: {  	s0 =	simm.s32 $0x9;
	[bflag:$0x0] =	sbarrier.arrive $0xFFFF  }
0x591: {  	s24 =	simm.s32 $0xA;
	[sflag:s0] =	ssyncpa.u1 $0x1  }
0x592: {  	s25 =	simm.s32 $0xB;
	[sflag:s24] =	ssyncpa.u1 $0x1  }
0x593: {  	s26 =	simm.s32 $0x2;
	[sflag:s25] =	ssyncpa.u1 $0x1  }
0x594: {  	[sflag:s26] =	ssyncpa.u1 $0x1  }
0x595: {  	v0 =	vld [tilespmem:$0x8C48];
	_ =	sdelay $0x4  }
0x596: {  	(v2sf) =	vpush v0, $0x0  }
0x597: {  	(v2sf) =	vpush v0, $0x1  }
0x598: {  	(v2sf) =	vpush v0, $0x2;
	_ =	sdelay $0xc  }
0x599: {  	s0 =	spop (v2sf)  }
0x59a: {  	s1 =	spop (v2sf)  }
0x59b: {  	s2 =	smov.u32 s0;
	p0 =	sne.s32 s0, s1;
	s3 =	spop (v2sf)  }
0x59c: {  	s2 =	simm.s32 @!p0 $0xFFFFFFFF;
	p0 =	seq.s32 s3, $0xFFFFFFFF  }
0x59d: {  	v2 =	vimm.s32 $0x1;
	v3 =	vlaneseq.u32;
	v1 =	vmov s2;
	p1 =	sne.s32 @!p0 s0, s1  }
0x59e: {  	s17 =	stileid.u32;
	v0 =	vperm.xlane v0, v2;
	s0 =	simm.s32 @!p0 $0x1;
	v1 =	vperm.xlane v1, v3;
	p1 =	por !p1, p0  }
0x59f: {  	vm0 =	vcmask $0x3F04;
	s2 =	sshll.u32 s17, $0x1;
	s1 =	smul.u32 @!p0 $0x840, s3;
	s0 =	simm.s32 @p1 $0x0  }
0x5a0: {  	s6 =	simm.s32 $0x8C48;
	v0 =	vsel vm0, v1, v0;
	s0 =	sor.u32 @!p0 s0, s2  }
0x5a1: {  	s5 =	sor.u32 $0x4200, s2;
	s1 =	sshra.s32 @!p0 s1, $0x2;
	[tilespmem:$0x8C48] =	vst v0;
	s0 =	smul.u32 @!p0 $0x840, s0  }
0x5a2: {  	[spmem:s5] =	stream.linear.scatter [tilespmem:s6], [sflag:$0x1], $0x2, $0x38;
	[tilespmem:$0x16F28] =	vst v63  }
0x5a3: {  	s1 =	sadd.s32 @!p0 $0x428, s1;
	s0 =	sshrl.u32 @!p0 s0, $0x2  }
0x5a4: {  	[spmem:s0] =	stream.linear.scatter @!p0 [tilespmem:s1], [sflag:$0x1], $0x210, $0x38;
	[tilespmem:$0x16F28] =	vst v63  }
0x5a5: {  	s0 =	simm.s32 @!p0 $0x212  }
0x5a6: {  	s28 =	simm.s32 $0x1;
	s0 =	simm.s32 @p0 $0x2  }
0x5a7: {  	_ =	swait.ge [sflag:s28], s0  }
0x5a8: {  	s0 =	ssub.s32 $0x0, s0;
	[sflag:s28] =	ssyncset.done $0x0  }
0x5a9: {  	p0 =	sne.s32 s17, $0x0;
	[sflag:s28] =	ssyncadd.s32 s0  }
.Ltmp23:
0x5aa: {  	_ =	sfence.stream.spmem;
	(pc) =	sbr.rel @p0 .LBB2_57-.Ltmp23, $4  }
0x5ab: {  	s29 =	simm.s32 $0x3;
	[bflag:$0x0] =	sbarrier.arrive $0xFFFF  }
0x5ac: {  	s30 =	simm.s32 $0x4;
	[sflag:s29] =	ssyncpa.u1 $0x1  }
0x5ad: {  	s31 =	simm.s32 $0x3C;
	[sflag:s30] =	ssyncpa.u1 $0x1  }
0x5ae: {  	s18 =	rddreg [dreg:$0x4];
	[sflag:s31] =	ssyncpa.u1 $0x1  }
0x5af: {  	_ =	sfence.stream.spmem;
	s0 =	simm.s32 $0x5  }
0x5b0: {  	s1 =	simm.s32 $0x4200;
	s2 =	simm.s32 $0x8C58;
	[sflag:s0] =	ssyncpa.u1 $0x0  }
0x5b1: {  	[tilespmem:s2], [sflag:$0x5] =	stream.linear.gather [spmem:s1], $0x20, $0x38;
	[tilespmem:$0x16F28] =	vst v63  }
0x5b2: {  	s26 =	simm.s32 $0x0;
	s28 =	simm.s32 $0x8C78  }
0x5b3: {  	[tilespmem:s28], [sflag:$0x5] =	stream.linear.gather [spmem:s26], $0x4200, $0x38;
	[tilespmem:$0x16F28] =	vst v63  }
0x5b4: {  	_ =	swait.ge [sflag:s0], $0x4220  }
0x5b5: {  	[sflag:s0] =	ssyncset.done $0x0  }
0x5b6: {  	s29 =	simm.s32 $0x0;
	[sflag:s0] =	ssyncadd.s32 $0xFFFFBDE0  }
0x5b7: {  	v0 =	vld.msk [tilespmem:s29+$0x8C58], $0x1;
	_ =	sdelay $0x1  }
0x5b8: {  	s30 =	simm.s32 $0x1  }
0x5b9: {  	v1 =	vld.msk [tilespmem:s30+$0x8C58], $0x1;
	_ =	sdelay $0x1  }
0x5ba: {  	(v2sf) =	vpush v0, $0x0;
	_ =	sdelay $0x2  }
0x5bb: {  	(v2sf) =	vpush v1, $0x0;
	_ =	sdelay $0x2  }
0x5bc: {  	s31 =	simm.s32 $0x2  }
0x5bd: {  	v0 =	vld.msk [tilespmem:s31+$0x8C58], $0x1;
	_ =	sdelay $0x2  }
0x5be: {  	s1 =	simm.s32 $0xFFFFFFFF;
	s2 =	simm.s32 $0xFFFFFFFF;
	s0 =	simm.s32 $0xC  }
.LBB2_34:
0x5bf: {  	s3 =	smov.u32 s2;
	s5 =	smov.u32 s1  }
0x5c0: {  	s1 =	sshra.s32 s0, $0x2;
	p1 =	sne.s32 s0, $0x7C;
	s0 =	sadd.s32 $0x4, s0;
	(v2sf) =	vpush v0, $0x0  }
0x5c1: {  	v0 =	vld.msk [tilespmem:s1+$0x8C58], $0x1  }
.Ltmp24:
0x5c2: {  	(pc) =	sbr.rel @p1 .LBB2_34-.Ltmp24, $4  }
0x5c3: {  	s2 =	spop (v2sf)  }
0x5c4: {  	p2 =	sne.s32 s5, $0xFFFFFFFF;
	s1 =	smov.u32 s2  }
0x5c5: {  	p3 =	seq.s32 s2, $0xFFFFFFFF;
	s1 =	smov.u32 @p2 s5  }
0x5c6: {  	s2 =	smov.u32 @p3 s3;
	s1 =	smov.u32 @p3 s5  }
0x5c7: {  	(v2sf) =	vpush v0, $0x0;
	_ =	sdelay $0x7  }
0x5c8: {  	s0 =	spop (v2sf)  }
0x5c9: {  	p1 =	sne.s32 s1, $0xFFFFFFFF;
	s9 =	simm.s32 $0x8C78;
	s10 =	simm.s32 $0x8AB8  }
0x5ca: {  	s11 =	simm.s32 $0x8B38;
	s12 =	simm.s32 $0x8BB8;
	s3 =	smov.u32 s0  }
0x5cb: {  	s13 =	simm.s32 $0x8C38;
	p2 =	seq.s32 s0, $0xFFFFFFFF;
	s3 =	smov.u32 @p1 s1  }
0x5cc: {  	s14 =	simm.s32 $0x0;
	s3 =	smov.u32 @p2 s1;
	s1 =	spop (v2sf)  }
0x5cd: {  	s0 =	smov.u32 @p2 s2;
	p1 =	sne.s32 s3, $0xFFFFFFFF;
	s5 =	smov.u32 s1  }
.Ltmp25:
0x5ce: {  	p2 =	seq.s32 s1, $0xFFFFFFFF;
	s5 =	smov.u32 @p1 s3;
	(pc) =	sbr.rel .LBB2_36-.Ltmp25, $4  }
0x5cf: {  	s1 =	smov.u32 @p2 s0;
	s5 =	smov.u32 @p2 s3;
	s7 =	spop (v2sf)  }
0x5d0: {  	s0 =	simm.s32 $0x6;
	p1 =	sne.s32 s5, $0xFFFFFFFF;
	s8 =	smov.u32 s7  }
0x5d1: {  	[sflag:s0] =	ssyncpa.u1 $0x0;
	p2 =	seq.s32 s7, $0xFFFFFFFF;
	s8 =	smov.u32 @p1 s5  }
0x5d2: {  	s3 =	simm.s32 $0x0;
	s7 =	smov.u32 @p2 s1;
	s8 =	smov.u32 @p2 s5  }
.LBB2_51:
0x5d3: {  	s14 =	sadd.s32 $0x1, s14  }
0x5d4: {  	p1 =	sne.s32 s14, $0x20  }
.Ltmp26:
0x5d5: {  	_ = 	snop;
	(pc) =	sbr.rel @!p1 .LBB2_52-.Ltmp26, $2  }
0x5d6: {  	_ =	sdelay $0x2  }
0x5d7: {  	s9 =	sadd.s32 $0x210, s9  }
.LBB2_36:
0x5d8: {  	v0 =	vld.msk [tilespmem:s14+$0x8C58], $0x1;
	_ =	sdelay $0x4  }
0x5d9: {  	(v2sf) =	vpush v0, $0x0;
	_ =	sdelay $0xe  }
0x5da: {  	s1 =	spop (v2sf)  }
0x5db: {  	p1 =	seq.s32 s1, $0xFFFFFFFF  }
.Ltmp27:
0x5dc: {  	_ = 	snop;
	(pc) =	sbr.rel @p1 .LBB2_51-.Ltmp27, $1  }
0x5dd: {  	_ =	sdelay $0x3  }
0x5de: {  	p1 =	slt.s32 s3, $0x1  }
.Ltmp28:
0x5df: {  	_ = 	snop;
	(pc) =	sbr.rel @p1 .LBB2_44-.Ltmp28, $1  }
0x5e0: {  	_ =	sdelay $0x3  }
0x5e1: {  	s2 =	simm.s32 $0x8C58;
	p1 =	por $0x0, $0x0  }
0x5e2: {  	v1 =	vld.msk @!p1 [tilespmem:s2+$0x0], $0x1;
	_ =	sdelay $0x4  }
0x5e3: {  	(v2sf) =	vpush @!p1 v1, $0x0;
	_ =	sdelay $0xd  }
0x5e4: {  	p3 =	sne.s32 s3, $0x1  }
.Ltmp29:
0x5e5: {  	s5 =	spop @!p1 (v2sf);
	(pc) =	sbr.rel @!p3 .LBB2_40-.Ltmp29, $4  }
0x5e6: {  	p2 =	seq.s32 @!p1 s1, s5  }
0x5e7: {  	s5 =	simm.s32 $0x0;
	p2 =	por !p2, p1  }
0x5e8: {  	s15 =	simm.s32 $0xFFFFFFFF;
	s5 =	simm.s32 @p2 $0xFFFFFFFF  }
0x5e9: {  	s6 =	simm.s32 $0x1;
	s5 =	smov.u32 @p1 s15  }
.LBB2_39:
0x5ea: {  	s15 =	smov.u32 s5;
	p1 =	sne.s32 s5, $0xFFFFFFFF  }
0x5eb: {  	s2 =	sadd.s32 $0x1, s2;
	s5 =	smov.u32 s6;
	s6 =	sadd.s32 $0x1, s6  }
0x5ec: {  	p2 =	sne.s32 s3, s6;
	v1 =	vld.msk @!p1 [tilespmem:s2+$0x0], $0x1;
	_ =	sdelay $0x4  }
0x5ed: {  	(v2sf) =	vpush @!p1 v1, $0x0;
	_ =	sdelay $0xe  }
.Ltmp30:
0x5ee: {  	s16 =	spop @!p1 (v2sf);
	(pc) =	sbr.rel @p2 .LBB2_39-.Ltmp30, $4  }
0x5ef: {  	p3 =	seq.s32 @!p1 s1, s16  }
0x5f0: {  	p3 =	por !p3, p1  }
0x5f1: {  	s5 =	simm.s32 @p3 $0xFFFFFFFF  }
0x5f2: {  	s5 =	smov.u32 @p1 s15  }
.LBB2_40:
0x5f3: {  	p1 =	seq.s32 s5, $0xFFFFFFFF  }
.Ltmp31:
0x5f4: {  	_ = 	snop;
	(pc) =	sbr.rel @p1 .LBB2_44-.Ltmp31, $1  }
0x5f5: {  	_ =	sdelay $0x3  }
0x5f6: {  	s1 =	smul.u32 $0x840, s5;
	_ =	sdelay $0x1  }
0x5f7: {  	s1 =	sshra.s32 s1, $0x2  }
0x5f8: {  	s2 =	simm.s32 $0x0;
	v0 =	vld [tilespmem:s9+$0x0];
	s5 =	smov.u32 s9;
	s1 =	sadd.s32 $0x8C78, s1  }
.LBB2_42:
0x5f9: {  	s2 =	sadd.s32 $0x10, s2  }
0x5fa: {  	p1 =	slt.u32 s2, $0x200  }
.Ltmp32:
0x5fb: {  	_ = 	snop;
	(pc) =	sbr.rel @p1 .LBB2_42-.Ltmp32, $3  }
0x5fc: {  	_ =	sdelay $0x1  }
0x5fd: {  	s5 =	sadd.s32 $0x10, s5;
	[tilespmem:s1+$0x0] =	vst.add.f32.msk $0xffff, v0;
	s1 =	sadd.s32 $0x10, s1  }
0x5fe: {  	v0 =	vld [tilespmem:s5+$0x0]  }
.Ltmp33:
0x5ff: {  	_ = 	snop;
	(pc) =	sbr.rel .LBB2_51-.Ltmp33, $2  }
0x600: {  	_ =	sdelay $0x2  }
0x601: {  	[tilespmem:s1+$0x0] =	vst.add.f32.msk $0xffff, v0  }
.LBB2_44:
0x602: {  	p1 =	sgt.u32 s1, $0xC32FE  }
0x603: {  	p2 =	seq.s32 @!p1 s1, s8  }
0x604: {  	p1 =	por p1, p2  }
0x605: {  	p2 =	seq.s32 @!p1 s1, s7  }
0x606: {  	p1 =	por p1, p2  }
.Ltmp34:
0x607: {  	_ = 	snop;
	(pc) =	sbr.rel @p1 .LBB2_48-.Ltmp34, $1  }
0x608: {  	_ =	sdelay $0x3  }
0x609: {  	s2 =	sand.u32 $0xFFFF8, s1;
	s6 =	sand.u32 $0x7, s1  }
0x60a: {  	s28 =	sadd.s32 $0x80, s1;
	s5 =	sadd.s32 s4, s2;
	s2 =	simm.s32 $0x8A38  }
0x60b: {  	[tilespmem:s2], [sflag:$0x6] =	stream.linear.gather [hbm4b:s5+s6], $0x80, $0x38;
	[tilespmem:$0x16F28] =	vst v63  }
0x60c: {  	s5 =	sand.u32 $0x1FFFF8, s28  }
0x60d: {  	s29 =	sadd.s32 $0x100, s1;
	s5 =	sadd.s32 s4, s5  }
0x60e: {  	[tilespmem:s10], [sflag:$0x6] =	stream.linear.gather [hbm4b:s5+s6], $0x80, $0x38;
	[tilespmem:$0x16F28] =	vst v63  }
0x60f: {  	s5 =	sand.u32 $0x1FFFF8, s29  }
0x610: {  	s30 =	sadd.s32 $0x180, s1;
	s5 =	sadd.s32 s4, s5  }
0x611: {  	[tilespmem:s11], [sflag:$0x6] =	stream.linear.gather [hbm4b:s5+s6], $0x80, $0x38;
	[tilespmem:$0x16F28] =	vst v63  }
0x612: {  	s31 =	sadd.s32 $0x200, s1;
	s5 =	sand.u32 $0x1FFFF8, s30  }
0x613: {  	s1 =	sand.u32 $0x1FFFF8, s31;
	s5 =	sadd.s32 s4, s5  }
0x614: {  	[tilespmem:s12], [sflag:$0x6] =	stream.linear.gather [hbm4b:s5+s6], $0x80, $0x38;
	[tilespmem:$0x16F28] =	vst v63  }
0x615: {  	s1 =	sadd.s32 s4, s1  }
0x616: {  	[tilespmem:s13], [sflag:$0x6] =	stream.linear.gather [hbm4b:s1+s6], $0x10, $0x38;
	[tilespmem:$0x16F28] =	vst v63  }
0x617: {  	_ =	swait.ge [sflag:s0], $0x210  }
0x618: {  	[sflag:s0] =	ssyncset.done $0x0  }
0x619: {  	[sflag:s0] =	ssyncadd.s32 $0xFFFFFDF0  }
0x61a: {  	s5 =	smov.u32 s9;
	s1 =	simm.s32 $0x0;
	v1 =	vld [tilespmem:s2+$0x0]  }
.LBB2_46:
0x61b: {  	s1 =	sadd.s32 $0x10, s1  }
0x61c: {  	p1 =	slt.u32 s1, $0x200  }
.Ltmp35:
0x61d: {  	_ = 	snop;
	(pc) =	sbr.rel @p1 .LBB2_46-.Ltmp35, $3  }
0x61e: {  	_ =	sdelay $0x1  }
0x61f: {  	s2 =	sadd.s32 $0x10, s2;
	[tilespmem:s5+$0x0] =	vst.add.f32.msk $0xffff, v1;
	s5 =	sadd.s32 $0x10, s5  }
0x620: {  	v1 =	vld [tilespmem:s2+$0x0]  }
0x621: {  	_ =	sdelay $0x3  }
0x622: {  	[tilespmem:s5+$0x0] =	vst.add.f32.msk $0xffff, v1  }
.LBB2_48:
0x623: {  	s1 =	smul.u32 $0x840, s3;
	_ =	sdelay $0x1  }
0x624: {  	[tilespmem:s3+$0x8C58] =	vst.msk $0x1, v0;
	s1 =	sshra.s32 s1, $0x2  }
0x625: {  	s2 =	simm.s32 $0x0;
	s5 =	smov.u32 s9;
	v0 =	vld [tilespmem:s9+$0x0];
	s1 =	sadd.s32 $0x8C78, s1  }
.LBB2_49:
0x626: {  	s2 =	sadd.s32 $0x10, s2  }
0x627: {  	p1 =	slt.u32 s2, $0x200  }
.Ltmp36:
0x628: {  	_ = 	snop;
	(pc) =	sbr.rel @p1 .LBB2_49-.Ltmp36, $3  }
0x629: {  	_ =	sdelay $0x1  }
0x62a: {  	s5 =	sadd.s32 $0x10, s5;
	[tilespmem:s1+$0x0] =	vst v0;
	s1 =	sadd.s32 $0x10, s1  }
0x62b: {  	v0 =	vld [tilespmem:s5+$0x0]  }
.Ltmp37:
0x62c: {  	_ = 	snop;
	(pc) =	sbr.rel .LBB2_51-.Ltmp37, $2  }
0x62d: {  	_ =	sdelay $0x2  }
0x62e: {  	s3 =	sadd.s32 $0x1, s3;
	[tilespmem:s1+$0x0] =	vst v0  }
.LBB2_52:
0x62f: {  	s0 =	simm.s32 $0x6;
	p1 =	seq.s32 s3, $0x0  }
0x630: {  	[sflag:s0] =	ssyncpa.u1 $0x1;
	v0 =	vimm.s32 @p1 $0xFFFFFFFF  }
0x631: {  	s0 =	sadd.s32 $0xFFFFFFFF, s3;
	[tilespmem:$0xCE78] =	vst @p1 v0  }
0x632: {  	v0 =	vld.msk @!p1 [tilespmem:s0+$0x8C58], $0x1;
	_ =	sdelay $0x1  }
0x633: {  	v1 =	vld.msk @!p1 [tilespmem:$0x8C58], $0x1;
	_ =	sdelay $0x2  }
0x634: {  	p2 =	seq.s32 @!p1 s0, $0x0;
	v0 =	vbroadcast @!p1 v0, $0x0  }
0x635: {  	vm0 =	vmmov @!p1 $0x1;
	p3 =	por !p2, p1  }
0x636: {  	p2 =	sne.s32 @!p1 s8, s7;
	v1 =	vnsel @!p1 vm0, $0xFFFFFFFF, v1;
	vm0 =	vcmask @!p1 $0x308;
	v0 =	vpsel !p3, $0xFFFFFFFF, v0  }
0x637: {  	p3 =	por !p2, p1;
	v0 =	vsel @!p1 vm0, v1, v0  }
0x638: {  	s1 =	simm.s32 @!p1 $0x8C78;
	s2 =	simm.s32 @!p1 $0x0;
	s5 =	smul.u32 @!p3 $0x840, s0;
	[tilespmem:$0xCE78] =	vst @!p1 v0  }
0x639: {  	[spmem:s2] =	stream.linear.scatter @!p1 [tilespmem:s1], [sflag:$0x1], $0x210, $0x38;
	[tilespmem:$0x16F28] =	vst v63  }
0x63a: {  	s1 =	sshra.s32 @!p3 s5, $0x2  }
0x63b: {  	s2 =	simm.s32 @!p3 $0x210;
	s1 =	sadd.s32 @!p3 $0x8C78, s1  }
0x63c: {  	[spmem:s2] =	stream.linear.scatter @!p3 [tilespmem:s1], [sflag:$0x1], $0x210, $0x38;
	[tilespmem:$0x16F28] =	vst v63  }
0x63d: {  	s1 =	simm.s32 @!p3 $0x1  }
0x63e: {  	_ =	swait.ge @!p3 [sflag:s1], $0x420  }
0x63f: {  	p1 =	por p2, p1;
	[sflag:s1] =	ssyncset.done @!p3 $0x0  }
0x640: {  	[sflag:s1] =	ssyncadd.s32 @!p3 $0xFFFFFBE0;
	s1 =	simm.s32 @!p1 $0x1  }
0x641: {  	_ =	swait.ge @!p1 [sflag:s1], $0x210  }
0x642: {  	s29 =	simm.s32 $0xCE78;
	[sflag:s1] =	ssyncset.done @!p1 $0x0  }
0x643: {  	s30 =	simm.s32 $0x4200;
	s31 =	simm.s32 $0x1;
	[sflag:s1] =	ssyncadd.s32 @!p1 $0xFFFFFDF0  }
0x644: {  	[spmem:s30] =	stream.linear.scatter [tilespmem:s29], [sflag:$0x1], $0x10, $0x38;
	[tilespmem:$0x16F28] =	vst v63  }
0x645: {  	_ =	swait.ge [sflag:s31], $0x10  }
0x646: {  	[sflag:s31] =	ssyncset.done $0x0  }
0x647: {  	p1 =	seq.s32 s18, $0x0;
	s9 =	rddreg [dreg:$0x1];
	[sflag:s31] =	ssyncadd.s32 $0xFFFFFFF0  }
0x648: {  	s2 =	sshll.u32 @p1 s9, $0xE;
	s8 =	rddreg [dreg:$0x2]  }
0x649: {  	s1 =	sadd.s32 @p1 $0x15C3C, s2;
	s2 =	sshll.u32 @p1 s8, $0x11  }
0x64a: {  	_ =	sfence.stream.spmem;
	s1 =	sor.u32 @p1 s2, s1  }
0x64b: {  	[sflag:s1] =	ssyncadd.remote.s32 @p1 $0x1;
	s1 =	simm.s32 @p1 $0x4  }
0x64c: {  	s5 =	simm.s32 @!p1 $0x3C;
	s2 =	sand.u32 $0xFFFFFFFE, s9;
	_ =	swait.ge @p1 [sflag:s1], $0x86  }
0x64d: {  	s6 =	simm.s32 @!p1 $0x0;
	s2 =	sadd.s32 @!p1 $0x4, s2;
	[sflag:s1] =	ssyncset.done @p1 $0x0  }
0x64e: {  	s7 =	simm.s32 @!p1 $0x420;
	[sflag:s1] =	ssyncadd.s32 @p1 $0xFFFFFF7A;
	s1 =	sshll.u32 @!p1 s2, $0x1A  }
0x64f: {  	s2 =	sshll.u32 @!p1 s2, $0xD;
	s1 =	sor.u32 @!p1 s1, s8;
	_ =	swait.eq @!p1 [sflag:s5], $0x1  }
0x650: {  	s2 =	sor.u32 @!p1 $0x1C04, s2;
	s5 =	simm.s32 @!p1 $0x1C03;
	s1 =	sor.u32 @!p1 $0x80004000, s1  }
0x651: {  	[spmem:s7], [sflag:s2] =	dma.general @!p1 [spmem:s6], [sflag:s5], length:$0x84, [dreg:$0x0], stride_count:$0x0, ici_dest:s1, dma_misc:DstOpCode:WRITE  }
0x652: {  	p2 =	slt.s32 s0, $0x2;
	s6 =	simm.s32 @!p1 $0x840;
	s7 =	simm.s32 @!p1 $0x842  }
0x653: {  	[spmem:s7], [sflag:s2] =	dma.general @!p1 [spmem:s6], [sflag:s5], length:$0x2, [dreg:$0x0], stride_count:$0x0, ici_dest:s1, dma_misc:DstOpCode:WRITE  }
.Ltmp38:
0x654: {  	s1 =	simm.s32 @!p1 $0x3;
	(pc) =	sbr.rel @p2 .LBB2_56-.Ltmp38, $4  }
0x655: {  	s2 =	sshll.u32 @!p1 s9, $0xE;
	_ =	swait.ge @!p1 [sflag:s1], $0x86  }
0x656: {  	s5 =	sshll.u32 @!p1 s8, $0x11;
	s2 =	sadd.s32 @!p1 $0x11C3C, s2;
	[sflag:s1] =	ssyncset.done @!p1 $0x0  }
0x657: {  	[sflag:s1] =	ssyncadd.s32 @!p1 $0xFFFFFF7A;
	s1 =	sor.u32 @!p1 s5, s2  }
0x658: {  	s0 =	simm.s32 $0x0;
	[sflag:s1] =	ssyncadd.remote.s32 @!p1 $0xFFFFFFFF  }
0x659: {  	s0 =	simm.s32 $0x8C59  }
0x65a: {  	v0 =	vld.msk [tilespmem:s0+$0x0], $0x1;
	_ =	sdelay $0x4  }
0x65b: {  	(v2sf) =	vpush v0, $0x0;
	_ =	sdelay $0xe  }
0x65c: {  	s2 =	sadd.s32 $0xFFFFFFFE, s3;
	s5 =	spop (v2sf)  }
0x65d: {  	s0 =	simm.s32 $0x8E88;
	s2 =	sadd.s32 $0xFFFFFFFF, s2;
	p1 =	sgt.u32 s5, $0xC32FE  }
0x65e: {  	s1 =	sand.u32 @!p1 $0xFFFF8, s5;
	s3 =	sadd.s32 @!p1 $0x80, s5;
	s6 =	sadd.s32 @!p1 $0x100, s5  }
0x65f: {  	s7 =	sand.u32 @!p1 $0x7, s5;
	s1 =	sadd.s32 @!p1 s4, s1;
	s3 =	sand.u32 @!p1 $0x1FFFF8, s3  }
0x660: {  	[hbm4b:s1+s7] =	stream.linear.scatter @!p1 [tilespmem:s0], [sflag:$0x5], $0x80, $0x38;
	[tilespmem:$0x16F28] =	vst v63  }
0x661: {  	s6 =	sand.u32 @!p1 $0x1FFFF8, s6;
	s1 =	simm.s32 @!p1 $0x8F08;
	s3 =	sadd.s32 @!p1 s4, s3  }
0x662: {  	[hbm4b:s3+s7] =	stream.linear.scatter @!p1 [tilespmem:s1], [sflag:$0x5], $0x80, $0x38;
	[tilespmem:$0x16F28] =	vst v63  }
0x663: {  	p2 =	sne.s32 s2, $0x0;
	s1 =	simm.s32 @!p1 $0x8F88;
	s3 =	sadd.s32 @!p1 s4, s6  }
0x664: {  	[hbm4b:s3+s7] =	stream.linear.scatter @!p1 [tilespmem:s1], [sflag:$0x5], $0x80, $0x38;
	[tilespmem:$0x16F28] =	vst v63  }
.Ltmp39:
0x665: {  	s8 =	sadd.s32 @!p1 $0x200, s5;
	s6 =	sadd.s32 @!p1 $0x180, s5;
	(pc) =	sbr.rel @!p2 .LBB2_55-.Ltmp39, $4  }
0x666: {  	s8 =	sand.u32 @!p1 $0x1FFFF8, s8;
	s5 =	simm.s32 $0x0;
	s3 =	sand.u32 @!p1 $0x1FFFF8, s6  }
0x667: {  	s5 =	simm.s32 @!p1 $0x840;
	s6 =	simm.s32 @!p1 $0x9008;
	s3 =	sadd.s32 @!p1 s4, s3  }
0x668: {  	[hbm4b:s3+s7] =	stream.linear.scatter @!p1 [tilespmem:s6], [sflag:$0x5], $0x80, $0x38;
	[tilespmem:$0x16F28] =	vst v63  }
0x669: {  	s1 =	simm.s32 $0x0;
	s3 =	simm.s32 $0x8C5A;
	s6 =	simm.s32 $0x9098  }
.LBB2_54:
0x66a: {  	s0 =	sadd.s32 @!p1 $0x200, s0;
	s8 =	sadd.s32 @!p1 s4, s8;
	s1 =	sadd.s32 s1, s5  }
0x66b: {  	[hbm4b:s8+s7] =	stream.linear.scatter @!p1 [tilespmem:s0], [sflag:$0x5], $0x10, $0x38;
	[tilespmem:$0x16F28] =	vst v63  }
0x66c: {  	s2 =	sadd.s32 $0xFFFFFFFF, s2;
	s0 =	smov.u32 s6;
	v0 =	vld.msk [tilespmem:s3+$0x0], $0x1  }
0x66d: {  	p2 =	sne.s32 s2, $0x0;
	_ =	sdelay $0x3  }
0x66e: {  	(v2sf) =	vpush v0, $0x0;
	_ =	sdelay $0xe  }
0x66f: {  	s5 =	spop (v2sf)  }
0x670: {  	s6 =	sadd.s32 $0x210, s6;
	s3 =	sadd.s32 $0x1, s3;
	p1 =	sgt.u32 s5, $0xC32FE  }
0x671: {  	s7 =	sand.u32 @!p1 $0xFFFF8, s5;
	s8 =	sadd.s32 @!p1 $0x80, s5;
	s9 =	sadd.s32 @!p1 $0x100, s5  }
0x672: {  	s10 =	sadd.s32 @!p1 s4, s7;
	s7 =	sand.u32 @!p1 $0x7, s5;
	s8 =	sand.u32 @!p1 $0x1FFFF8, s8  }
0x673: {  	[hbm4b:s10+s7] =	stream.linear.scatter @!p1 [tilespmem:s0], [sflag:$0x5], $0x80, $0x38;
	[tilespmem:$0x16F28] =	vst v63  }
0x674: {  	s9 =	sand.u32 @!p1 $0x1FFFF8, s9;
	s10 =	sadd.s32 @!p1 $0x80, s0;
	s8 =	sadd.s32 @!p1 s4, s8  }
0x675: {  	[hbm4b:s8+s7] =	stream.linear.scatter @!p1 [tilespmem:s10], [sflag:$0x5], $0x80, $0x38;
	[tilespmem:$0x16F28] =	vst v63  }
0x676: {  	s9 =	sadd.s32 @!p1 s4, s9;
	s8 =	sadd.s32 @!p1 $0x100, s0;
	s10 =	sadd.s32 @!p1 $0x180, s5  }
0x677: {  	[hbm4b:s9+s7] =	stream.linear.scatter @!p1 [tilespmem:s8], [sflag:$0x5], $0x80, $0x38;
	[tilespmem:$0x16F28] =	vst v63  }
.Ltmp40:
0x678: {  	_ = 	snop;
	(pc) =	sbr.rel @p2 .LBB2_54-.Ltmp40, $4  }
0x679: {  	s9 =	sadd.s32 @!p1 $0x180, s0  }
0x67a: {  	s8 =	sand.u32 @!p1 $0x1FFFF8, s10;
	s10 =	sadd.s32 @!p1 $0x200, s5;
	s5 =	simm.s32 $0x0  }
0x67b: {  	s5 =	simm.s32 @!p1 $0x840;
	s11 =	sadd.s32 @!p1 s4, s8;
	s8 =	sand.u32 @!p1 $0x1FFFF8, s10  }
0x67c: {  	[hbm4b:s11+s7] =	stream.linear.scatter @!p1 [tilespmem:s9], [sflag:$0x5], $0x80, $0x38;
	[tilespmem:$0x16F28] =	vst v63  }
.LBB2_55:
0x67d: {  	s0 =	sadd.s32 @!p1 $0x200, s0;
	s2 =	sadd.s32 @!p1 s4, s8;
	s31 =	sadd.s32 s1, s5  }
0x67e: {  	[hbm4b:s2+s7] =	stream.linear.scatter @!p1 [tilespmem:s0], [sflag:$0x5], $0x10, $0x38;
	[tilespmem:$0x16F28] =	vst v63  }
0x67f: {  	s0 =	sshrl.u32 s31, $0x2  }
.LBB2_56:
0x680: {  	s1 =	simm.s32 $0x5  }
0x681: {  	_ =	swait.ge [sflag:s1], s0  }
0x682: {  	s31 =	ssub.s32 $0x0, s0;
	[sflag:s1] =	ssyncset.done $0x0  }
0x683: {  	[sflag:s1] =	ssyncadd.s32 s31  }
0x684: {  	[sflag:s1] =	ssyncpa.u1 $0x1  }
.LBB2_57:
0x685: {  	s0 =	sor.u32 s18, s17  }
0x686: {  	p1 =	sne.s32 s0, $0x0  }
.Ltmp41:
0x687: {  	_ = 	snop;
	(pc) =	sbr.rel @p1 .LBB2_80-.Ltmp41, $3  }
0x688: {  	_ =	sdelay $0x1  }
0x689: {  	[bflag:$0x0] =	sbarrier.arrive $0xFFFF  }
0x68a: {  	_ =	sfence  }
0x68b: {  	s2 =	simm.s32 $0x7  }
0x68c: {  	s0 =	simm.s32 $0x4200;
	s1 =	simm.s32 $0x8C58;
	[sflag:s2] =	ssyncpa.u1 $0x0  }
0x68d: {  	[tilespmem:s1], [sflag:$0x7] =	stream.linear.gather [spmem:s0], $0x20, $0x38;
	[tilespmem:$0x16F28] =	vst v63  }
0x68e: {  	s1 =	simm.s32 $0x0;
	s0 =	simm.s32 $0x8C78  }
0x68f: {  	[tilespmem:s0], [sflag:$0x7] =	stream.linear.gather [spmem:s1], $0x4200, $0x38;
	[tilespmem:$0x16F28] =	vst v63  }
.Ltmp42:
0x690: {  	_ = 	snop;
	(pc) =	sbr.rel .LBB2_59-.Ltmp42, $4  }
0x691: {  	_ =	swait.ge [sflag:s2], $0x4220  }
0x692: {  	s3 =	simm.s32 $0x8AB8;
	s5 =	simm.s32 $0x8B38;
	[sflag:s2] =	ssyncset.done $0x0  }
0x693: {  	s6 =	simm.s32 $0x8BB8;
	[sflag:s2] =	ssyncadd.s32 $0xFFFFBDE0;
	s2 =	simm.s32 $0x8  }
0x694: {  	s7 =	simm.s32 $0x8C38;
	s8 =	simm.s32 $0x0;
	[sflag:s2] =	ssyncpa.u1 $0x0  }
.LBB2_74:
0x695: {  	s8 =	sadd.s32 $0x1, s8  }
0x696: {  	p1 =	sne.s32 s8, $0x20  }
.Ltmp43:
0x697: {  	_ = 	snop;
	(pc) =	sbr.rel @!p1 .LBB2_75-.Ltmp43, $2  }
0x698: {  	_ =	sdelay $0x2  }
0x699: {  	s0 =	sadd.s32 $0x210, s0  }
.LBB2_59:
0x69a: {  	v0 =	vld.msk [tilespmem:s8+$0x8C58], $0x1;
	_ =	sdelay $0x4  }
0x69b: {  	(v2sf) =	vpush v0, $0x0;
	_ =	sdelay $0xe  }
0x69c: {  	s9 =	spop (v2sf)  }
0x69d: {  	p1 =	seq.s32 s9, $0xFFFFFFFF  }
.Ltmp44:
0x69e: {  	_ = 	snop;
	(pc) =	sbr.rel @p1 .LBB2_74-.Ltmp44, $1  }
0x69f: {  	_ =	sdelay $0x3  }
0x6a0: {  	p1 =	slt.s32 s1, $0x1  }
.Ltmp45:
0x6a1: {  	_ = 	snop;
	(pc) =	sbr.rel @p1 .LBB2_67-.Ltmp45, $1  }
0x6a2: {  	_ =	sdelay $0x3  }
0x6a3: {  	s10 =	simm.s32 $0x8C58;
	p1 =	por $0x0, $0x0  }
0x6a4: {  	v1 =	vld.msk @!p1 [tilespmem:s10+$0x0], $0x1;
	_ =	sdelay $0x4  }
0x6a5: {  	(v2sf) =	vpush @!p1 v1, $0x0;
	_ =	sdelay $0xd  }
0x6a6: {  	p3 =	sne.s32 s1, $0x1  }
.Ltmp46:
0x6a7: {  	s11 =	spop @!p1 (v2sf);
	(pc) =	sbr.rel @!p3 .LBB2_63-.Ltmp46, $4  }
0x6a8: {  	p2 =	seq.s32 @!p1 s9, s11  }
0x6a9: {  	s11 =	simm.s32 $0x0;
	p2 =	por !p2, p1  }
0x6aa: {  	s13 =	simm.s32 $0xFFFFFFFF;
	s11 =	simm.s32 @p2 $0xFFFFFFFF  }
0x6ab: {  	s12 =	simm.s32 $0x1;
	s11 =	smov.u32 @p1 s13  }
.LBB2_62:
0x6ac: {  	s13 =	smov.u32 s11;
	p1 =	sne.s32 s11, $0xFFFFFFFF  }
0x6ad: {  	s10 =	sadd.s32 $0x1, s10;
	s11 =	smov.u32 s12;
	s12 =	sadd.s32 $0x1, s12  }
0x6ae: {  	p2 =	sne.s32 s1, s12;
	v1 =	vld.msk @!p1 [tilespmem:s10+$0x0], $0x1;
	_ =	sdelay $0x4  }
0x6af: {  	(v2sf) =	vpush @!p1 v1, $0x0;
	_ =	sdelay $0xe  }
.Ltmp47:
0x6b0: {  	s14 =	spop @!p1 (v2sf);
	(pc) =	sbr.rel @p2 .LBB2_62-.Ltmp47, $4  }
0x6b1: {  	p3 =	seq.s32 @!p1 s9, s14  }
0x6b2: {  	p3 =	por !p3, p1  }
0x6b3: {  	s11 =	simm.s32 @p3 $0xFFFFFFFF  }
0x6b4: {  	s11 =	smov.u32 @p1 s13  }
.LBB2_63:
0x6b5: {  	p1 =	seq.s32 s11, $0xFFFFFFFF  }
.Ltmp48:
0x6b6: {  	_ = 	snop;
	(pc) =	sbr.rel @p1 .LBB2_67-.Ltmp48, $1  }
0x6b7: {  	_ =	sdelay $0x3  }
0x6b8: {  	s9 =	smul.u32 $0x840, s11;
	_ =	sdelay $0x1  }
0x6b9: {  	s9 =	sshra.s32 s9, $0x2  }
0x6ba: {  	s10 =	simm.s32 $0x0;
	v0 =	vld [tilespmem:s0+$0x0];
	s11 =	smov.u32 s0;
	s9 =	sadd.s32 $0x8C78, s9  }
.LBB2_65:
0x6bb: {  	s10 =	sadd.s32 $0x10, s10  }
0x6bc: {  	p1 =	slt.u32 s10, $0x200  }
.Ltmp49:
0x6bd: {  	_ = 	snop;
	(pc) =	sbr.rel @p1 .LBB2_65-.Ltmp49, $3  }
0x6be: {  	_ =	sdelay $0x1  }
0x6bf: {  	s11 =	sadd.s32 $0x10, s11;
	[tilespmem:s9+$0x0] =	vst.add.f32.msk $0xffff, v0;
	s9 =	sadd.s32 $0x10, s9  }
0x6c0: {  	v0 =	vld [tilespmem:s11+$0x0]  }
.Ltmp50:
0x6c1: {  	_ = 	snop;
	(pc) =	sbr.rel .LBB2_74-.Ltmp50, $2  }
0x6c2: {  	_ =	sdelay $0x2  }
0x6c3: {  	[tilespmem:s9+$0x0] =	vst.add.f32.msk $0xffff, v0  }
.LBB2_67:
0x6c4: {  	p1 =	sgt.u32 s9, $0xC32FE  }
.Ltmp51:
0x6c5: {  	_ = 	snop;
	(pc) =	sbr.rel @p1 .LBB2_71-.Ltmp51, $1  }
0x6c6: {  	_ =	sdelay $0x3  }
0x6c7: {  	s10 =	sand.u32 $0xFFFF8, s9;
	s12 =	sand.u32 $0x7, s9  }
0x6c8: {  	s28 =	sadd.s32 $0x80, s9;
	s11 =	sadd.s32 s4, s10;
	s10 =	simm.s32 $0x8A38  }
0x6c9: {  	[tilespmem:s10], [sflag:$0x8] =	stream.linear.gather [hbm4b:s11+s12], $0x80, $0x38;
	[tilespmem:$0x16F28] =	vst v63  }
0x6ca: {  	s11 =	sand.u32 $0x1FFFF8, s28  }
0x6cb: {  	s29 =	sadd.s32 $0x100, s9;
	s11 =	sadd.s32 s4, s11  }
0x6cc: {  	[tilespmem:s3], [sflag:$0x8] =	stream.linear.gather [hbm4b:s11+s12], $0x80, $0x38;
	[tilespmem:$0x16F28] =	vst v63  }
0x6cd: {  	s11 =	sand.u32 $0x1FFFF8, s29  }
0x6ce: {  	s30 =	sadd.s32 $0x180, s9;
	s11 =	sadd.s32 s4, s11  }
0x6cf: {  	[tilespmem:s5], [sflag:$0x8] =	stream.linear.gather [hbm4b:s11+s12], $0x80, $0x38;
	[tilespmem:$0x16F28] =	vst v63  }
0x6d0: {  	s31 =	sadd.s32 $0x200, s9;
	s11 =	sand.u32 $0x1FFFF8, s30  }
0x6d1: {  	s9 =	sand.u32 $0x1FFFF8, s31;
	s11 =	sadd.s32 s4, s11  }
0x6d2: {  	[tilespmem:s6], [sflag:$0x8] =	stream.linear.gather [hbm4b:s11+s12], $0x80, $0x38;
	[tilespmem:$0x16F28] =	vst v63  }
0x6d3: {  	s9 =	sadd.s32 s4, s9  }
0x6d4: {  	[tilespmem:s7], [sflag:$0x8] =	stream.linear.gather [hbm4b:s9+s12], $0x10, $0x38;
	[tilespmem:$0x16F28] =	vst v63  }
0x6d5: {  	_ =	swait.ge [sflag:s2], $0x210  }
0x6d6: {  	[sflag:s2] =	ssyncset.done $0x0  }
0x6d7: {  	[sflag:s2] =	ssyncadd.s32 $0xFFFFFDF0  }
0x6d8: {  	s11 =	smov.u32 s0;
	s9 =	simm.s32 $0x0;
	v1 =	vld [tilespmem:s10+$0x0]  }
.LBB2_69:
0x6d9: {  	s9 =	sadd.s32 $0x10, s9  }
0x6da: {  	p1 =	slt.u32 s9, $0x200  }
.Ltmp52:
0x6db: {  	_ = 	snop;
	(pc) =	sbr.rel @p1 .LBB2_69-.Ltmp52, $3  }
0x6dc: {  	_ =	sdelay $0x1  }
0x6dd: {  	s10 =	sadd.s32 $0x10, s10;
	[tilespmem:s11+$0x0] =	vst.add.f32.msk $0xffff, v1;
	s11 =	sadd.s32 $0x10, s11  }
0x6de: {  	v1 =	vld [tilespmem:s10+$0x0]  }
0x6df: {  	_ =	sdelay $0x3  }
0x6e0: {  	[tilespmem:s11+$0x0] =	vst.add.f32.msk $0xffff, v1  }
.LBB2_71:
0x6e1: {  	s9 =	smul.u32 $0x840, s1;
	_ =	sdelay $0x1  }
0x6e2: {  	[tilespmem:s1+$0x8C58] =	vst.msk $0x1, v0;
	s9 =	sshra.s32 s9, $0x2  }
0x6e3: {  	s10 =	simm.s32 $0x0;
	s11 =	smov.u32 s0;
	v0 =	vld [tilespmem:s0+$0x0];
	s9 =	sadd.s32 $0x8C78, s9  }
.LBB2_72:
0x6e4: {  	s10 =	sadd.s32 $0x10, s10  }
0x6e5: {  	p1 =	slt.u32 s10, $0x200  }
.Ltmp53:
0x6e6: {  	_ = 	snop;
	(pc) =	sbr.rel @p1 .LBB2_72-.Ltmp53, $3  }
0x6e7: {  	_ =	sdelay $0x1  }
0x6e8: {  	s11 =	sadd.s32 $0x10, s11;
	[tilespmem:s9+$0x0] =	vst v0;
	s9 =	sadd.s32 $0x10, s9  }
0x6e9: {  	v0 =	vld [tilespmem:s11+$0x0]  }
.Ltmp54:
0x6ea: {  	_ = 	snop;
	(pc) =	sbr.rel .LBB2_74-.Ltmp54, $2  }
0x6eb: {  	_ =	sdelay $0x2  }
0x6ec: {  	s1 =	sadd.s32 $0x1, s1;
	[tilespmem:s9+$0x0] =	vst v0  }
.LBB2_75:
0x6ed: {  	p1 =	slt.s32 s1, $0x1  }
.Ltmp55:
0x6ee: {  	_ = 	snop;
	(pc) =	sbr.rel @p1 .LBB2_79-.Ltmp55, $3  }
0x6ef: {  	_ =	sdelay $0x1  }
0x6f0: {  	s0 =	simm.s32 $0x8  }
0x6f1: {  	[sflag:s0] =	ssyncpa.u1 $0x1;
	s0 =	simm.s32 $0x0  }
0x6f2: {  	s2 =	simm.s32 $0x8C58  }
0x6f3: {  	v0 =	vld.msk [tilespmem:s2+$0x0], $0x1;
	_ =	sdelay $0x4  }
0x6f4: {  	(v2sf) =	vpush v0, $0x0;
	_ =	sdelay $0xe  }
0x6f5: {  	s1 =	sadd.s32 $0xFFFFFFFF, s1;
	s5 =	spop (v2sf)  }
0x6f6: {  	s2 =	simm.s32 $0x8C78;
	p2 =	sne.s32 s1, $0x0;
	p1 =	sgt.u32 s5, $0xC32FE  }
0x6f7: {  	s3 =	sand.u32 @!p1 $0xFFFF8, s5;
	s7 =	sadd.s32 @!p1 $0x80, s5;
	s8 =	sadd.s32 @!p1 $0x100, s5  }
0x6f8: {  	s6 =	sand.u32 @!p1 $0x7, s5;
	s3 =	sadd.s32 @!p1 s4, s3;
	s7 =	sand.u32 @!p1 $0x1FFFF8, s7  }
0x6f9: {  	[hbm4b:s3+s6] =	stream.linear.scatter @!p1 [tilespmem:s2], [sflag:$0x7], $0x80, $0x38;
	[tilespmem:$0x16F28] =	vst v63  }
0x6fa: {  	s8 =	sand.u32 @!p1 $0x1FFFF8, s8;
	s3 =	simm.s32 @!p1 $0x8CF8;
	s7 =	sadd.s32 @!p1 s4, s7  }
0x6fb: {  	[hbm4b:s7+s6] =	stream.linear.scatter @!p1 [tilespmem:s3], [sflag:$0x7], $0x80, $0x38;
	[tilespmem:$0x16F28] =	vst v63  }
0x6fc: {  	s3 =	simm.s32 @!p1 $0x8D78;
	s7 =	sadd.s32 @!p1 s4, s8;
	s8 =	sadd.s32 @!p1 $0x180, s5  }
0x6fd: {  	[hbm4b:s7+s6] =	stream.linear.scatter @!p1 [tilespmem:s3], [sflag:$0x7], $0x80, $0x38;
	[tilespmem:$0x16F28] =	vst v63  }
.Ltmp56:
0x6fe: {  	s3 =	sand.u32 @!p1 $0x1FFFF8, s8;
	(pc) =	sbr.rel @!p2 .LBB2_78-.Ltmp56, $4  }
0x6ff: {  	s7 =	simm.s32 $0x0;
	s8 =	simm.s32 @!p1 $0x8DF8;
	s3 =	sadd.s32 @!p1 s4, s3  }
0x700: {  	[hbm4b:s3+s6] =	stream.linear.scatter @!p1 [tilespmem:s8], [sflag:$0x7], $0x80, $0x38;
	[tilespmem:$0x16F28] =	vst v63  }
0x701: {  	s7 =	simm.s32 @!p1 $0x840;
	s8 =	sadd.s32 @!p1 $0x200, s5  }
0x702: {  	s3 =	simm.s32 $0x8C59;
	s5 =	simm.s32 $0x8E88;
	s8 =	sand.u32 @!p1 $0x1FFFF8, s8  }
.LBB2_77:
0x703: {  	s2 =	sadd.s32 @!p1 $0x200, s2;
	s8 =	sadd.s32 @!p1 s4, s8;
	s0 =	sadd.s32 s0, s7  }
0x704: {  	[hbm4b:s8+s6] =	stream.linear.scatter @!p1 [tilespmem:s2], [sflag:$0x7], $0x10, $0x38;
	[tilespmem:$0x16F28] =	vst v63  }
0x705: {  	s1 =	sadd.s32 $0xFFFFFFFF, s1;
	s2 =	smov.u32 s5;
	v0 =	vld.msk [tilespmem:s3+$0x0], $0x1  }
0x706: {  	p2 =	sne.s32 s1, $0x0;
	_ =	sdelay $0x3  }
0x707: {  	(v2sf) =	vpush v0, $0x0;
	_ =	sdelay $0xe  }
0x708: {  	s7 =	spop (v2sf)  }
0x709: {  	s5 =	sadd.s32 $0x210, s5;
	s3 =	sadd.s32 $0x1, s3;
	p1 =	sgt.u32 s7, $0xC32FE  }
0x70a: {  	s6 =	sand.u32 @!p1 $0xFFFF8, s7;
	s8 =	sadd.s32 @!p1 $0x80, s7;
	s9 =	sadd.s32 @!p1 $0x100, s7  }
0x70b: {  	s10 =	sadd.s32 @!p1 s4, s6;
	s6 =	sand.u32 @!p1 $0x7, s7;
	s8 =	sand.u32 @!p1 $0x1FFFF8, s8  }
0x70c: {  	[hbm4b:s10+s6] =	stream.linear.scatter @!p1 [tilespmem:s2], [sflag:$0x7], $0x80, $0x38;
	[tilespmem:$0x16F28] =	vst v63  }
0x70d: {  	s9 =	sand.u32 @!p1 $0x1FFFF8, s9;
	s10 =	sadd.s32 @!p1 $0x80, s2;
	s8 =	sadd.s32 @!p1 s4, s8  }
0x70e: {  	[hbm4b:s8+s6] =	stream.linear.scatter @!p1 [tilespmem:s10], [sflag:$0x7], $0x80, $0x38;
	[tilespmem:$0x16F28] =	vst v63  }
0x70f: {  	s9 =	sadd.s32 @!p1 s4, s9;
	s8 =	sadd.s32 @!p1 $0x100, s2;
	s10 =	sadd.s32 @!p1 $0x180, s7  }
0x710: {  	[hbm4b:s9+s6] =	stream.linear.scatter @!p1 [tilespmem:s8], [sflag:$0x7], $0x80, $0x38;
	[tilespmem:$0x16F28] =	vst v63  }
.Ltmp57:
0x711: {  	_ = 	snop;
	(pc) =	sbr.rel @p2 .LBB2_77-.Ltmp57, $4  }
0x712: {  	s9 =	sadd.s32 @!p1 $0x180, s2  }
0x713: {  	s8 =	sand.u32 @!p1 $0x1FFFF8, s10;
	s10 =	sadd.s32 @!p1 $0x200, s7;
	s7 =	simm.s32 $0x0  }
0x714: {  	s7 =	simm.s32 @!p1 $0x840;
	s11 =	sadd.s32 @!p1 s4, s8;
	s8 =	sand.u32 @!p1 $0x1FFFF8, s10  }
0x715: {  	[hbm4b:s11+s6] =	stream.linear.scatter @!p1 [tilespmem:s9], [sflag:$0x7], $0x80, $0x38;
	[tilespmem:$0x16F28] =	vst v63  }
.LBB2_78:
0x716: {  	s1 =	sadd.s32 @!p1 $0x200, s2;
	s2 =	sadd.s32 @!p1 s4, s8;
	s0 =	sadd.s32 s0, s7  }
0x717: {  	[hbm4b:s2+s6] =	stream.linear.scatter @!p1 [tilespmem:s1], [sflag:$0x7], $0x10, $0x38;
	[tilespmem:$0x16F28] =	vst v63  }
0x718: {  	s0 =	sshrl.u32 s0, $0x2  }
.LBB2_79:
0x719: {  	s1 =	simm.s32 $0x7  }
0x71a: {  	_ =	swait.ge [sflag:s1], s0  }
0x71b: {  	s31 =	ssub.s32 $0x0, s0;
	[sflag:s1] =	ssyncset.done $0x0  }
0x71c: {  	[sflag:s1] =	ssyncadd.s32 s31  }
0x71d: {  	[sflag:s1] =	ssyncpa.u1 $0x1  }
.LBB2_80:
0x71e: {  	_ =	sfence;
	s0 =	simm.s32 $0x1  }
0x71f: {  	[sflag:s0] =	ssyncpa.u1 $0x1  }
0x720: {  	_ =	strace $0x9000004A  }
0x721: {  	[bflag:$0x2] =	sbarrier.arrive $0xFFFF  }
0x722: {  	s0 =	rddreg [dreg:$0x3]  }
0x723: {  	s0 =	sadd.s32 @!p0 $0x100000, s0  }
0x724: {  	[sflag:s0] =	ssyncadd.tile.s32 @!p0 $0x1;
	_ =	shalt  }
.Lfunc_end2:
_tile_overlayer_lowered:
.L_overlay_start_2:
0x725: {  	(tag) =	ssettag $0x2  }
0x726: {  	s0 =	rddreg [dreg:$0x0];
	s2 =	stileid.u32  }
0x727: {  	s1 =	rddreg [dreg:$0x1];
	p0 =	sne.s32 s2, $0x0  }
0x728: {  	s3 =	rddreg [dreg:$0x2];
	[bflag:$0x3] =	sbarrier.arrive $0xFFFF;
	s2 =	simm.s32 @!p0 $0x1C01  }
0x729: {  	[timem:s3], [sflag:s2] =	dma.local @!p0 [hbm:s0], s1  }
0x72a: {  	s0 =	simm.s32 @!p0 $0x1  }
0x72b: {  	_ =	swait.ge @!p0 [sflag:s0], s1  }
0x72c: {  	s1 =	ssub.s32 @!p0 $0x0, s1;
	[sflag:s0] =	ssyncset.done @!p0 $0x0  }
0x72d: {  	[sflag:s0] =	ssyncadd.s32 @!p0 s1  }
0x72e: {  	[bflag:$0x3] =	sbarrier.arrive $0xFFFF  }
0x72f: {  	_ =	shalt  }

</sc_bundles>
